<compile_context>
chip_gen: v7x
topology: tpu7x:2x2x1
jax: 0.10.2.dev20260603
libtpu: 0.0.44.dev20260713+nightly
codegen_flags: <defaults>
</compile_context>

<pallas_src>
import functools

import jax
import jax.numpy as jnp
from jax import lax
from jax.experimental import pallas as pl
from jax.experimental.pallas import tpu as pltpu
from jax.experimental.pallas import tpu_sc as plsc

_N_NODES = 10000
_N_EDGES = 320000
_D = 192
_N_GRAPHS = 16
_OUT_DIM = 3

_NC = 2
_NS = 16
_NW = _NC * _NS
_CHUNK = 80

_E_SC = 51200
_E_TC = _N_EDGES - _E_SC
_EPW = _E_SC // _NW
_NCHUNK = _EPW // _CHUNK

_BLOCK_E = 6400
_GRID = _E_TC // _BLOCK_E


def _sc_body(eb_hbm, idx_hbm, batch_hbm, out_hbm,
             batch_v, idx_v, g1_v, rows_v, acc_v, sem_in):
    cid = lax.axis_index("c")
    sid = lax.axis_index("s")
    wid = sid * _NC + cid
    base = _E_TC + wid * _EPW

    pltpu.sync_copy(batch_hbm, batch_v)
    pltpu.sync_copy(idx_hbm.at[pl.ds(base, _EPW)], idx_v)

    zeros16 = jnp.zeros((16,), jnp.float32)
    for g in range(_N_GRAPHS):
        for k in range(_D // 16):
            acc_v[g, pl.ds(k * 16, 16)] = zeros16

    def _gather(j, carry):
        iv = idx_v[pl.ds(j * 16, 16)]
        g1_v[pl.ds(j * 16, 16)] = plsc.load_gather(batch_v, [iv])
        return carry

    lax.fori_loop(0, _EPW // 16, _gather, 0)

    iota16 = lax.iota(jnp.int32, 16)
    col_off = [iota16 + k * 16 for k in range(_D // 16)]

    pltpu.async_copy(eb_hbm.at[pl.ds(base, _CHUNK)], rows_v.at[0], sem_in)

    def _chunk(c, carry):
        buf = lax.rem(c, 2)

        @pl.when(c + 1 < _NCHUNK)
        def _():
            pltpu.async_copy(
                eb_hbm.at[pl.ds(base + (c + 1) * _CHUNK, _CHUNK)],
                rows_v.at[1 - buf],
                sem_in,
            )

        pltpu.make_async_copy(
            eb_hbm.at[pl.ds(base + c * _CHUNK, _CHUNK)],
            rows_v.at[buf],
            sem_in,
        ).wait()

        def _edge(e, carry2):
            pos = c * _CHUNK + e
            grow = plsc.load_gather(g1_v, [jnp.full((16,), 0, jnp.int32) + pos])
            for k in range(_D // 16):
                xv = rows_v[buf, e, pl.ds(k * 16, 16)]
                plsc.addupdate_scatter(acc_v, [grow, col_off[k]], xv)
            return carry2

        lax.fori_loop(0, _CHUNK, _edge, 0, unroll=8)
        return carry

    lax.fori_loop(0, _NCHUNK, _chunk, 0)

    pltpu.sync_copy(acc_v, out_hbm.at[wid])


def _partial_sums_sc(edge_embedding, edge_idx, batch):
    mesh = plsc.VectorSubcoreMesh(core_axis_name="c", subcore_axis_name="s")
    return pl.kernel(
        _sc_body,
        mesh=mesh,
        out_type=jax.ShapeDtypeStruct((_NW, _N_GRAPHS, _D), jnp.float32),
        scratch_types=[
            pltpu.VMEM((_N_NODES,), jnp.int32),
            pltpu.VMEM((_EPW,), jnp.int32),
            pltpu.VMEM((_EPW,), jnp.int32),
            pltpu.VMEM((2, _CHUNK, _D), jnp.float32),
            pltpu.VMEM((_N_GRAPHS, _D), jnp.float32),
            pltpu.SemaphoreType.DMA,
        ],
        compiler_params=pltpu.CompilerParams(needs_layout_passes=False),
    )(edge_embedding, edge_idx, batch)



def _tc_body(idx_ref, batch_ref, eb_ref, out_ref, acc_ref, st_ref):
    i = pl.program_id(0)

    @pl.when(i == 0)
    def _():
        bt = batch_ref[...]
        g_iota = jax.lax.broadcasted_iota(jnp.int32, (_N_GRAPHS, _N_NODES), 0)
        st_ref[:, 0:1] = jnp.sum(
            (bt < g_iota).astype(jnp.int32), axis=1, keepdims=True
        )
        st_ref[:, 1:2] = jnp.sum(
            (bt < g_iota + 1).astype(jnp.int32), axis=1, keepdims=True
        )
        acc_ref[...] = jnp.zeros_like(acc_ref)

    starts_lo = st_ref[:, 0:1]
    starts_hi = st_ref[:, 1:2]

    idx = idx_ref[0]
    cmp_lo = (idx >= starts_lo).astype(jnp.float32)
    cmp_hi = (idx >= starts_hi).astype(jnp.float32)
    one_hot = cmp_lo - cmp_hi

    acc_ref[...] += jnp.dot(
        one_hot, eb_ref[...], preferred_element_type=jnp.float32
    )

    @pl.when(i == _GRID - 1)
    def _():
        out_ref[...] = acc_ref[...]


def _partial_sums_tc(edge_embedding, edge_idx, batch2):
    idx3 = edge_idx[:_E_TC].reshape(_GRID, 1, _BLOCK_E)
    return pl.pallas_call(
        _tc_body,
        grid=(_GRID,),
        in_specs=[
            pl.BlockSpec((1, 1, _BLOCK_E), lambda i: (i, 0, 0)),
            pl.BlockSpec((1, _N_NODES), lambda i: (0, 0)),
            pl.BlockSpec((_BLOCK_E, _D), lambda i: (i, 0)),
        ],
        out_specs=pl.BlockSpec((_N_GRAPHS, _D), lambda i: (0, 0)),
        out_shape=jax.ShapeDtypeStruct((_N_GRAPHS, _D), jnp.float32),
        scratch_shapes=[
            pltpu.VMEM((_N_GRAPHS, _D), jnp.float32),
            pltpu.VMEM((_N_GRAPHS, 2), jnp.int32),
        ],
        compiler_params=pltpu.CompilerParams(
            dimension_semantics=("arbitrary",),
        ),
    )(idx3, batch2, edge_embedding)


def _fin_body(tc_ref, parts_ref, batch_ref, W_ref, b_ref, out_ref):
    bt = batch_ref[...]
    g_iota = jax.lax.broadcasted_iota(jnp.int32, (_N_GRAPHS, _N_NODES), 0)
    counts = jnp.sum(
        (bt == g_iota).astype(jnp.float32), axis=1, keepdims=True
    )
    sums = tc_ref[...] + jnp.sum(parts_ref[...], axis=0)
    pooled = sums / jnp.maximum(counts, 1.0)
    out_ref[...] = (
        jnp.dot(pooled, W_ref[...], preferred_element_type=jnp.float32)
        + b_ref[...]
    )


def kernel(edge_embedding, edge_idx, batch, W, b):
    idx32 = edge_idx.astype(jnp.int32)
    batch32 = batch.astype(jnp.int32)
    batch2 = batch32.reshape(1, _N_NODES)
    parts_sc = _partial_sums_sc(edge_embedding, idx32, batch32)
    sums_tc = _partial_sums_tc(edge_embedding, idx32, batch2)
    b2 = b.reshape(1, _OUT_DIM)
    return pl.pallas_call(
        _fin_body,
        grid=(1,),
        in_specs=[
            pl.BlockSpec((_N_GRAPHS, _D), lambda i: (0, 0)),
            pl.BlockSpec((_NW, _N_GRAPHS, _D), lambda i: (0, 0, 0)),
            pl.BlockSpec((1, _N_NODES), lambda i: (0, 0)),
            pl.BlockSpec((_D, _OUT_DIM), lambda i: (0, 0)),
            pl.BlockSpec((1, _OUT_DIM), lambda i: (0, 0)),
        ],
        out_specs=pl.BlockSpec((_N_GRAPHS, _OUT_DIM), lambda i: (0, 0)),
        out_shape=jax.ShapeDtypeStruct((_N_GRAPHS, _OUT_DIM), jnp.float32),
    )(sums_tc, parts_sc, batch2, W, b2)

# --- scband reference (transcript-rebuilt; emitter-appended) ---
"""Pipeline reference for scband-dnpp-82497731822005 (READ-ONLY COPY).

The authoritative reference and input builder live on the scoring server;
editing this copy changes nothing except your own understanding.
"""

import jax, jax.numpy as jnp
import numpy as np

N_NODES = 10000
N_EDGES = 320000
D = 192
N_GRAPHS = 16
OUT_DIM = 3

def setup_inputs(seed: int = 0) -> dict:
    key = jax.random.key(seed)
    k1, k2, k3, k4, k5 = jax.random.split(key, 5)
    edge_embedding = jax.random.normal(k1, (N_EDGES, D), dtype=jnp.float32)
    edge_idx = jax.random.randint(k2, (N_EDGES,), 0, N_NODES, dtype=jnp.int64)
    batch = jnp.sort(jax.random.randint(k3, (N_NODES,), 0, N_GRAPHS, dtype=jnp.int64))
    W = jax.random.normal(k4, (D, OUT_DIM), dtype=jnp.float32) * 0.05
    b = jnp.zeros((OUT_DIM,), dtype=jnp.float32)
    return {"edge_embedding": edge_embedding, "edge_idx": edge_idx, "batch": batch, "W": W, "b": b}

def reference(edge_embedding, edge_idx, batch, W, b):
    # scatter(edge_embedding, edge_idx, dim=0) -> scatter-add into per-node features
    node_x = jax.ops.segment_sum(edge_embedding, edge_idx, num_segments=N_NODES)
    # global_mean_pool(node_x, batch) -> per-graph mean of node features
    sums = jax.ops.segment_sum(node_x, batch, num_segments=N_GRAPHS)
    counts = jax.ops.segment_sum(jnp.ones((N_NODES,), dtype=jnp.float32), batch, num_segments=N_GRAPHS)
    pooled = sums / jnp.clip(counts, 1.0)[:, None]
    # output linear layer
    out = pooled @ W + b
    return out

if __name__ == "__main__":
    import jax
    _d = setup_inputs()
    print(jax.jit(kernel)(*tuple(_d.values())))

</pallas_src>

<mosaic_0001>
#map = affine_map<(d0, d1) -> (0, 0)>
#map1 = affine_map<(d0, d1) -> (0)>
#map2 = affine_map<(d0, d1) -> (0, 0, 0)>
module attributes {stable_mosaic.version = 14 : i64} {
  func.func @_sc_body(%arg0: i32, %arg1: i32, %arg2: memref<320000x192xf32, #tpu.memory_space<hbm>>, %arg3: memref<320000xi32, #tpu.memory_space<hbm>>, %arg4: memref<10000xi32, #tpu.memory_space<hbm>>, %arg5: memref<32x16x192xf32, #tpu.memory_space<hbm>>, %arg6: memref<10000xi32, #tpu.memory_space<vmem>>, %arg7: memref<1600xi32, #tpu.memory_space<vmem>>, %arg8: memref<1600xi32, #tpu.memory_space<vmem>>, %arg9: memref<2x80x192xf32, #tpu.memory_space<vmem>>, %arg10: memref<16x192xf32, #tpu.memory_space<vmem>>, %arg11: memref<!tpu.dma_semaphore, #tpu.memory_space<semaphore_mem>>) attributes {dimension_semantics = [#tpu.dimension_semantics<core_parallel>, #tpu.dimension_semantics<subcore_parallel>], iteration_bounds = array<i64: 2, 16>, scalar_prefetch = 0 : i64, scratch_operands = 6 : i64, tpu.core_type = #tpu.core_type<sc_vector_subcore>, window_params = [{transform_indices = #map}, {transform_indices = #map1}, {transform_indices = #map1}, {transform_indices = #map2}]} {
    %mul3A = arith.constant 2 : i32
    %mul3A_0 = arith.muli %arg1, %mul3A : i32
    %add3A = arith.addi %mul3A_0, %arg0 : i32
    %mul3A_1 = arith.constant 1600 : i32
    %mul3A_2 = arith.muli %add3A, %mul3A_1 : i32
    %add3A_3 = arith.constant 268800 : i32
    %add3A_4 = arith.addi %add3A_3, %mul3A_2 : i32
    "tpu.region"() ({
      %run_scoped3A = tpu.sem_alloc : memref<!tpu.dma_semaphore, #tpu.memory_space<semaphore_mem>>
      tpu.enqueue_dma source(%arg4 : memref<10000xi32, #tpu.memory_space<hbm>>) target(%arg6 : memref<10000xi32, #tpu.memory_space<vmem>>) target_semaphore(%run_scoped3A : memref<!tpu.dma_semaphore, #tpu.memory_space<semaphore_mem>>)
      tpu.wait_dma2 semaphore(%run_scoped3A : memref<!tpu.dma_semaphore, #tpu.memory_space<semaphore_mem>>) src(%arg4 : memref<10000xi32, #tpu.memory_space<hbm>>) dst(%arg6 : memref<10000xi32, #tpu.memory_space<vmem>>)
      tpu.yield
    }) : () -> ()
    "tpu.region"() ({
      %run_scoped3A = tpu.sem_alloc : memref<!tpu.dma_semaphore, #tpu.memory_space<semaphore_mem>>
      %dma_start3A_832 = tpu.memref_slice %arg3[%add3A_4] : memref<320000xi32, #tpu.memory_space<hbm>> -> memref<1600xi32, #tpu.memory_space<hbm>>
      %dma_start3A_833 = tpu.memref_slice %arg3[%add3A_4] : memref<320000xi32, #tpu.memory_space<hbm>> -> memref<1600xi32, #tpu.memory_space<hbm>>
      tpu.enqueue_dma source(%dma_start3A_833 : memref<1600xi32, #tpu.memory_space<hbm>>) target(%arg7 : memref<1600xi32, #tpu.memory_space<vmem>>) target_semaphore(%run_scoped3A : memref<!tpu.dma_semaphore, #tpu.memory_space<semaphore_mem>>)
      %dma_wait3A = tpu.memref_slice %arg3[%add3A_4] : memref<320000xi32, #tpu.memory_space<hbm>> -> memref<1600xi32, #tpu.memory_space<hbm>>
      %dma_wait3A_834 = tpu.memref_slice %arg3[%add3A_4] : memref<320000xi32, #tpu.memory_space<hbm>> -> memref<1600xi32, #tpu.memory_space<hbm>>
      tpu.wait_dma2 semaphore(%run_scoped3A : memref<!tpu.dma_semaphore, #tpu.memory_space<semaphore_mem>>) src(%dma_wait3A_834 : memref<1600xi32, #tpu.memory_space<hbm>>) dst(%arg7 : memref<1600xi32, #tpu.memory_space<vmem>>)
      tpu.yield
    }) : () -> ()
    %broadcast_in_dim3A = arith.constant 0.000000e+00 : f32
    %broadcast_in_dim3A_5 = vector.broadcast %broadcast_in_dim3A : f32 to vector<16xf32>
    %swap3A = arith.constant 0 : i32
    %swap3A_6 = arith.index_cast %swap3A : i32 to index
    %swap3A_7 = arith.constant 0 : index
    %swap3A_8 = tpu.vector_load %arg10[%swap3A_6, %swap3A_7] {strides = array<i32>} : memref<16x192xf32, #tpu.memory_space<vmem>>, vector<16xf32>,
    tpu.vector_store %arg10[%swap3A_6, %swap3A_7], %broadcast_in_dim3A_5 {strides = array<i32>} : memref<16x192xf32, #tpu.memory_space<vmem>>, vector<16xf32>,
    %swap3A_9 = arith.constant 0 : i32
    %swap3A_10 = arith.index_cast %swap3A_9 : i32 to index
    %swap3A_11 = arith.constant 16 : index
    %swap3A_12 = tpu.vector_load %arg10[%swap3A_10, %swap3A_11] {strides = array<i32>} : memref<16x192xf32, #tpu.memory_space<vmem>>, vector<16xf32>,
    tpu.vector_store %arg10[%swap3A_10, %swap3A_11], %broadcast_in_dim3A_5 {strides = array<i32>} : memref<16x192xf32, #tpu.memory_space<vmem>>, vector<16xf32>,
    %swap3A_13 = arith.constant 0 : i32
    %swap3A_14 = arith.index_cast %swap3A_13 : i32 to index
    %swap3A_15 = arith.constant 32 : index
    %swap3A_16 = tpu.vector_load %arg10[%swap3A_14, %swap3A_15] {strides = array<i32>} : memref<16x192xf32, #tpu.memory_space<vmem>>, vector<16xf32>,
    tpu.vector_store %arg10[%swap3A_14, %swap3A_15], %broadcast_in_dim3A_5 {strides = array<i32>} : memref<16x192xf32, #tpu.memory_space<vmem>>, vector<16xf32>,
    %swap3A_17 = arith.constant 0 : i32
    %swap3A_18 = arith.index_cast %swap3A_17 : i32 to index
    %swap3A_19 = arith.constant 48 : index
    %swap3A_20 = tpu.vector_load %arg10[%swap3A_18, %swap3A_19] {strides = array<i32>} : memref<16x192xf32, #tpu.memory_space<vmem>>, vector<16xf32>,
    tpu.vector_store %arg10[%swap3A_18, %swap3A_19], %broadcast_in_dim3A_5 {strides = array<i32>} : memref<16x192xf32, #tpu.memory_space<vmem>>, vector<16xf32>,
    %swap3A_21 = arith.constant 0 : i32
    %swap3A_22 = arith.index_cast %swap3A_21 : i32 to index
    %swap3A_23 = arith.constant 64 : index
    %swap3A_24 = tpu.vector_load %arg10[%swap3A_22, %swap3A_23] {strides = array<i32>} : memref<16x192xf32, #tpu.memory_space<vmem>>, vector<16xf32>,
    tpu.vector_store %arg10[%swap3A_22, %swap3A_23], %broadcast_in_dim3A_5 {strides = array<i32>} : memref<16x192xf32, #tpu.memory_space<vmem>>, vector<16xf32>,
    %swap3A_25 = arith.constant 0 : i32
    %swap3A_26 = arith.index_cast %swap3A_25 : i32 to index
    %swap3A_27 = arith.constant 80 : index
    %swap3A_28 = tpu.vector_load %arg10[%swap3A_26, %swap3A_27] {strides = array<i32>} : memref<16x192xf32, #tpu.memory_space<vmem>>, vector<16xf32>,
    tpu.vector_store %arg10[%swap3A_26, %swap3A_27], %broadcast_in_dim3A_5 {strides = array<i32>} : memref<16x192xf32, #tpu.memory_space<vmem>>, vector<16xf32>,
    %swap3A_29 = arith.constant 0 : i32
    %swap3A_30 = arith.index_cast %swap3A_29 : i32 to index
    %swap3A_31 = arith.constant 96 : index
    %swap3A_32 = tpu.vector_load %arg10[%swap3A_30, %swap3A_31] {strides = array<i32>} : memref<16x192xf32, #tpu.memory_space<vmem>>, vector<16xf32>,
    tpu.vector_store %arg10[%swap3A_30, %swap3A_31], %broadcast_in_dim3A_5 {strides = array<i32>} : memref<16x192xf32, #tpu.memory_space<vmem>>, vector<16xf32>,
    %swap3A_33 = arith.constant 0 : i32
    %swap3A_34 = arith.index_cast %swap3A_33 : i32 to index
    %swap3A_35 = arith.constant 112 : index
    %swap3A_36 = tpu.vector_load %arg10[%swap3A_34, %swap3A_35] {strides = array<i32>} : memref<16x192xf32, #tpu.memory_space<vmem>>, vector<16xf32>,
    tpu.vector_store %arg10[%swap3A_34, %swap3A_35], %broadcast_in_dim3A_5 {strides = array<i32>} : memref<16x192xf32, #tpu.memory_space<vmem>>, vector<16xf32>,
    %swap3A_37 = arith.constant 0 : i32
    %swap3A_38 = arith.index_cast %swap3A_37 : i32 to index
    %swap3A_39 = arith.constant 128 : index
    %swap3A_40 = tpu.vector_load %arg10[%swap3A_38, %swap3A_39] {strides = array<i32>} : memref<16x192xf32, #tpu.memory_space<vmem>>, vector<16xf32>,
    tpu.vector_store %arg10[%swap3A_38, %swap3A_39], %broadcast_in_dim3A_5 {strides = array<i32>} : memref<16x192xf32, #tpu.memory_space<vmem>>, vector<16xf32>,
    %swap3A_41 = arith.constant 0 : i32
    %swap3A_42 = arith.index_cast %swap3A_41 : i32 to index
    %swap3A_43 = arith.constant 144 : index
    %swap3A_44 = tpu.vector_load %arg10[%swap3A_42, %swap3A_43] {strides = array<i32>} : memref<16x192xf32, #tpu.memory_space<vmem>>, vector<16xf32>,
    tpu.vector_store %arg10[%swap3A_42, %swap3A_43], %broadcast_in_dim3A_5 {strides = array<i32>} : memref<16x192xf32, #tpu.memory_space<vmem>>, vector<16xf32>,
    %swap3A_45 = arith.constant 0 : i32
    %swap3A_46 = arith.index_cast %swap3A_45 : i32 to index
    %swap3A_47 = arith.constant 160 : index
    %swap3A_48 = tpu.vector_load %arg10[%swap3A_46, %swap3A_47] {strides = array<i32>} : memref<16x192xf32, #tpu.memory_space<vmem>>, vector<16xf32>,
    tpu.vector_store %arg10[%swap3A_46, %swap3A_47], %broadcast_in_dim3A_5 {strides = array<i32>} : memref<16x192xf32, #tpu.memory_space<vmem>>, vector<16xf32>,
    %swap3A_49 = arith.constant 0 : i32
    %swap3A_50 = arith.index_cast %swap3A_49 : i32 to index
    %swap3A_51 = arith.constant 176 : index
    %swap3A_52 = tpu.vector_load %arg10[%swap3A_50, %swap3A_51] {strides = array<i32>} : memref<16x192xf32, #tpu.memory_space<vmem>>, vector<16xf32>,
    tpu.vector_store %arg10[%swap3A_50, %swap3A_51], %broadcast_in_dim3A_5 {strides = array<i32>} : memref<16x192xf32, #tpu.memory_space<vmem>>, vector<16xf32>,
    %swap3A_53 = arith.constant 1 : i32
    %swap3A_54 = arith.index_cast %swap3A_53 : i32 to index
    %swap3A_55 = arith.constant 0 : index
    %swap3A_56 = tpu.vector_load %arg10[%swap3A_54, %swap3A_55] {strides = array<i32>} : memref<16x192xf32, #tpu.memory_space<vmem>>, vector<16xf32>,
    tpu.vector_store %arg10[%swap3A_54, %swap3A_55], %broadcast_in_dim3A_5 {strides = array<i32>} : memref<16x192xf32, #tpu.memory_space<vmem>>, vector<16xf32>,
    %swap3A_57 = arith.constant 1 : i32
    %swap3A_58 = arith.index_cast %swap3A_57 : i32 to index
    %swap3A_59 = arith.constant 16 : index
    %swap3A_60 = tpu.vector_load %arg10[%swap3A_58, %swap3A_59] {strides = array<i32>} : memref<16x192xf32, #tpu.memory_space<vmem>>, vector<16xf32>,
    tpu.vector_store %arg10[%swap3A_58, %swap3A_59], %broadcast_in_dim3A_5 {strides = array<i32>} : memref<16x192xf32, #tpu.memory_space<vmem>>, vector<16xf32>,
    %swap3A_61 = arith.constant 1 : i32
    %swap3A_62 = arith.index_cast %swap3A_61 : i32 to index
    %swap3A_63 = arith.constant 32 : index
    %swap3A_64 = tpu.vector_load %arg10[%swap3A_62, %swap3A_63] {strides = array<i32>} : memref<16x192xf32, #tpu.memory_space<vmem>>, vector<16xf32>,
    tpu.vector_store %arg10[%swap3A_62, %swap3A_63], %broadcast_in_dim3A_5 {strides = array<i32>} : memref<16x192xf32, #tpu.memory_space<vmem>>, vector<16xf32>,
    %swap3A_65 = arith.constant 1 : i32
    %swap3A_66 = arith.index_cast %swap3A_65 : i32 to index
    %swap3A_67 = arith.constant 48 : index
    %swap3A_68 = tpu.vector_load %arg10[%swap3A_66, %swap3A_67] {strides = array<i32>} : memref<16x192xf32, #tpu.memory_space<vmem>>, vector<16xf32>,
    tpu.vector_store %arg10[%swap3A_66, %swap3A_67], %broadcast_in_dim3A_5 {strides = array<i32>} : memref<16x192xf32, #tpu.memory_space<vmem>>, vector<16xf32>,
    %swap3A_69 = arith.constant 1 : i32
    %swap3A_70 = arith.index_cast %swap3A_69 : i32 to index
    %swap3A_71 = arith.constant 64 : index
    %swap3A_72 = tpu.vector_load %arg10[%swap3A_70, %swap3A_71] {strides = array<i32>} : memref<16x192xf32, #tpu.memory_space<vmem>>, vector<16xf32>,
    tpu.vector_store %arg10[%swap3A_70, %swap3A_71], %broadcast_in_dim3A_5 {strides = array<i32>} : memref<16x192xf32, #tpu.memory_space<vmem>>, vector<16xf32>,
    %swap3A_73 = arith.constant 1 : i32
    %swap3A_74 = arith.index_cast %swap3A_73 : i32 to index
    %swap3A_75 = arith.constant 80 : index
    %swap3A_76 = tpu.vector_load %arg10[%swap3A_74, %swap3A_75] {strides = array<i32>} : memref<16x192xf32, #tpu.memory_space<vmem>>, vector<16xf32>,
    tpu.vector_store %arg10[%swap3A_74, %swap3A_75], %broadcast_in_dim3A_5 {strides = array<i32>} : memref<16x192xf32, #tpu.memory_space<vmem>>, vector<16xf32>,
    %swap3A_77 = arith.constant 1 : i32
    %swap3A_78 = arith.index_cast %swap3A_77 : i32 to index
    %swap3A_79 = arith.constant 96 : index
    %swap3A_80 = tpu.vector_load %arg10[%swap3A_78, %swap3A_79] {strides = array<i32>} : memref<16x192xf32, #tpu.memory_space<vmem>>, vector<16xf32>,
    tpu.vector_store %arg10[%swap3A_78, %swap3A_79], %broadcast_in_dim3A_5 {strides = array<i32>} : memref<16x192xf32, #tpu.memory_space<vmem>>, vector<16xf32>,
    %swap3A_81 = arith.constant 1 : i32
    %swap3A_82 = arith.index_cast %swap3A_81 : i32 to index
    %swap3A_83 = arith.constant 112 : index
    %swap3A_84 = tpu.vector_load %arg10[%swap3A_82, %swap3A_83] {strides = array<i32>} : memref<16x192xf32, #tpu.memory_space<vmem>>, vector<16xf32>,
    tpu.vector_store %arg10[%swap3A_82, %swap3A_83], %broadcast_in_dim3A_5 {strides = array<i32>} : memref<16x192xf32, #tpu.memory_space<vmem>>, vector<16xf32>,
    %swap3A_85 = arith.constant 1 : i32
    %swap3A_86 = arith.index_cast %swap3A_85 : i32 to index
    %swap3A_87 = arith.constant 128 : index
    %swap3A_88 = tpu.vector_load %arg10[%swap3A_86, %swap3A_87] {strides = array<i32>} : memref<16x192xf32, #tpu.memory_space<vmem>>, vector<16xf32>,
    tpu.vector_store %arg10[%swap3A_86, %swap3A_87], %broadcast_in_dim3A_5 {strides = array<i32>} : memref<16x192xf32, #tpu.memory_space<vmem>>, vector<16xf32>,
    %swap3A_89 = arith.constant 1 : i32
    %swap3A_90 = arith.index_cast %swap3A_89 : i32 to index
    %swap3A_91 = arith.constant 144 : index
    %swap3A_92 = tpu.vector_load %arg10[%swap3A_90, %swap3A_91] {strides = array<i32>} : memref<16x192xf32, #tpu.memory_space<vmem>>, vector<16xf32>,
    tpu.vector_store %arg10[%swap3A_90, %swap3A_91], %broadcast_in_dim3A_5 {strides = array<i32>} : memref<16x192xf32, #tpu.memory_space<vmem>>, vector<16xf32>,
    %swap3A_93 = arith.constant 1 : i32
    %swap3A_94 = arith.index_cast %swap3A_93 : i32 to index
    %swap3A_95 = arith.constant 160 : index
    %swap3A_96 = tpu.vector_load %arg10[%swap3A_94, %swap3A_95] {strides = array<i32>} : memref<16x192xf32, #tpu.memory_space<vmem>>, vector<16xf32>,
    tpu.vector_store %arg10[%swap3A_94, %swap3A_95], %broadcast_in_dim3A_5 {strides = array<i32>} : memref<16x192xf32, #tpu.memory_space<vmem>>, vector<16xf32>,
    %swap3A_97 = arith.constant 1 : i32
    %swap3A_98 = arith.index_cast %swap3A_97 : i32 to index
    %swap3A_99 = arith.constant 176 : index
    %swap3A_100 = tpu.vector_load %arg10[%swap3A_98, %swap3A_99] {strides = array<i32>} : memref<16x192xf32, #tpu.memory_space<vmem>>, vector<16xf32>,
    tpu.vector_store %arg10[%swap3A_98, %swap3A_99], %broadcast_in_dim3A_5 {strides = array<i32>} : memref<16x192xf32, #tpu.memory_space<vmem>>, vector<16xf32>,
    %swap3A_101 = arith.constant 2 : i32
    %swap3A_102 = arith.index_cast %swap3A_101 : i32 to index
    %swap3A_103 = arith.constant 0 : index
    %swap3A_104 = tpu.vector_load %arg10[%swap3A_102, %swap3A_103] {strides = array<i32>} : memref<16x192xf32, #tpu.memory_space<vmem>>, vector<16xf32>,
    tpu.vector_store %arg10[%swap3A_102, %swap3A_103], %broadcast_in_dim3A_5 {strides = array<i32>} : memref<16x192xf32, #tpu.memory_space<vmem>>, vector<16xf32>,
    %swap3A_105 = arith.constant 2 : i32
    %swap3A_106 = arith.index_cast %swap3A_105 : i32 to index
    %swap3A_107 = arith.constant 16 : index
    %swap3A_108 = tpu.vector_load %arg10[%swap3A_106, %swap3A_107] {strides = array<i32>} : memref<16x192xf32, #tpu.memory_space<vmem>>, vector<16xf32>,
    tpu.vector_store %arg10[%swap3A_106, %swap3A_107], %broadcast_in_dim3A_5 {strides = array<i32>} : memref<16x192xf32, #tpu.memory_space<vmem>>, vector<16xf32>,
    %swap3A_109 = arith.constant 2 : i32
    %swap3A_110 = arith.index_cast %swap3A_109 : i32 to index
    %swap3A_111 = arith.constant 32 : index
    %swap3A_112 = tpu.vector_load %arg10[%swap3A_110, %swap3A_111] {strides = array<i32>} : memref<16x192xf32, #tpu.memory_space<vmem>>, vector<16xf32>,
    tpu.vector_store %arg10[%swap3A_110, %swap3A_111], %broadcast_in_dim3A_5 {strides = array<i32>} : memref<16x192xf32, #tpu.memory_space<vmem>>, vector<16xf32>,
    %swap3A_113 = arith.constant 2 : i32
    %swap3A_114 = arith.index_cast %swap3A_113 : i32 to index
    %swap3A_115 = arith.constant 48 : index
    %swap3A_116 = tpu.vector_load %arg10[%swap3A_114, %swap3A_115] {strides = array<i32>} : memref<16x192xf32, #tpu.memory_space<vmem>>, vector<16xf32>,
    tpu.vector_store %arg10[%swap3A_114, %swap3A_115], %broadcast_in_dim3A_5 {strides = array<i32>} : memref<16x192xf32, #tpu.memory_space<vmem>>, vector<16xf32>,
    %swap3A_117 = arith.constant 2 : i32
    %swap3A_118 = arith.index_cast %swap3A_117 : i32 to index
    %swap3A_119 = arith.constant 64 : index
    %swap3A_120 = tpu.vector_load %arg10[%swap3A_118, %swap3A_119] {strides = array<i32>} : memref<16x192xf32, #tpu.memory_space<vmem>>, vector<16xf32>,
    tpu.vector_store %arg10[%swap3A_118, %swap3A_119], %broadcast_in_dim3A_5 {strides = array<i32>} : memref<16x192xf32, #tpu.memory_space<vmem>>, vector<16xf32>,
    %swap3A_121 = arith.constant 2 : i32
    %swap3A_122 = arith.index_cast %swap3A_121 : i32 to index
    %swap3A_123 = arith.constant 80 : index
    %swap3A_124 = tpu.vector_load %arg10[%swap3A_122, %swap3A_123] {strides = array<i32>} : memref<16x192xf32, #tpu.memory_space<vmem>>, vector<16xf32>,
    tpu.vector_store %arg10[%swap3A_122, %swap3A_123], %broadcast_in_dim3A_5 {strides = array<i32>} : memref<16x192xf32, #tpu.memory_space<vmem>>, vector<16xf32>,
    %swap3A_125 = arith.constant 2 : i32
    %swap3A_126 = arith.index_cast %swap3A_125 : i32 to index
    %swap3A_127 = arith.constant 96 : index
    %swap3A_128 = tpu.vector_load %arg10[%swap3A_126, %swap3A_127] {strides = array<i32>} : memref<16x192xf32, #tpu.memory_space<vmem>>, vector<16xf32>,
    tpu.vector_store %arg10[%swap3A_126, %swap3A_127], %broadcast_in_dim3A_5 {strides = array<i32>} : memref<16x192xf32, #tpu.memory_space<vmem>>, vector<16xf32>,
    %swap3A_129 = arith.constant 2 : i32
    %swap3A_130 = arith.index_cast %swap3A_129 : i32 to index
    %swap3A_131 = arith.constant 112 : index
    %swap3A_132 = tpu.vector_load %arg10[%swap3A_130, %swap3A_131] {strides = array<i32>} : memref<16x192xf32, #tpu.memory_space<vmem>>, vector<16xf32>,
    tpu.vector_store %arg10[%swap3A_130, %swap3A_131], %broadcast_in_dim3A_5 {strides = array<i32>} : memref<16x192xf32, #tpu.memory_space<vmem>>, vector<16xf32>,
    %swap3A_133 = arith.constant 2 : i32
    %swap3A_134 = arith.index_cast %swap3A_133 : i32 to index
    %swap3A_135 = arith.constant 128 : index
    %swap3A_136 = tpu.vector_load %arg10[%swap3A_134, %swap3A_135] {strides = array<i32>} : memref<16x192xf32, #tpu.memory_space<vmem>>, vector<16xf32>,
    tpu.vector_store %arg10[%swap3A_134, %swap3A_135], %broadcast_in_dim3A_5 {strides = array<i32>} : memref<16x192xf32, #tpu.memory_space<vmem>>, vector<16xf32>,
    %swap3A_137 = arith.constant 2 : i32
    %swap3A_138 = arith.index_cast %swap3A_137 : i32 to index
    %swap3A_139 = arith.constant 144 : index
    %swap3A_140 = tpu.vector_load %arg10[%swap3A_138, %swap3A_139] {strides = array<i32>} : memref<16x192xf32, #tpu.memory_space<vmem>>, vector<16xf32>,
    tpu.vector_store %arg10[%swap3A_138, %swap3A_139], %broadcast_in_dim3A_5 {strides = array<i32>} : memref<16x192xf32, #tpu.memory_space<vmem>>, vector<16xf32>,
    %swap3A_141 = arith.constant 2 : i32
    %swap3A_142 = arith.index_cast %swap3A_141 : i32 to index
    %swap3A_143 = arith.constant 160 : index
    %swap3A_144 = tpu.vector_load %arg10[%swap3A_142, %swap3A_143] {strides = array<i32>} : memref<16x192xf32, #tpu.memory_space<vmem>>, vector<16xf32>,
    tpu.vector_store %arg10[%swap3A_142, %swap3A_143], %broadcast_in_dim3A_5 {strides = array<i32>} : memref<16x192xf32, #tpu.memory_space<vmem>>, vector<16xf32>,
    %swap3A_145 = arith.constant 2 : i32
    %swap3A_146 = arith.index_cast %swap3A_145 : i32 to index
    %swap3A_147 = arith.constant 176 : index
    %swap3A_148 = tpu.vector_load %arg10[%swap3A_146, %swap3A_147] {strides = array<i32>} : memref<16x192xf32, #tpu.memory_space<vmem>>, vector<16xf32>,
    tpu.vector_store %arg10[%swap3A_146, %swap3A_147], %broadcast_in_dim3A_5 {strides = array<i32>} : memref<16x192xf32, #tpu.memory_space<vmem>>, vector<16xf32>,
    %swap3A_149 = arith.constant 3 : i32
    %swap3A_150 = arith.index_cast %swap3A_149 : i32 to index
    %swap3A_151 = arith.constant 0 : index
    %swap3A_152 = tpu.vector_load %arg10[%swap3A_150, %swap3A_151] {strides = array<i32>} : memref<16x192xf32, #tpu.memory_space<vmem>>, vector<16xf32>,
    tpu.vector_store %arg10[%swap3A_150, %swap3A_151], %broadcast_in_dim3A_5 {strides = array<i32>} : memref<16x192xf32, #tpu.memory_space<vmem>>, vector<16xf32>,
    %swap3A_153 = arith.constant 3 : i32
    %swap3A_154 = arith.index_cast %swap3A_153 : i32 to index
    %swap3A_155 = arith.constant 16 : index
    %swap3A_156 = tpu.vector_load %arg10[%swap3A_154, %swap3A_155] {strides = array<i32>} : memref<16x192xf32, #tpu.memory_space<vmem>>, vector<16xf32>,
    tpu.vector_store %arg10[%swap3A_154, %swap3A_155], %broadcast_in_dim3A_5 {strides = array<i32>} : memref<16x192xf32, #tpu.memory_space<vmem>>, vector<16xf32>,
    %swap3A_157 = arith.constant 3 : i32
    %swap3A_158 = arith.index_cast %swap3A_157 : i32 to index
    %swap3A_159 = arith.constant 32 : index
    %swap3A_160 = tpu.vector_load %arg10[%swap3A_158, %swap3A_159] {strides = array<i32>} : memref<16x192xf32, #tpu.memory_space<vmem>>, vector<16xf32>,
    tpu.vector_store %arg10[%swap3A_158, %swap3A_159], %broadcast_in_dim3A_5 {strides = array<i32>} : memref<16x192xf32, #tpu.memory_space<vmem>>, vector<16xf32>,
    %swap3A_161 = arith.constant 3 : i32
    %swap3A_162 = arith.index_cast %swap3A_161 : i32 to index
    %swap3A_163 = arith.constant 48 : index
    %swap3A_164 = tpu.vector_load %arg10[%swap3A_162, %swap3A_163] {strides = array<i32>} : memref<16x192xf32, #tpu.memory_space<vmem>>, vector<16xf32>,
    tpu.vector_store %arg10[%swap3A_162, %swap3A_163], %broadcast_in_dim3A_5 {strides = array<i32>} : memref<16x192xf32, #tpu.memory_space<vmem>>, vector<16xf32>,
    %swap3A_165 = arith.constant 3 : i32
    %swap3A_166 = arith.index_cast %swap3A_165 : i32 to index
    %swap3A_167 = arith.constant 64 : index
    %swap3A_168 = tpu.vector_load %arg10[%swap3A_166, %swap3A_167] {strides = array<i32>} : memref<16x192xf32, #tpu.memory_space<vmem>>, vector<16xf32>,
    tpu.vector_store %arg10[%swap3A_166, %swap3A_167], %broadcast_in_dim3A_5 {strides = array<i32>} : memref<16x192xf32, #tpu.memory_space<vmem>>, vector<16xf32>,
    %swap3A_169 = arith.constant 3 : i32
    %swap3A_170 = arith.index_cast %swap3A_169 : i32 to index
    %swap3A_171 = arith.constant 80 : index
    %swap3A_172 = tpu.vector_load %arg10[%swap3A_170, %swap3A_171] {strides = array<i32>} : memref<16x192xf32, #tpu.memory_space<vmem>>, vector<16xf32>,
    tpu.vector_store %arg10[%swap3A_170, %swap3A_171], %broadcast_in_dim3A_5 {strides = array<i32>} : memref<16x192xf32, #tpu.memory_space<vmem>>, vector<16xf32>,
    %swap3A_173 = arith.constant 3 : i32
    %swap3A_174 = arith.index_cast %swap3A_173 : i32 to index
    %swap3A_175 = arith.constant 96 : index
    %swap3A_176 = tpu.vector_load %arg10[%swap3A_174, %swap3A_175] {strides = array<i32>} : memref<16x192xf32, #tpu.memory_space<vmem>>, vector<16xf32>,
    tpu.vector_store %arg10[%swap3A_174, %swap3A_175], %broadcast_in_dim3A_5 {strides = array<i32>} : memref<16x192xf32, #tpu.memory_space<vmem>>, vector<16xf32>,
    %swap3A_177 = arith.constant 3 : i32
    %swap3A_178 = arith.index_cast %swap3A_177 : i32 to index
    %swap3A_179 = arith.constant 112 : index
    %swap3A_180 = tpu.vector_load %arg10[%swap3A_178, %swap3A_179] {strides = array<i32>} : memref<16x192xf32, #tpu.memory_space<vmem>>, vector<16xf32>,
    tpu.vector_store %arg10[%swap3A_178, %swap3A_179], %broadcast_in_dim3A_5 {strides = array<i32>} : memref<16x192xf32, #tpu.memory_space<vmem>>, vector<16xf32>,
    %swap3A_181 = arith.constant 3 : i32
    %swap3A_182 = arith.index_cast %swap3A_181 : i32 to index
    %swap3A_183 = arith.constant 128 : index
    %swap3A_184 = tpu.vector_load %arg10[%swap3A_182, %swap3A_183] {strides = array<i32>} : memref<16x192xf32, #tpu.memory_space<vmem>>, vector<16xf32>,
    tpu.vector_store %arg10[%swap3A_182, %swap3A_183], %broadcast_in_dim3A_5 {strides = array<i32>} : memref<16x192xf32, #tpu.memory_space<vmem>>, vector<16xf32>,
    %swap3A_185 = arith.constant 3 : i32
    %swap3A_186 = arith.index_cast %swap3A_185 : i32 to index
    %swap3A_187 = arith.constant 144 : index
    %swap3A_188 = tpu.vector_load %arg10[%swap3A_186, %swap3A_187] {strides = array<i32>} : memref<16x192xf32, #tpu.memory_space<vmem>>, vector<16xf32>,
    tpu.vector_store %arg10[%swap3A_186, %swap3A_187], %broadcast_in_dim3A_5 {strides = array<i32>} : memref<16x192xf32, #tpu.memory_space<vmem>>, vector<16xf32>,
    %swap3A_189 = arith.constant 3 : i32
    %swap3A_190 = arith.index_cast %swap3A_189 : i32 to index
    %swap3A_191 = arith.constant 160 : index
    %swap3A_192 = tpu.vector_load %arg10[%swap3A_190, %swap3A_191] {strides = array<i32>} : memref<16x192xf32, #tpu.memory_space<vmem>>, vector<16xf32>,
    tpu.vector_store %arg10[%swap3A_190, %swap3A_191], %broadcast_in_dim3A_5 {strides = array<i32>} : memref<16x192xf32, #tpu.memory_space<vmem>>, vector<16xf32>,
    %swap3A_193 = arith.constant 3 : i32
    %swap3A_194 = arith.index_cast %swap3A_193 : i32 to index
    %swap3A_195 = arith.constant 176 : index
    %swap3A_196 = tpu.vector_load %arg10[%swap3A_194, %swap3A_195] {strides = array<i32>} : memref<16x192xf32, #tpu.memory_space<vmem>>, vector<16xf32>,
    tpu.vector_store %arg10[%swap3A_194, %swap3A_195], %broadcast_in_dim3A_5 {strides = array<i32>} : memref<16x192xf32, #tpu.memory_space<vmem>>, vector<16xf32>,
    %swap3A_197 = arith.constant 4 : i32
    %swap3A_198 = arith.index_cast %swap3A_197 : i32 to index
    %swap3A_199 = arith.constant 0 : index
    %swap3A_200 = tpu.vector_load %arg10[%swap3A_198, %swap3A_199] {strides = array<i32>} : memref<16x192xf32, #tpu.memory_space<vmem>>, vector<16xf32>,
    tpu.vector_store %arg10[%swap3A_198, %swap3A_199], %broadcast_in_dim3A_5 {strides = array<i32>} : memref<16x192xf32, #tpu.memory_space<vmem>>, vector<16xf32>,
    %swap3A_201 = arith.constant 4 : i32
    %swap3A_202 = arith.index_cast %swap3A_201 : i32 to index
    %swap3A_203 = arith.constant 16 : index
    %swap3A_204 = tpu.vector_load %arg10[%swap3A_202, %swap3A_203] {strides = array<i32>} : memref<16x192xf32, #tpu.memory_space<vmem>>, vector<16xf32>,
    tpu.vector_store %arg10[%swap3A_202, %swap3A_203], %broadcast_in_dim3A_5 {strides = array<i32>} : memref<16x192xf32, #tpu.memory_space<vmem>>, vector<16xf32>,
    %swap3A_205 = arith.constant 4 : i32
    %swap3A_206 = arith.index_cast %swap3A_205 : i32 to index
    %swap3A_207 = arith.constant 32 : index
    %swap3A_208 = tpu.vector_load %arg10[%swap3A_206, %swap3A_207] {strides = array<i32>} : memref<16x192xf32, #tpu.memory_space<vmem>>, vector<16xf32>,
    tpu.vector_store %arg10[%swap3A_206, %swap3A_207], %broadcast_in_dim3A_5 {strides = array<i32>} : memref<16x192xf32, #tpu.memory_space<vmem>>, vector<16xf32>,
    %swap3A_209 = arith.constant 4 : i32
    %swap3A_210 = arith.index_cast %swap3A_209 : i32 to index
    %swap3A_211 = arith.constant 48 : index
    %swap3A_212 = tpu.vector_load %arg10[%swap3A_210, %swap3A_211] {strides = array<i32>} : memref<16x192xf32, #tpu.memory_space<vmem>>, vector<16xf32>,
    tpu.vector_store %arg10[%swap3A_210, %swap3A_211], %broadcast_in_dim3A_5 {strides = array<i32>} : memref<16x192xf32, #tpu.memory_space<vmem>>, vector<16xf32>,
    %swap3A_213 = arith.constant 4 : i32
    %swap3A_214 = arith.index_cast %swap3A_213 : i32 to index
    %swap3A_215 = arith.constant 64 : index
    %swap3A_216 = tpu.vector_load %arg10[%swap3A_214, %swap3A_215] {strides = array<i32>} : memref<16x192xf32, #tpu.memory_space<vmem>>, vector<16xf32>,
    tpu.vector_store %arg10[%swap3A_214, %swap3A_215], %broadcast_in_dim3A_5 {strides = array<i32>} : memref<16x192xf32, #tpu.memory_space<vmem>>, vector<16xf32>,
    %swap3A_217 = arith.constant 4 : i32
    %swap3A_218 = arith.index_cast %swap3A_217 : i32 to index
    %swap3A_219 = arith.constant 80 : index
    %swap3A_220 = tpu.vector_load %arg10[%swap3A_218, %swap3A_219] {strides = array<i32>} : memref<16x192xf32, #tpu.memory_space<vmem>>, vector<16xf32>,
    tpu.vector_store %arg10[%swap3A_218, %swap3A_219], %broadcast_in_dim3A_5 {strides = array<i32>} : memref<16x192xf32, #tpu.memory_space<vmem>>, vector<16xf32>,
    %swap3A_221 = arith.constant 4 : i32
    %swap3A_222 = arith.index_cast %swap3A_221 : i32 to index
    %swap3A_223 = arith.constant 96 : index
    %swap3A_224 = tpu.vector_load %arg10[%swap3A_222, %swap3A_223] {strides = array<i32>} : memref<16x192xf32, #tpu.memory_space<vmem>>, vector<16xf32>,
    tpu.vector_store %arg10[%swap3A_222, %swap3A_223], %broadcast_in_dim3A_5 {strides = array<i32>} : memref<16x192xf32, #tpu.memory_space<vmem>>, vector<16xf32>,
    %swap3A_225 = arith.constant 4 : i32
    %swap3A_226 = arith.index_cast %swap3A_225 : i32 to index
    %swap3A_227 = arith.constant 112 : index
    %swap3A_228 = tpu.vector_load %arg10[%swap3A_226, %swap3A_227] {strides = array<i32>} : memref<16x192xf32, #tpu.memory_space<vmem>>, vector<16xf32>,
    tpu.vector_store %arg10[%swap3A_226, %swap3A_227], %broadcast_in_dim3A_5 {strides = array<i32>} : memref<16x192xf32, #tpu.memory_space<vmem>>, vector<16xf32>,
    %swap3A_229 = arith.constant 4 : i32
    %swap3A_230 = arith.index_cast %swap3A_229 : i32 to index
    %swap3A_231 = arith.constant 128 : index
    %swap3A_232 = tpu.vector_load %arg10[%swap3A_230, %swap3A_231] {strides = array<i32>} : memref<16x192xf32, #tpu.memory_space<vmem>>, vector<16xf32>,
    tpu.vector_store %arg10[%swap3A_230, %swap3A_231], %broadcast_in_dim3A_5 {strides = array<i32>} : memref<16x192xf32, #tpu.memory_space<vmem>>, vector<16xf32>,
    %swap3A_233 = arith.constant 4 : i32
    %swap3A_234 = arith.index_cast %swap3A_233 : i32 to index
    %swap3A_235 = arith.constant 144 : index
    %swap3A_236 = tpu.vector_load %arg10[%swap3A_234, %swap3A_235] {strides = array<i32>} : memref<16x192xf32, #tpu.memory_space<vmem>>, vector<16xf32>,
    tpu.vector_store %arg10[%swap3A_234, %swap3A_235], %broadcast_in_dim3A_5 {strides = array<i32>} : memref<16x192xf32, #tpu.memory_space<vmem>>, vector<16xf32>,
    %swap3A_237 = arith.constant 4 : i32
    %swap3A_238 = arith.index_cast %swap3A_237 : i32 to index
    %swap3A_239 = arith.constant 160 : index
    %swap3A_240 = tpu.vector_load %arg10[%swap3A_238, %swap3A_239] {strides = array<i32>} : memref<16x192xf32, #tpu.memory_space<vmem>>, vector<16xf32>,
    tpu.vector_store %arg10[%swap3A_238, %swap3A_239], %broadcast_in_dim3A_5 {strides = array<i32>} : memref<16x192xf32, #tpu.memory_space<vmem>>, vector<16xf32>,
    %swap3A_241 = arith.constant 4 : i32
    %swap3A_242 = arith.index_cast %swap3A_241 : i32 to index
    %swap3A_243 = arith.constant 176 : index
    %swap3A_244 = tpu.vector_load %arg10[%swap3A_242, %swap3A_243] {strides = array<i32>} : memref<16x192xf32, #tpu.memory_space<vmem>>, vector<16xf32>,
    tpu.vector_store %arg10[%swap3A_242, %swap3A_243], %broadcast_in_dim3A_5 {strides = array<i32>} : memref<16x192xf32, #tpu.memory_space<vmem>>, vector<16xf32>,
    %swap3A_245 = arith.constant 5 : i32
    %swap3A_246 = arith.index_cast %swap3A_245 : i32 to index
    %swap3A_247 = arith.constant 0 : index
    %swap3A_248 = tpu.vector_load %arg10[%swap3A_246, %swap3A_247] {strides = array<i32>} : memref<16x192xf32, #tpu.memory_space<vmem>>, vector<16xf32>,
    tpu.vector_store %arg10[%swap3A_246, %swap3A_247], %broadcast_in_dim3A_5 {strides = array<i32>} : memref<16x192xf32, #tpu.memory_space<vmem>>, vector<16xf32>,
    %swap3A_249 = arith.constant 5 : i32
    %swap3A_250 = arith.index_cast %swap3A_249 : i32 to index
    %swap3A_251 = arith.constant 16 : index
    %swap3A_252 = tpu.vector_load %arg10[%swap3A_250, %swap3A_251] {strides = array<i32>} : memref<16x192xf32, #tpu.memory_space<vmem>>, vector<16xf32>,
    tpu.vector_store %arg10[%swap3A_250, %swap3A_251], %broadcast_in_dim3A_5 {strides = array<i32>} : memref<16x192xf32, #tpu.memory_space<vmem>>, vector<16xf32>,
    %swap3A_253 = arith.constant 5 : i32
    %swap3A_254 = arith.index_cast %swap3A_253 : i32 to index
    %swap3A_255 = arith.constant 32 : index
    %swap3A_256 = tpu.vector_load %arg10[%swap3A_254, %swap3A_255] {strides = array<i32>} : memref<16x192xf32, #tpu.memory_space<vmem>>, vector<16xf32>,
    tpu.vector_store %arg10[%swap3A_254, %swap3A_255], %broadcast_in_dim3A_5 {strides = array<i32>} : memref<16x192xf32, #tpu.memory_space<vmem>>, vector<16xf32>,
    %swap3A_257 = arith.constant 5 : i32
    %swap3A_258 = arith.index_cast %swap3A_257 : i32 to index
    %swap3A_259 = arith.constant 48 : index
    %swap3A_260 = tpu.vector_load %arg10[%swap3A_258, %swap3A_259] {strides = array<i32>} : memref<16x192xf32, #tpu.memory_space<vmem>>, vector<16xf32>,
    tpu.vector_store %arg10[%swap3A_258, %swap3A_259], %broadcast_in_dim3A_5 {strides = array<i32>} : memref<16x192xf32, #tpu.memory_space<vmem>>, vector<16xf32>,
    %swap3A_261 = arith.constant 5 : i32
    %swap3A_262 = arith.index_cast %swap3A_261 : i32 to index
    %swap3A_263 = arith.constant 64 : index
    %swap3A_264 = tpu.vector_load %arg10[%swap3A_262, %swap3A_263] {strides = array<i32>} : memref<16x192xf32, #tpu.memory_space<vmem>>, vector<16xf32>,
    tpu.vector_store %arg10[%swap3A_262, %swap3A_263], %broadcast_in_dim3A_5 {strides = array<i32>} : memref<16x192xf32, #tpu.memory_space<vmem>>, vector<16xf32>,
    %swap3A_265 = arith.constant 5 : i32
    %swap3A_266 = arith.index_cast %swap3A_265 : i32 to index
    %swap3A_267 = arith.constant 80 : index
    %swap3A_268 = tpu.vector_load %arg10[%swap3A_266, %swap3A_267] {strides = array<i32>} : memref<16x192xf32, #tpu.memory_space<vmem>>, vector<16xf32>,
    tpu.vector_store %arg10[%swap3A_266, %swap3A_267], %broadcast_in_dim3A_5 {strides = array<i32>} : memref<16x192xf32, #tpu.memory_space<vmem>>, vector<16xf32>,
    %swap3A_269 = arith.constant 5 : i32
    %swap3A_270 = arith.index_cast %swap3A_269 : i32 to index
    %swap3A_271 = arith.constant 96 : index
    %swap3A_272 = tpu.vector_load %arg10[%swap3A_270, %swap3A_271] {strides = array<i32>} : memref<16x192xf32, #tpu.memory_space<vmem>>, vector<16xf32>,
    tpu.vector_store %arg10[%swap3A_270, %swap3A_271], %broadcast_in_dim3A_5 {strides = array<i32>} : memref<16x192xf32, #tpu.memory_space<vmem>>, vector<16xf32>,
    %swap3A_273 = arith.constant 5 : i32
    %swap3A_274 = arith.index_cast %swap3A_273 : i32 to index
    %swap3A_275 = arith.constant 112 : index
    %swap3A_276 = tpu.vector_load %arg10[%swap3A_274, %swap3A_275] {strides = array<i32>} : memref<16x192xf32, #tpu.memory_space<vmem>>, vector<16xf32>,
    tpu.vector_store %arg10[%swap3A_274, %swap3A_275], %broadcast_in_dim3A_5 {strides = array<i32>} : memref<16x192xf32, #tpu.memory_space<vmem>>, vector<16xf32>,
    %swap3A_277 = arith.constant 5 : i32
    %swap3A_278 = arith.index_cast %swap3A_277 : i32 to index
    %swap3A_279 = arith.constant 128 : index
    %swap3A_280 = tpu.vector_load %arg10[%swap3A_278, %swap3A_279] {strides = array<i32>} : memref<16x192xf32, #tpu.memory_space<vmem>>, vector<16xf32>,
    tpu.vector_store %arg10[%swap3A_278, %swap3A_279], %broadcast_in_dim3A_5 {strides = array<i32>} : memref<16x192xf32, #tpu.memory_space<vmem>>, vector<16xf32>,
    %swap3A_281 = arith.constant 5 : i32
    %swap3A_282 = arith.index_cast %swap3A_281 : i32 to index
    %swap3A_283 = arith.constant 144 : index
    %swap3A_284 = tpu.vector_load %arg10[%swap3A_282, %swap3A_283] {strides = array<i32>} : memref<16x192xf32, #tpu.memory_space<vmem>>, vector<16xf32>,
    tpu.vector_store %arg10[%swap3A_282, %swap3A_283], %broadcast_in_dim3A_5 {strides = array<i32>} : memref<16x192xf32, #tpu.memory_space<vmem>>, vector<16xf32>,
    %swap3A_285 = arith.constant 5 : i32
    %swap3A_286 = arith.index_cast %swap3A_285 : i32 to index
    %swap3A_287 = arith.constant 160 : index
    %swap3A_288 = tpu.vector_load %arg10[%swap3A_286, %swap3A_287] {strides = array<i32>} : memref<16x192xf32, #tpu.memory_space<vmem>>, vector<16xf32>,
    tpu.vector_store %arg10[%swap3A_286, %swap3A_287], %broadcast_in_dim3A_5 {strides = array<i32>} : memref<16x192xf32, #tpu.memory_space<vmem>>, vector<16xf32>,
    %swap3A_289 = arith.constant 5 : i32
    %swap3A_290 = arith.index_cast %swap3A_289 : i32 to index
    %swap3A_291 = arith.constant 176 : index
    %swap3A_292 = tpu.vector_load %arg10[%swap3A_290, %swap3A_291] {strides = array<i32>} : memref<16x192xf32, #tpu.memory_space<vmem>>, vector<16xf32>,
    tpu.vector_store %arg10[%swap3A_290, %swap3A_291], %broadcast_in_dim3A_5 {strides = array<i32>} : memref<16x192xf32, #tpu.memory_space<vmem>>, vector<16xf32>,
    %swap3A_293 = arith.constant 6 : i32
    %swap3A_294 = arith.index_cast %swap3A_293 : i32 to index
    %swap3A_295 = arith.constant 0 : index
    %swap3A_296 = tpu.vector_load %arg10[%swap3A_294, %swap3A_295] {strides = array<i32>} : memref<16x192xf32, #tpu.memory_space<vmem>>, vector<16xf32>,
    tpu.vector_store %arg10[%swap3A_294, %swap3A_295], %broadcast_in_dim3A_5 {strides = array<i32>} : memref<16x192xf32, #tpu.memory_space<vmem>>, vector<16xf32>,
    %swap3A_297 = arith.constant 6 : i32
    %swap3A_298 = arith.index_cast %swap3A_297 : i32 to index
    %swap3A_299 = arith.constant 16 : index
    %swap3A_300 = tpu.vector_load %arg10[%swap3A_298, %swap3A_299] {strides = array<i32>} : memref<16x192xf32, #tpu.memory_space<vmem>>, vector<16xf32>,
    tpu.vector_store %arg10[%swap3A_298, %swap3A_299], %broadcast_in_dim3A_5 {strides = array<i32>} : memref<16x192xf32, #tpu.memory_space<vmem>>, vector<16xf32>,
    %swap3A_301 = arith.constant 6 : i32
    %swap3A_302 = arith.index_cast %swap3A_301 : i32 to index
    %swap3A_303 = arith.constant 32 : index
    %swap3A_304 = tpu.vector_load %arg10[%swap3A_302, %swap3A_303] {strides = array<i32>} : memref<16x192xf32, #tpu.memory_space<vmem>>, vector<16xf32>,
    tpu.vector_store %arg10[%swap3A_302, %swap3A_303], %broadcast_in_dim3A_5 {strides = array<i32>} : memref<16x192xf32, #tpu.memory_space<vmem>>, vector<16xf32>,
    %swap3A_305 = arith.constant 6 : i32
    %swap3A_306 = arith.index_cast %swap3A_305 : i32 to index
    %swap3A_307 = arith.constant 48 : index
    %swap3A_308 = tpu.vector_load %arg10[%swap3A_306, %swap3A_307] {strides = array<i32>} : memref<16x192xf32, #tpu.memory_space<vmem>>, vector<16xf32>,
    tpu.vector_store %arg10[%swap3A_306, %swap3A_307], %broadcast_in_dim3A_5 {strides = array<i32>} : memref<16x192xf32, #tpu.memory_space<vmem>>, vector<16xf32>,
    %swap3A_309 = arith.constant 6 : i32
    %swap3A_310 = arith.index_cast %swap3A_309 : i32 to index
    %swap3A_311 = arith.constant 64 : index
    %swap3A_312 = tpu.vector_load %arg10[%swap3A_310, %swap3A_311] {strides = array<i32>} : memref<16x192xf32, #tpu.memory_space<vmem>>, vector<16xf32>,
    tpu.vector_store %arg10[%swap3A_310, %swap3A_311], %broadcast_in_dim3A_5 {strides = array<i32>} : memref<16x192xf32, #tpu.memory_space<vmem>>, vector<16xf32>,
    %swap3A_313 = arith.constant 6 : i32
    %swap3A_314 = arith.index_cast %swap3A_313 : i32 to index
    %swap3A_315 = arith.constant 80 : index
    %swap3A_316 = tpu.vector_load %arg10[%swap3A_314, %swap3A_315] {strides = array<i32>} : memref<16x192xf32, #tpu.memory_space<vmem>>, vector<16xf32>,
    tpu.vector_store %arg10[%swap3A_314, %swap3A_315], %broadcast_in_dim3A_5 {strides = array<i32>} : memref<16x192xf32, #tpu.memory_space<vmem>>, vector<16xf32>,
    %swap3A_317 = arith.constant 6 : i32
    %swap3A_318 = arith.index_cast %swap3A_317 : i32 to index
    %swap3A_319 = arith.constant 96 : index
    %swap3A_320 = tpu.vector_load %arg10[%swap3A_318, %swap3A_319] {strides = array<i32>} : memref<16x192xf32, #tpu.memory_space<vmem>>, vector<16xf32>,
    tpu.vector_store %arg10[%swap3A_318, %swap3A_319], %broadcast_in_dim3A_5 {strides = array<i32>} : memref<16x192xf32, #tpu.memory_space<vmem>>, vector<16xf32>,
    %swap3A_321 = arith.constant 6 : i32
    %swap3A_322 = arith.index_cast %swap3A_321 : i32 to index
    %swap3A_323 = arith.constant 112 : index
    %swap3A_324 = tpu.vector_load %arg10[%swap3A_322, %swap3A_323] {strides = array<i32>} : memref<16x192xf32, #tpu.memory_space<vmem>>, vector<16xf32>,
    tpu.vector_store %arg10[%swap3A_322, %swap3A_323], %broadcast_in_dim3A_5 {strides = array<i32>} : memref<16x192xf32, #tpu.memory_space<vmem>>, vector<16xf32>,
    %swap3A_325 = arith.constant 6 : i32
    %swap3A_326 = arith.index_cast %swap3A_325 : i32 to index
    %swap3A_327 = arith.constant 128 : index
    %swap3A_328 = tpu.vector_load %arg10[%swap3A_326, %swap3A_327] {strides = array<i32>} : memref<16x192xf32, #tpu.memory_space<vmem>>, vector<16xf32>,
    tpu.vector_store %arg10[%swap3A_326, %swap3A_327], %broadcast_in_dim3A_5 {strides = array<i32>} : memref<16x192xf32, #tpu.memory_space<vmem>>, vector<16xf32>,
    %swap3A_329 = arith.constant 6 : i32
    %swap3A_330 = arith.index_cast %swap3A_329 : i32 to index
    %swap3A_331 = arith.constant 144 : index
    %swap3A_332 = tpu.vector_load %arg10[%swap3A_330, %swap3A_331] {strides = array<i32>} : memref<16x192xf32, #tpu.memory_space<vmem>>, vector<16xf32>,
    tpu.vector_store %arg10[%swap3A_330, %swap3A_331], %broadcast_in_dim3A_5 {strides = array<i32>} : memref<16x192xf32, #tpu.memory_space<vmem>>, vector<16xf32>,
    %swap3A_333 = arith.constant 6 : i32
    %swap3A_334 = arith.index_cast %swap3A_333 : i32 to index
    %swap3A_335 = arith.constant 160 : index
    %swap3A_336 = tpu.vector_load %arg10[%swap3A_334, %swap3A_335] {strides = array<i32>} : memref<16x192xf32, #tpu.memory_space<vmem>>, vector<16xf32>,
    tpu.vector_store %arg10[%swap3A_334, %swap3A_335], %broadcast_in_dim3A_5 {strides = array<i32>} : memref<16x192xf32, #tpu.memory_space<vmem>>, vector<16xf32>,
    %swap3A_337 = arith.constant 6 : i32
    %swap3A_338 = arith.index_cast %swap3A_337 : i32 to index
    %swap3A_339 = arith.constant 176 : index
    %swap3A_340 = tpu.vector_load %arg10[%swap3A_338, %swap3A_339] {strides = array<i32>} : memref<16x192xf32, #tpu.memory_space<vmem>>, vector<16xf32>,
    tpu.vector_store %arg10[%swap3A_338, %swap3A_339], %broadcast_in_dim3A_5 {strides = array<i32>} : memref<16x192xf32, #tpu.memory_space<vmem>>, vector<16xf32>,
    %swap3A_341 = arith.constant 7 : i32
    %swap3A_342 = arith.index_cast %swap3A_341 : i32 to index
    %swap3A_343 = arith.constant 0 : index
    %swap3A_344 = tpu.vector_load %arg10[%swap3A_342, %swap3A_343] {strides = array<i32>} : memref<16x192xf32, #tpu.memory_space<vmem>>, vector<16xf32>,
    tpu.vector_store %arg10[%swap3A_342, %swap3A_343], %broadcast_in_dim3A_5 {strides = array<i32>} : memref<16x192xf32, #tpu.memory_space<vmem>>, vector<16xf32>,
    %swap3A_345 = arith.constant 7 : i32
    %swap3A_346 = arith.index_cast %swap3A_345 : i32 to index
    %swap3A_347 = arith.constant 16 : index
    %swap3A_348 = tpu.vector_load %arg10[%swap3A_346, %swap3A_347] {strides = array<i32>} : memref<16x192xf32, #tpu.memory_space<vmem>>, vector<16xf32>,
    tpu.vector_store %arg10[%swap3A_346, %swap3A_347], %broadcast_in_dim3A_5 {strides = array<i32>} : memref<16x192xf32, #tpu.memory_space<vmem>>, vector<16xf32>,
    %swap3A_349 = arith.constant 7 : i32
    %swap3A_350 = arith.index_cast %swap3A_349 : i32 to index
    %swap3A_351 = arith.constant 32 : index
    %swap3A_352 = tpu.vector_load %arg10[%swap3A_350, %swap3A_351] {strides = array<i32>} : memref<16x192xf32, #tpu.memory_space<vmem>>, vector<16xf32>,
    tpu.vector_store %arg10[%swap3A_350, %swap3A_351], %broadcast_in_dim3A_5 {strides = array<i32>} : memref<16x192xf32, #tpu.memory_space<vmem>>, vector<16xf32>,
    %swap3A_353 = arith.constant 7 : i32
    %swap3A_354 = arith.index_cast %swap3A_353 : i32 to index
    %swap3A_355 = arith.constant 48 : index
    %swap3A_356 = tpu.vector_load %arg10[%swap3A_354, %swap3A_355] {strides = array<i32>} : memref<16x192xf32, #tpu.memory_space<vmem>>, vector<16xf32>,
    tpu.vector_store %arg10[%swap3A_354, %swap3A_355], %broadcast_in_dim3A_5 {strides = array<i32>} : memref<16x192xf32, #tpu.memory_space<vmem>>, vector<16xf32>,
    %swap3A_357 = arith.constant 7 : i32
    %swap3A_358 = arith.index_cast %swap3A_357 : i32 to index
    %swap3A_359 = arith.constant 64 : index
    %swap3A_360 = tpu.vector_load %arg10[%swap3A_358, %swap3A_359] {strides = array<i32>} : memref<16x192xf32, #tpu.memory_space<vmem>>, vector<16xf32>,
    tpu.vector_store %arg10[%swap3A_358, %swap3A_359], %broadcast_in_dim3A_5 {strides = array<i32>} : memref<16x192xf32, #tpu.memory_space<vmem>>, vector<16xf32>,
    %swap3A_361 = arith.constant 7 : i32
    %swap3A_362 = arith.index_cast %swap3A_361 : i32 to index
    %swap3A_363 = arith.constant 80 : index
    %swap3A_364 = tpu.vector_load %arg10[%swap3A_362, %swap3A_363] {strides = array<i32>} : memref<16x192xf32, #tpu.memory_space<vmem>>, vector<16xf32>,
    tpu.vector_store %arg10[%swap3A_362, %swap3A_363], %broadcast_in_dim3A_5 {strides = array<i32>} : memref<16x192xf32, #tpu.memory_space<vmem>>, vector<16xf32>,
    %swap3A_365 = arith.constant 7 : i32
    %swap3A_366 = arith.index_cast %swap3A_365 : i32 to index
    %swap3A_367 = arith.constant 96 : index
    %swap3A_368 = tpu.vector_load %arg10[%swap3A_366, %swap3A_367] {strides = array<i32>} : memref<16x192xf32, #tpu.memory_space<vmem>>, vector<16xf32>,
    tpu.vector_store %arg10[%swap3A_366, %swap3A_367], %broadcast_in_dim3A_5 {strides = array<i32>} : memref<16x192xf32, #tpu.memory_space<vmem>>, vector<16xf32>,
    %swap3A_369 = arith.constant 7 : i32
    %swap3A_370 = arith.index_cast %swap3A_369 : i32 to index
    %swap3A_371 = arith.constant 112 : index
    %swap3A_372 = tpu.vector_load %arg10[%swap3A_370, %swap3A_371] {strides = array<i32>} : memref<16x192xf32, #tpu.memory_space<vmem>>, vector<16xf32>,
    tpu.vector_store %arg10[%swap3A_370, %swap3A_371], %broadcast_in_dim3A_5 {strides = array<i32>} : memref<16x192xf32, #tpu.memory_space<vmem>>, vector<16xf32>,
    %swap3A_373 = arith.constant 7 : i32
    %swap3A_374 = arith.index_cast %swap3A_373 : i32 to index
    %swap3A_375 = arith.constant 128 : index
    %swap3A_376 = tpu.vector_load %arg10[%swap3A_374, %swap3A_375] {strides = array<i32>} : memref<16x192xf32, #tpu.memory_space<vmem>>, vector<16xf32>,
    tpu.vector_store %arg10[%swap3A_374, %swap3A_375], %broadcast_in_dim3A_5 {strides = array<i32>} : memref<16x192xf32, #tpu.memory_space<vmem>>, vector<16xf32>,
    %swap3A_377 = arith.constant 7 : i32
    %swap3A_378 = arith.index_cast %swap3A_377 : i32 to index
    %swap3A_379 = arith.constant 144 : index
    %swap3A_380 = tpu.vector_load %arg10[%swap3A_378, %swap3A_379] {strides = array<i32>} : memref<16x192xf32, #tpu.memory_space<vmem>>, vector<16xf32>,
    tpu.vector_store %arg10[%swap3A_378, %swap3A_379], %broadcast_in_dim3A_5 {strides = array<i32>} : memref<16x192xf32, #tpu.memory_space<vmem>>, vector<16xf32>,
    %swap3A_381 = arith.constant 7 : i32
    %swap3A_382 = arith.index_cast %swap3A_381 : i32 to index
    %swap3A_383 = arith.constant 160 : index
    %swap3A_384 = tpu.vector_load %arg10[%swap3A_382, %swap3A_383] {strides = array<i32>} : memref<16x192xf32, #tpu.memory_space<vmem>>, vector<16xf32>,
    tpu.vector_store %arg10[%swap3A_382, %swap3A_383], %broadcast_in_dim3A_5 {strides = array<i32>} : memref<16x192xf32, #tpu.memory_space<vmem>>, vector<16xf32>,
    %swap3A_385 = arith.constant 7 : i32
    %swap3A_386 = arith.index_cast %swap3A_385 : i32 to index
    %swap3A_387 = arith.constant 176 : index
    %swap3A_388 = tpu.vector_load %arg10[%swap3A_386, %swap3A_387] {strides = array<i32>} : memref<16x192xf32, #tpu.memory_space<vmem>>, vector<16xf32>,
    tpu.vector_store %arg10[%swap3A_386, %swap3A_387], %broadcast_in_dim3A_5 {strides = array<i32>} : memref<16x192xf32, #tpu.memory_space<vmem>>, vector<16xf32>,
    %swap3A_389 = arith.constant 8 : i32
    %swap3A_390 = arith.index_cast %swap3A_389 : i32 to index
    %swap3A_391 = arith.constant 0 : index
    %swap3A_392 = tpu.vector_load %arg10[%swap3A_390, %swap3A_391] {strides = array<i32>} : memref<16x192xf32, #tpu.memory_space<vmem>>, vector<16xf32>,
    tpu.vector_store %arg10[%swap3A_390, %swap3A_391], %broadcast_in_dim3A_5 {strides = array<i32>} : memref<16x192xf32, #tpu.memory_space<vmem>>, vector<16xf32>,
    %swap3A_393 = arith.constant 8 : i32
    %swap3A_394 = arith.index_cast %swap3A_393 : i32 to index
    %swap3A_395 = arith.constant 16 : index
    %swap3A_396 = tpu.vector_load %arg10[%swap3A_394, %swap3A_395] {strides = array<i32>} : memref<16x192xf32, #tpu.memory_space<vmem>>, vector<16xf32>,
    tpu.vector_store %arg10[%swap3A_394, %swap3A_395], %broadcast_in_dim3A_5 {strides = array<i32>} : memref<16x192xf32, #tpu.memory_space<vmem>>, vector<16xf32>,
    %swap3A_397 = arith.constant 8 : i32
    %swap3A_398 = arith.index_cast %swap3A_397 : i32 to index
    %swap3A_399 = arith.constant 32 : index
    %swap3A_400 = tpu.vector_load %arg10[%swap3A_398, %swap3A_399] {strides = array<i32>} : memref<16x192xf32, #tpu.memory_space<vmem>>, vector<16xf32>,
    tpu.vector_store %arg10[%swap3A_398, %swap3A_399], %broadcast_in_dim3A_5 {strides = array<i32>} : memref<16x192xf32, #tpu.memory_space<vmem>>, vector<16xf32>,
    %swap3A_401 = arith.constant 8 : i32
    %swap3A_402 = arith.index_cast %swap3A_401 : i32 to index
    %swap3A_403 = arith.constant 48 : index
    %swap3A_404 = tpu.vector_load %arg10[%swap3A_402, %swap3A_403] {strides = array<i32>} : memref<16x192xf32, #tpu.memory_space<vmem>>, vector<16xf32>,
    tpu.vector_store %arg10[%swap3A_402, %swap3A_403], %broadcast_in_dim3A_5 {strides = array<i32>} : memref<16x192xf32, #tpu.memory_space<vmem>>, vector<16xf32>,
    %swap3A_405 = arith.constant 8 : i32
    %swap3A_406 = arith.index_cast %swap3A_405 : i32 to index
    %swap3A_407 = arith.constant 64 : index
    %swap3A_408 = tpu.vector_load %arg10[%swap3A_406, %swap3A_407] {strides = array<i32>} : memref<16x192xf32, #tpu.memory_space<vmem>>, vector<16xf32>,
    tpu.vector_store %arg10[%swap3A_406, %swap3A_407], %broadcast_in_dim3A_5 {strides = array<i32>} : memref<16x192xf32, #tpu.memory_space<vmem>>, vector<16xf32>,
    %swap3A_409 = arith.constant 8 : i32
    %swap3A_410 = arith.index_cast %swap3A_409 : i32 to index
    %swap3A_411 = arith.constant 80 : index
    %swap3A_412 = tpu.vector_load %arg10[%swap3A_410, %swap3A_411] {strides = array<i32>} : memref<16x192xf32, #tpu.memory_space<vmem>>, vector<16xf32>,
    tpu.vector_store %arg10[%swap3A_410, %swap3A_411], %broadcast_in_dim3A_5 {strides = array<i32>} : memref<16x192xf32, #tpu.memory_space<vmem>>, vector<16xf32>,
    %swap3A_413 = arith.constant 8 : i32
    %swap3A_414 = arith.index_cast %swap3A_413 : i32 to index
    %swap3A_415 = arith.constant 96 : index
    %swap3A_416 = tpu.vector_load %arg10[%swap3A_414, %swap3A_415] {strides = array<i32>} : memref<16x192xf32, #tpu.memory_space<vmem>>, vector<16xf32>,
    tpu.vector_store %arg10[%swap3A_414, %swap3A_415], %broadcast_in_dim3A_5 {strides = array<i32>} : memref<16x192xf32, #tpu.memory_space<vmem>>, vector<16xf32>,
    %swap3A_417 = arith.constant 8 : i32
    %swap3A_418 = arith.index_cast %swap3A_417 : i32 to index
    %swap3A_419 = arith.constant 112 : index
    %swap3A_420 = tpu.vector_load %arg10[%swap3A_418, %swap3A_419] {strides = array<i32>} : memref<16x192xf32, #tpu.memory_space<vmem>>, vector<16xf32>,
    tpu.vector_store %arg10[%swap3A_418, %swap3A_419], %broadcast_in_dim3A_5 {strides = array<i32>} : memref<16x192xf32, #tpu.memory_space<vmem>>, vector<16xf32>,
    %swap3A_421 = arith.constant 8 : i32
    %swap3A_422 = arith.index_cast %swap3A_421 : i32 to index
    %swap3A_423 = arith.constant 128 : index
    %swap3A_424 = tpu.vector_load %arg10[%swap3A_422, %swap3A_423] {strides = array<i32>} : memref<16x192xf32, #tpu.memory_space<vmem>>, vector<16xf32>,
    tpu.vector_store %arg10[%swap3A_422, %swap3A_423], %broadcast_in_dim3A_5 {strides = array<i32>} : memref<16x192xf32, #tpu.memory_space<vmem>>, vector<16xf32>,
    %swap3A_425 = arith.constant 8 : i32
    %swap3A_426 = arith.index_cast %swap3A_425 : i32 to index
    %swap3A_427 = arith.constant 144 : index
    %swap3A_428 = tpu.vector_load %arg10[%swap3A_426, %swap3A_427] {strides = array<i32>} : memref<16x192xf32, #tpu.memory_space<vmem>>, vector<16xf32>,
    tpu.vector_store %arg10[%swap3A_426, %swap3A_427], %broadcast_in_dim3A_5 {strides = array<i32>} : memref<16x192xf32, #tpu.memory_space<vmem>>, vector<16xf32>,
    %swap3A_429 = arith.constant 8 : i32
    %swap3A_430 = arith.index_cast %swap3A_429 : i32 to index
    %swap3A_431 = arith.constant 160 : index
    %swap3A_432 = tpu.vector_load %arg10[%swap3A_430, %swap3A_431] {strides = array<i32>} : memref<16x192xf32, #tpu.memory_space<vmem>>, vector<16xf32>,
    tpu.vector_store %arg10[%swap3A_430, %swap3A_431], %broadcast_in_dim3A_5 {strides = array<i32>} : memref<16x192xf32, #tpu.memory_space<vmem>>, vector<16xf32>,
    %swap3A_433 = arith.constant 8 : i32
    %swap3A_434 = arith.index_cast %swap3A_433 : i32 to index
    %swap3A_435 = arith.constant 176 : index
    %swap3A_436 = tpu.vector_load %arg10[%swap3A_434, %swap3A_435] {strides = array<i32>} : memref<16x192xf32, #tpu.memory_space<vmem>>, vector<16xf32>,
    tpu.vector_store %arg10[%swap3A_434, %swap3A_435], %broadcast_in_dim3A_5 {strides = array<i32>} : memref<16x192xf32, #tpu.memory_space<vmem>>, vector<16xf32>,
    %swap3A_437 = arith.constant 9 : i32
    %swap3A_438 = arith.index_cast %swap3A_437 : i32 to index
    %swap3A_439 = arith.constant 0 : index
    %swap3A_440 = tpu.vector_load %arg10[%swap3A_438, %swap3A_439] {strides = array<i32>} : memref<16x192xf32, #tpu.memory_space<vmem>>, vector<16xf32>,
    tpu.vector_store %arg10[%swap3A_438, %swap3A_439], %broadcast_in_dim3A_5 {strides = array<i32>} : memref<16x192xf32, #tpu.memory_space<vmem>>, vector<16xf32>,
    %swap3A_441 = arith.constant 9 : i32
    %swap3A_442 = arith.index_cast %swap3A_441 : i32 to index
    %swap3A_443 = arith.constant 16 : index
    %swap3A_444 = tpu.vector_load %arg10[%swap3A_442, %swap3A_443] {strides = array<i32>} : memref<16x192xf32, #tpu.memory_space<vmem>>, vector<16xf32>,
    tpu.vector_store %arg10[%swap3A_442, %swap3A_443], %broadcast_in_dim3A_5 {strides = array<i32>} : memref<16x192xf32, #tpu.memory_space<vmem>>, vector<16xf32>,
    %swap3A_445 = arith.constant 9 : i32
    %swap3A_446 = arith.index_cast %swap3A_445 : i32 to index
    %swap3A_447 = arith.constant 32 : index
    %swap3A_448 = tpu.vector_load %arg10[%swap3A_446, %swap3A_447] {strides = array<i32>} : memref<16x192xf32, #tpu.memory_space<vmem>>, vector<16xf32>,
    tpu.vector_store %arg10[%swap3A_446, %swap3A_447], %broadcast_in_dim3A_5 {strides = array<i32>} : memref<16x192xf32, #tpu.memory_space<vmem>>, vector<16xf32>,
    %swap3A_449 = arith.constant 9 : i32
    %swap3A_450 = arith.index_cast %swap3A_449 : i32 to index
    %swap3A_451 = arith.constant 48 : index
    %swap3A_452 = tpu.vector_load %arg10[%swap3A_450, %swap3A_451] {strides = array<i32>} : memref<16x192xf32, #tpu.memory_space<vmem>>, vector<16xf32>,
    tpu.vector_store %arg10[%swap3A_450, %swap3A_451], %broadcast_in_dim3A_5 {strides = array<i32>} : memref<16x192xf32, #tpu.memory_space<vmem>>, vector<16xf32>,
    %swap3A_453 = arith.constant 9 : i32
    %swap3A_454 = arith.index_cast %swap3A_453 : i32 to index
    %swap3A_455 = arith.constant 64 : index
    %swap3A_456 = tpu.vector_load %arg10[%swap3A_454, %swap3A_455] {strides = array<i32>} : memref<16x192xf32, #tpu.memory_space<vmem>>, vector<16xf32>,
    tpu.vector_store %arg10[%swap3A_454, %swap3A_455], %broadcast_in_dim3A_5 {strides = array<i32>} : memref<16x192xf32, #tpu.memory_space<vmem>>, vector<16xf32>,
    %swap3A_457 = arith.constant 9 : i32
    %swap3A_458 = arith.index_cast %swap3A_457 : i32 to index
    %swap3A_459 = arith.constant 80 : index
    %swap3A_460 = tpu.vector_load %arg10[%swap3A_458, %swap3A_459] {strides = array<i32>} : memref<16x192xf32, #tpu.memory_space<vmem>>, vector<16xf32>,
    tpu.vector_store %arg10[%swap3A_458, %swap3A_459], %broadcast_in_dim3A_5 {strides = array<i32>} : memref<16x192xf32, #tpu.memory_space<vmem>>, vector<16xf32>,
    %swap3A_461 = arith.constant 9 : i32
    %swap3A_462 = arith.index_cast %swap3A_461 : i32 to index
    %swap3A_463 = arith.constant 96 : index
    %swap3A_464 = tpu.vector_load %arg10[%swap3A_462, %swap3A_463] {strides = array<i32>} : memref<16x192xf32, #tpu.memory_space<vmem>>, vector<16xf32>,
    tpu.vector_store %arg10[%swap3A_462, %swap3A_463], %broadcast_in_dim3A_5 {strides = array<i32>} : memref<16x192xf32, #tpu.memory_space<vmem>>, vector<16xf32>,
    %swap3A_465 = arith.constant 9 : i32
    %swap3A_466 = arith.index_cast %swap3A_465 : i32 to index
    %swap3A_467 = arith.constant 112 : index
    %swap3A_468 = tpu.vector_load %arg10[%swap3A_466, %swap3A_467] {strides = array<i32>} : memref<16x192xf32, #tpu.memory_space<vmem>>, vector<16xf32>,
    tpu.vector_store %arg10[%swap3A_466, %swap3A_467], %broadcast_in_dim3A_5 {strides = array<i32>} : memref<16x192xf32, #tpu.memory_space<vmem>>, vector<16xf32>,
    %swap3A_469 = arith.constant 9 : i32
    %swap3A_470 = arith.index_cast %swap3A_469 : i32 to index
    %swap3A_471 = arith.constant 128 : index
    %swap3A_472 = tpu.vector_load %arg10[%swap3A_470, %swap3A_471] {strides = array<i32>} : memref<16x192xf32, #tpu.memory_space<vmem>>, vector<16xf32>,
    tpu.vector_store %arg10[%swap3A_470, %swap3A_471], %broadcast_in_dim3A_5 {strides = array<i32>} : memref<16x192xf32, #tpu.memory_space<vmem>>, vector<16xf32>,
    %swap3A_473 = arith.constant 9 : i32
    %swap3A_474 = arith.index_cast %swap3A_473 : i32 to index
    %swap3A_475 = arith.constant 144 : index
    %swap3A_476 = tpu.vector_load %arg10[%swap3A_474, %swap3A_475] {strides = array<i32>} : memref<16x192xf32, #tpu.memory_space<vmem>>, vector<16xf32>,
    tpu.vector_store %arg10[%swap3A_474, %swap3A_475], %broadcast_in_dim3A_5 {strides = array<i32>} : memref<16x192xf32, #tpu.memory_space<vmem>>, vector<16xf32>,
    %swap3A_477 = arith.constant 9 : i32
    %swap3A_478 = arith.index_cast %swap3A_477 : i32 to index
    %swap3A_479 = arith.constant 160 : index
    %swap3A_480 = tpu.vector_load %arg10[%swap3A_478, %swap3A_479] {strides = array<i32>} : memref<16x192xf32, #tpu.memory_space<vmem>>, vector<16xf32>,
    tpu.vector_store %arg10[%swap3A_478, %swap3A_479], %broadcast_in_dim3A_5 {strides = array<i32>} : memref<16x192xf32, #tpu.memory_space<vmem>>, vector<16xf32>,
    %swap3A_481 = arith.constant 9 : i32
    %swap3A_482 = arith.index_cast %swap3A_481 : i32 to index
    %swap3A_483 = arith.constant 176 : index
    %swap3A_484 = tpu.vector_load %arg10[%swap3A_482, %swap3A_483] {strides = array<i32>} : memref<16x192xf32, #tpu.memory_space<vmem>>, vector<16xf32>,
    tpu.vector_store %arg10[%swap3A_482, %swap3A_483], %broadcast_in_dim3A_5 {strides = array<i32>} : memref<16x192xf32, #tpu.memory_space<vmem>>, vector<16xf32>,
    %swap3A_485 = arith.constant 10 : i32
    %swap3A_486 = arith.index_cast %swap3A_485 : i32 to index
    %swap3A_487 = arith.constant 0 : index
    %swap3A_488 = tpu.vector_load %arg10[%swap3A_486, %swap3A_487] {strides = array<i32>} : memref<16x192xf32, #tpu.memory_space<vmem>>, vector<16xf32>,
    tpu.vector_store %arg10[%swap3A_486, %swap3A_487], %broadcast_in_dim3A_5 {strides = array<i32>} : memref<16x192xf32, #tpu.memory_space<vmem>>, vector<16xf32>,
    %swap3A_489 = arith.constant 10 : i32
    %swap3A_490 = arith.index_cast %swap3A_489 : i32 to index
    %swap3A_491 = arith.constant 16 : index
    %swap3A_492 = tpu.vector_load %arg10[%swap3A_490, %swap3A_491] {strides = array<i32>} : memref<16x192xf32, #tpu.memory_space<vmem>>, vector<16xf32>,
    tpu.vector_store %arg10[%swap3A_490, %swap3A_491], %broadcast_in_dim3A_5 {strides = array<i32>} : memref<16x192xf32, #tpu.memory_space<vmem>>, vector<16xf32>,
    %swap3A_493 = arith.constant 10 : i32
    %swap3A_494 = arith.index_cast %swap3A_493 : i32 to index
    %swap3A_495 = arith.constant 32 : index
    %swap3A_496 = tpu.vector_load %arg10[%swap3A_494, %swap3A_495] {strides = array<i32>} : memref<16x192xf32, #tpu.memory_space<vmem>>, vector<16xf32>,
    tpu.vector_store %arg10[%swap3A_494, %swap3A_495], %broadcast_in_dim3A_5 {strides = array<i32>} : memref<16x192xf32, #tpu.memory_space<vmem>>, vector<16xf32>,
    %swap3A_497 = arith.constant 10 : i32
    %swap3A_498 = arith.index_cast %swap3A_497 : i32 to index
    %swap3A_499 = arith.constant 48 : index
    %swap3A_500 = tpu.vector_load %arg10[%swap3A_498, %swap3A_499] {strides = array<i32>} : memref<16x192xf32, #tpu.memory_space<vmem>>, vector<16xf32>,
    tpu.vector_store %arg10[%swap3A_498, %swap3A_499], %broadcast_in_dim3A_5 {strides = array<i32>} : memref<16x192xf32, #tpu.memory_space<vmem>>, vector<16xf32>,
    %swap3A_501 = arith.constant 10 : i32
    %swap3A_502 = arith.index_cast %swap3A_501 : i32 to index
    %swap3A_503 = arith.constant 64 : index
    %swap3A_504 = tpu.vector_load %arg10[%swap3A_502, %swap3A_503] {strides = array<i32>} : memref<16x192xf32, #tpu.memory_space<vmem>>, vector<16xf32>,
    tpu.vector_store %arg10[%swap3A_502, %swap3A_503], %broadcast_in_dim3A_5 {strides = array<i32>} : memref<16x192xf32, #tpu.memory_space<vmem>>, vector<16xf32>,
    %swap3A_505 = arith.constant 10 : i32
    %swap3A_506 = arith.index_cast %swap3A_505 : i32 to index
    %swap3A_507 = arith.constant 80 : index
    %swap3A_508 = tpu.vector_load %arg10[%swap3A_506, %swap3A_507] {strides = array<i32>} : memref<16x192xf32, #tpu.memory_space<vmem>>, vector<16xf32>,
    tpu.vector_store %arg10[%swap3A_506, %swap3A_507], %broadcast_in_dim3A_5 {strides = array<i32>} : memref<16x192xf32, #tpu.memory_space<vmem>>, vector<16xf32>,
    %swap3A_509 = arith.constant 10 : i32
    %swap3A_510 = arith.index_cast %swap3A_509 : i32 to index
    %swap3A_511 = arith.constant 96 : index
    %swap3A_512 = tpu.vector_load %arg10[%swap3A_510, %swap3A_511] {strides = array<i32>} : memref<16x192xf32, #tpu.memory_space<vmem>>, vector<16xf32>,
    tpu.vector_store %arg10[%swap3A_510, %swap3A_511], %broadcast_in_dim3A_5 {strides = array<i32>} : memref<16x192xf32, #tpu.memory_space<vmem>>, vector<16xf32>,
    %swap3A_513 = arith.constant 10 : i32
    %swap3A_514 = arith.index_cast %swap3A_513 : i32 to index
    %swap3A_515 = arith.constant 112 : index
    %swap3A_516 = tpu.vector_load %arg10[%swap3A_514, %swap3A_515] {strides = array<i32>} : memref<16x192xf32, #tpu.memory_space<vmem>>, vector<16xf32>,
    tpu.vector_store %arg10[%swap3A_514, %swap3A_515], %broadcast_in_dim3A_5 {strides = array<i32>} : memref<16x192xf32, #tpu.memory_space<vmem>>, vector<16xf32>,
    %swap3A_517 = arith.constant 10 : i32
    %swap3A_518 = arith.index_cast %swap3A_517 : i32 to index
    %swap3A_519 = arith.constant 128 : index
    %swap3A_520 = tpu.vector_load %arg10[%swap3A_518, %swap3A_519] {strides = array<i32>} : memref<16x192xf32, #tpu.memory_space<vmem>>, vector<16xf32>,
    tpu.vector_store %arg10[%swap3A_518, %swap3A_519], %broadcast_in_dim3A_5 {strides = array<i32>} : memref<16x192xf32, #tpu.memory_space<vmem>>, vector<16xf32>,
    %swap3A_521 = arith.constant 10 : i32
    %swap3A_522 = arith.index_cast %swap3A_521 : i32 to index
    %swap3A_523 = arith.constant 144 : index
    %swap3A_524 = tpu.vector_load %arg10[%swap3A_522, %swap3A_523] {strides = array<i32>} : memref<16x192xf32, #tpu.memory_space<vmem>>, vector<16xf32>,
    tpu.vector_store %arg10[%swap3A_522, %swap3A_523], %broadcast_in_dim3A_5 {strides = array<i32>} : memref<16x192xf32, #tpu.memory_space<vmem>>, vector<16xf32>,
    %swap3A_525 = arith.constant 10 : i32
    %swap3A_526 = arith.index_cast %swap3A_525 : i32 to index
    %swap3A_527 = arith.constant 160 : index
    %swap3A_528 = tpu.vector_load %arg10[%swap3A_526, %swap3A_527] {strides = array<i32>} : memref<16x192xf32, #tpu.memory_space<vmem>>, vector<16xf32>,
    tpu.vector_store %arg10[%swap3A_526, %swap3A_527], %broadcast_in_dim3A_5 {strides = array<i32>} : memref<16x192xf32, #tpu.memory_space<vmem>>, vector<16xf32>,
    %swap3A_529 = arith.constant 10 : i32
    %swap3A_530 = arith.index_cast %swap3A_529 : i32 to index
    %swap3A_531 = arith.constant 176 : index
    %swap3A_532 = tpu.vector_load %arg10[%swap3A_530, %swap3A_531] {strides = array<i32>} : memref<16x192xf32, #tpu.memory_space<vmem>>, vector<16xf32>,
    tpu.vector_store %arg10[%swap3A_530, %swap3A_531], %broadcast_in_dim3A_5 {strides = array<i32>} : memref<16x192xf32, #tpu.memory_space<vmem>>, vector<16xf32>,
    %swap3A_533 = arith.constant 11 : i32
    %swap3A_534 = arith.index_cast %swap3A_533 : i32 to index
    %swap3A_535 = arith.constant 0 : index
    %swap3A_536 = tpu.vector_load %arg10[%swap3A_534, %swap3A_535] {strides = array<i32>} : memref<16x192xf32, #tpu.memory_space<vmem>>, vector<16xf32>,
    tpu.vector_store %arg10[%swap3A_534, %swap3A_535], %broadcast_in_dim3A_5 {strides = array<i32>} : memref<16x192xf32, #tpu.memory_space<vmem>>, vector<16xf32>,
    %swap3A_537 = arith.constant 11 : i32
    %swap3A_538 = arith.index_cast %swap3A_537 : i32 to index
    %swap3A_539 = arith.constant 16 : index
    %swap3A_540 = tpu.vector_load %arg10[%swap3A_538, %swap3A_539] {strides = array<i32>} : memref<16x192xf32, #tpu.memory_space<vmem>>, vector<16xf32>,
    tpu.vector_store %arg10[%swap3A_538, %swap3A_539], %broadcast_in_dim3A_5 {strides = array<i32>} : memref<16x192xf32, #tpu.memory_space<vmem>>, vector<16xf32>,
    %swap3A_541 = arith.constant 11 : i32
    %swap3A_542 = arith.index_cast %swap3A_541 : i32 to index
    %swap3A_543 = arith.constant 32 : index
    %swap3A_544 = tpu.vector_load %arg10[%swap3A_542, %swap3A_543] {strides = array<i32>} : memref<16x192xf32, #tpu.memory_space<vmem>>, vector<16xf32>,
    tpu.vector_store %arg10[%swap3A_542, %swap3A_543], %broadcast_in_dim3A_5 {strides = array<i32>} : memref<16x192xf32, #tpu.memory_space<vmem>>, vector<16xf32>,
    %swap3A_545 = arith.constant 11 : i32
    %swap3A_546 = arith.index_cast %swap3A_545 : i32 to index
    %swap3A_547 = arith.constant 48 : index
    %swap3A_548 = tpu.vector_load %arg10[%swap3A_546, %swap3A_547] {strides = array<i32>} : memref<16x192xf32, #tpu.memory_space<vmem>>, vector<16xf32>,
    tpu.vector_store %arg10[%swap3A_546, %swap3A_547], %broadcast_in_dim3A_5 {strides = array<i32>} : memref<16x192xf32, #tpu.memory_space<vmem>>, vector<16xf32>,
    %swap3A_549 = arith.constant 11 : i32
    %swap3A_550 = arith.index_cast %swap3A_549 : i32 to index
    %swap3A_551 = arith.constant 64 : index
    %swap3A_552 = tpu.vector_load %arg10[%swap3A_550, %swap3A_551] {strides = array<i32>} : memref<16x192xf32, #tpu.memory_space<vmem>>, vector<16xf32>,
    tpu.vector_store %arg10[%swap3A_550, %swap3A_551], %broadcast_in_dim3A_5 {strides = array<i32>} : memref<16x192xf32, #tpu.memory_space<vmem>>, vector<16xf32>,
    %swap3A_553 = arith.constant 11 : i32
    %swap3A_554 = arith.index_cast %swap3A_553 : i32 to index
    %swap3A_555 = arith.constant 80 : index
    %swap3A_556 = tpu.vector_load %arg10[%swap3A_554, %swap3A_555] {strides = array<i32>} : memref<16x192xf32, #tpu.memory_space<vmem>>, vector<16xf32>,
    tpu.vector_store %arg10[%swap3A_554, %swap3A_555], %broadcast_in_dim3A_5 {strides = array<i32>} : memref<16x192xf32, #tpu.memory_space<vmem>>, vector<16xf32>,
    %swap3A_557 = arith.constant 11 : i32
    %swap3A_558 = arith.index_cast %swap3A_557 : i32 to index
    %swap3A_559 = arith.constant 96 : index
    %swap3A_560 = tpu.vector_load %arg10[%swap3A_558, %swap3A_559] {strides = array<i32>} : memref<16x192xf32, #tpu.memory_space<vmem>>, vector<16xf32>,
    tpu.vector_store %arg10[%swap3A_558, %swap3A_559], %broadcast_in_dim3A_5 {strides = array<i32>} : memref<16x192xf32, #tpu.memory_space<vmem>>, vector<16xf32>,
    %swap3A_561 = arith.constant 11 : i32
    %swap3A_562 = arith.index_cast %swap3A_561 : i32 to index
    %swap3A_563 = arith.constant 112 : index
    %swap3A_564 = tpu.vector_load %arg10[%swap3A_562, %swap3A_563] {strides = array<i32>} : memref<16x192xf32, #tpu.memory_space<vmem>>, vector<16xf32>,
    tpu.vector_store %arg10[%swap3A_562, %swap3A_563], %broadcast_in_dim3A_5 {strides = array<i32>} : memref<16x192xf32, #tpu.memory_space<vmem>>, vector<16xf32>,
    %swap3A_565 = arith.constant 11 : i32
    %swap3A_566 = arith.index_cast %swap3A_565 : i32 to index
    %swap3A_567 = arith.constant 128 : index
    %swap3A_568 = tpu.vector_load %arg10[%swap3A_566, %swap3A_567] {strides = array<i32>} : memref<16x192xf32, #tpu.memory_space<vmem>>, vector<16xf32>,
    tpu.vector_store %arg10[%swap3A_566, %swap3A_567], %broadcast_in_dim3A_5 {strides = array<i32>} : memref<16x192xf32, #tpu.memory_space<vmem>>, vector<16xf32>,
    %swap3A_569 = arith.constant 11 : i32
    %swap3A_570 = arith.index_cast %swap3A_569 : i32 to index
    %swap3A_571 = arith.constant 144 : index
    %swap3A_572 = tpu.vector_load %arg10[%swap3A_570, %swap3A_571] {strides = array<i32>} : memref<16x192xf32, #tpu.memory_space<vmem>>, vector<16xf32>,
    tpu.vector_store %arg10[%swap3A_570, %swap3A_571], %broadcast_in_dim3A_5 {strides = array<i32>} : memref<16x192xf32, #tpu.memory_space<vmem>>, vector<16xf32>,
    %swap3A_573 = arith.constant 11 : i32
    %swap3A_574 = arith.index_cast %swap3A_573 : i32 to index
    %swap3A_575 = arith.constant 160 : index
    %swap3A_576 = tpu.vector_load %arg10[%swap3A_574, %swap3A_575] {strides = array<i32>} : memref<16x192xf32, #tpu.memory_space<vmem>>, vector<16xf32>,
    tpu.vector_store %arg10[%swap3A_574, %swap3A_575], %broadcast_in_dim3A_5 {strides = array<i32>} : memref<16x192xf32, #tpu.memory_space<vmem>>, vector<16xf32>,
    %swap3A_577 = arith.constant 11 : i32
    %swap3A_578 = arith.index_cast %swap3A_577 : i32 to index
    %swap3A_579 = arith.constant 176 : index
    %swap3A_580 = tpu.vector_load %arg10[%swap3A_578, %swap3A_579] {strides = array<i32>} : memref<16x192xf32, #tpu.memory_space<vmem>>, vector<16xf32>,
    tpu.vector_store %arg10[%swap3A_578, %swap3A_579], %broadcast_in_dim3A_5 {strides = array<i32>} : memref<16x192xf32, #tpu.memory_space<vmem>>, vector<16xf32>,
    %swap3A_581 = arith.constant 12 : i32
    %swap3A_582 = arith.index_cast %swap3A_581 : i32 to index
    %swap3A_583 = arith.constant 0 : index
    %swap3A_584 = tpu.vector_load %arg10[%swap3A_582, %swap3A_583] {strides = array<i32>} : memref<16x192xf32, #tpu.memory_space<vmem>>, vector<16xf32>,
    tpu.vector_store %arg10[%swap3A_582, %swap3A_583], %broadcast_in_dim3A_5 {strides = array<i32>} : memref<16x192xf32, #tpu.memory_space<vmem>>, vector<16xf32>,
    %swap3A_585 = arith.constant 12 : i32
    %swap3A_586 = arith.index_cast %swap3A_585 : i32 to index
    %swap3A_587 = arith.constant 16 : index
    %swap3A_588 = tpu.vector_load %arg10[%swap3A_586, %swap3A_587] {strides = array<i32>} : memref<16x192xf32, #tpu.memory_space<vmem>>, vector<16xf32>,
    tpu.vector_store %arg10[%swap3A_586, %swap3A_587], %broadcast_in_dim3A_5 {strides = array<i32>} : memref<16x192xf32, #tpu.memory_space<vmem>>, vector<16xf32>,
    %swap3A_589 = arith.constant 12 : i32
    %swap3A_590 = arith.index_cast %swap3A_589 : i32 to index
    %swap3A_591 = arith.constant 32 : index
    %swap3A_592 = tpu.vector_load %arg10[%swap3A_590, %swap3A_591] {strides = array<i32>} : memref<16x192xf32, #tpu.memory_space<vmem>>, vector<16xf32>,
    tpu.vector_store %arg10[%swap3A_590, %swap3A_591], %broadcast_in_dim3A_5 {strides = array<i32>} : memref<16x192xf32, #tpu.memory_space<vmem>>, vector<16xf32>,
    %swap3A_593 = arith.constant 12 : i32
    %swap3A_594 = arith.index_cast %swap3A_593 : i32 to index
    %swap3A_595 = arith.constant 48 : index
    %swap3A_596 = tpu.vector_load %arg10[%swap3A_594, %swap3A_595] {strides = array<i32>} : memref<16x192xf32, #tpu.memory_space<vmem>>, vector<16xf32>,
    tpu.vector_store %arg10[%swap3A_594, %swap3A_595], %broadcast_in_dim3A_5 {strides = array<i32>} : memref<16x192xf32, #tpu.memory_space<vmem>>, vector<16xf32>,
    %swap3A_597 = arith.constant 12 : i32
    %swap3A_598 = arith.index_cast %swap3A_597 : i32 to index
    %swap3A_599 = arith.constant 64 : index
    %swap3A_600 = tpu.vector_load %arg10[%swap3A_598, %swap3A_599] {strides = array<i32>} : memref<16x192xf32, #tpu.memory_space<vmem>>, vector<16xf32>,
    tpu.vector_store %arg10[%swap3A_598, %swap3A_599], %broadcast_in_dim3A_5 {strides = array<i32>} : memref<16x192xf32, #tpu.memory_space<vmem>>, vector<16xf32>,
    %swap3A_601 = arith.constant 12 : i32
    %swap3A_602 = arith.index_cast %swap3A_601 : i32 to index
    %swap3A_603 = arith.constant 80 : index
    %swap3A_604 = tpu.vector_load %arg10[%swap3A_602, %swap3A_603] {strides = array<i32>} : memref<16x192xf32, #tpu.memory_space<vmem>>, vector<16xf32>,
    tpu.vector_store %arg10[%swap3A_602, %swap3A_603], %broadcast_in_dim3A_5 {strides = array<i32>} : memref<16x192xf32, #tpu.memory_space<vmem>>, vector<16xf32>,
    %swap3A_605 = arith.constant 12 : i32
    %swap3A_606 = arith.index_cast %swap3A_605 : i32 to index
    %swap3A_607 = arith.constant 96 : index
    %swap3A_608 = tpu.vector_load %arg10[%swap3A_606, %swap3A_607] {strides = array<i32>} : memref<16x192xf32, #tpu.memory_space<vmem>>, vector<16xf32>,
    tpu.vector_store %arg10[%swap3A_606, %swap3A_607], %broadcast_in_dim3A_5 {strides = array<i32>} : memref<16x192xf32, #tpu.memory_space<vmem>>, vector<16xf32>,
    %swap3A_609 = arith.constant 12 : i32
    %swap3A_610 = arith.index_cast %swap3A_609 : i32 to index
    %swap3A_611 = arith.constant 112 : index
    %swap3A_612 = tpu.vector_load %arg10[%swap3A_610, %swap3A_611] {strides = array<i32>} : memref<16x192xf32, #tpu.memory_space<vmem>>, vector<16xf32>,
    tpu.vector_store %arg10[%swap3A_610, %swap3A_611], %broadcast_in_dim3A_5 {strides = array<i32>} : memref<16x192xf32, #tpu.memory_space<vmem>>, vector<16xf32>,
    %swap3A_613 = arith.constant 12 : i32
    %swap3A_614 = arith.index_cast %swap3A_613 : i32 to index
    %swap3A_615 = arith.constant 128 : index
    %swap3A_616 = tpu.vector_load %arg10[%swap3A_614, %swap3A_615] {strides = array<i32>} : memref<16x192xf32, #tpu.memory_space<vmem>>, vector<16xf32>,
    tpu.vector_store %arg10[%swap3A_614, %swap3A_615], %broadcast_in_dim3A_5 {strides = array<i32>} : memref<16x192xf32, #tpu.memory_space<vmem>>, vector<16xf32>,
    %swap3A_617 = arith.constant 12 : i32
    %swap3A_618 = arith.index_cast %swap3A_617 : i32 to index
    %swap3A_619 = arith.constant 144 : index
    %swap3A_620 = tpu.vector_load %arg10[%swap3A_618, %swap3A_619] {strides = array<i32>} : memref<16x192xf32, #tpu.memory_space<vmem>>, vector<16xf32>,
    tpu.vector_store %arg10[%swap3A_618, %swap3A_619], %broadcast_in_dim3A_5 {strides = array<i32>} : memref<16x192xf32, #tpu.memory_space<vmem>>, vector<16xf32>,
    %swap3A_621 = arith.constant 12 : i32
    %swap3A_622 = arith.index_cast %swap3A_621 : i32 to index
    %swap3A_623 = arith.constant 160 : index
    %swap3A_624 = tpu.vector_load %arg10[%swap3A_622, %swap3A_623] {strides = array<i32>} : memref<16x192xf32, #tpu.memory_space<vmem>>, vector<16xf32>,
    tpu.vector_store %arg10[%swap3A_622, %swap3A_623], %broadcast_in_dim3A_5 {strides = array<i32>} : memref<16x192xf32, #tpu.memory_space<vmem>>, vector<16xf32>,
    %swap3A_625 = arith.constant 12 : i32
    %swap3A_626 = arith.index_cast %swap3A_625 : i32 to index
    %swap3A_627 = arith.constant 176 : index
    %swap3A_628 = tpu.vector_load %arg10[%swap3A_626, %swap3A_627] {strides = array<i32>} : memref<16x192xf32, #tpu.memory_space<vmem>>, vector<16xf32>,
    tpu.vector_store %arg10[%swap3A_626, %swap3A_627], %broadcast_in_dim3A_5 {strides = array<i32>} : memref<16x192xf32, #tpu.memory_space<vmem>>, vector<16xf32>,
    %swap3A_629 = arith.constant 13 : i32
    %swap3A_630 = arith.index_cast %swap3A_629 : i32 to index
    %swap3A_631 = arith.constant 0 : index
    %swap3A_632 = tpu.vector_load %arg10[%swap3A_630, %swap3A_631] {strides = array<i32>} : memref<16x192xf32, #tpu.memory_space<vmem>>, vector<16xf32>,
    tpu.vector_store %arg10[%swap3A_630, %swap3A_631], %broadcast_in_dim3A_5 {strides = array<i32>} : memref<16x192xf32, #tpu.memory_space<vmem>>, vector<16xf32>,
    %swap3A_633 = arith.constant 13 : i32
    %swap3A_634 = arith.index_cast %swap3A_633 : i32 to index
    %swap3A_635 = arith.constant 16 : index
    %swap3A_636 = tpu.vector_load %arg10[%swap3A_634, %swap3A_635] {strides = array<i32>} : memref<16x192xf32, #tpu.memory_space<vmem>>, vector<16xf32>,
    tpu.vector_store %arg10[%swap3A_634, %swap3A_635], %broadcast_in_dim3A_5 {strides = array<i32>} : memref<16x192xf32, #tpu.memory_space<vmem>>, vector<16xf32>,
    %swap3A_637 = arith.constant 13 : i32
    %swap3A_638 = arith.index_cast %swap3A_637 : i32 to index
    %swap3A_639 = arith.constant 32 : index
    %swap3A_640 = tpu.vector_load %arg10[%swap3A_638, %swap3A_639] {strides = array<i32>} : memref<16x192xf32, #tpu.memory_space<vmem>>, vector<16xf32>,
    tpu.vector_store %arg10[%swap3A_638, %swap3A_639], %broadcast_in_dim3A_5 {strides = array<i32>} : memref<16x192xf32, #tpu.memory_space<vmem>>, vector<16xf32>,
    %swap3A_641 = arith.constant 13 : i32
    %swap3A_642 = arith.index_cast %swap3A_641 : i32 to index
    %swap3A_643 = arith.constant 48 : index
    %swap3A_644 = tpu.vector_load %arg10[%swap3A_642, %swap3A_643] {strides = array<i32>} : memref<16x192xf32, #tpu.memory_space<vmem>>, vector<16xf32>,
    tpu.vector_store %arg10[%swap3A_642, %swap3A_643], %broadcast_in_dim3A_5 {strides = array<i32>} : memref<16x192xf32, #tpu.memory_space<vmem>>, vector<16xf32>,
    %swap3A_645 = arith.constant 13 : i32
    %swap3A_646 = arith.index_cast %swap3A_645 : i32 to index
    %swap3A_647 = arith.constant 64 : index
    %swap3A_648 = tpu.vector_load %arg10[%swap3A_646, %swap3A_647] {strides = array<i32>} : memref<16x192xf32, #tpu.memory_space<vmem>>, vector<16xf32>,
    tpu.vector_store %arg10[%swap3A_646, %swap3A_647], %broadcast_in_dim3A_5 {strides = array<i32>} : memref<16x192xf32, #tpu.memory_space<vmem>>, vector<16xf32>,
    %swap3A_649 = arith.constant 13 : i32
    %swap3A_650 = arith.index_cast %swap3A_649 : i32 to index
    %swap3A_651 = arith.constant 80 : index
    %swap3A_652 = tpu.vector_load %arg10[%swap3A_650, %swap3A_651] {strides = array<i32>} : memref<16x192xf32, #tpu.memory_space<vmem>>, vector<16xf32>,
    tpu.vector_store %arg10[%swap3A_650, %swap3A_651], %broadcast_in_dim3A_5 {strides = array<i32>} : memref<16x192xf32, #tpu.memory_space<vmem>>, vector<16xf32>,
    %swap3A_653 = arith.constant 13 : i32
    %swap3A_654 = arith.index_cast %swap3A_653 : i32 to index
    %swap3A_655 = arith.constant 96 : index
    %swap3A_656 = tpu.vector_load %arg10[%swap3A_654, %swap3A_655] {strides = array<i32>} : memref<16x192xf32, #tpu.memory_space<vmem>>, vector<16xf32>,
    tpu.vector_store %arg10[%swap3A_654, %swap3A_655], %broadcast_in_dim3A_5 {strides = array<i32>} : memref<16x192xf32, #tpu.memory_space<vmem>>, vector<16xf32>,
    %swap3A_657 = arith.constant 13 : i32
    %swap3A_658 = arith.index_cast %swap3A_657 : i32 to index
    %swap3A_659 = arith.constant 112 : index
    %swap3A_660 = tpu.vector_load %arg10[%swap3A_658, %swap3A_659] {strides = array<i32>} : memref<16x192xf32, #tpu.memory_space<vmem>>, vector<16xf32>,
    tpu.vector_store %arg10[%swap3A_658, %swap3A_659], %broadcast_in_dim3A_5 {strides = array<i32>} : memref<16x192xf32, #tpu.memory_space<vmem>>, vector<16xf32>,
    %swap3A_661 = arith.constant 13 : i32
    %swap3A_662 = arith.index_cast %swap3A_661 : i32 to index
    %swap3A_663 = arith.constant 128 : index
    %swap3A_664 = tpu.vector_load %arg10[%swap3A_662, %swap3A_663] {strides = array<i32>} : memref<16x192xf32, #tpu.memory_space<vmem>>, vector<16xf32>,
    tpu.vector_store %arg10[%swap3A_662, %swap3A_663], %broadcast_in_dim3A_5 {strides = array<i32>} : memref<16x192xf32, #tpu.memory_space<vmem>>, vector<16xf32>,
    %swap3A_665 = arith.constant 13 : i32
    %swap3A_666 = arith.index_cast %swap3A_665 : i32 to index
    %swap3A_667 = arith.constant 144 : index
    %swap3A_668 = tpu.vector_load %arg10[%swap3A_666, %swap3A_667] {strides = array<i32>} : memref<16x192xf32, #tpu.memory_space<vmem>>, vector<16xf32>,
    tpu.vector_store %arg10[%swap3A_666, %swap3A_667], %broadcast_in_dim3A_5 {strides = array<i32>} : memref<16x192xf32, #tpu.memory_space<vmem>>, vector<16xf32>,
    %swap3A_669 = arith.constant 13 : i32
    %swap3A_670 = arith.index_cast %swap3A_669 : i32 to index
    %swap3A_671 = arith.constant 160 : index
    %swap3A_672 = tpu.vector_load %arg10[%swap3A_670, %swap3A_671] {strides = array<i32>} : memref<16x192xf32, #tpu.memory_space<vmem>>, vector<16xf32>,
    tpu.vector_store %arg10[%swap3A_670, %swap3A_671], %broadcast_in_dim3A_5 {strides = array<i32>} : memref<16x192xf32, #tpu.memory_space<vmem>>, vector<16xf32>,
    %swap3A_673 = arith.constant 13 : i32
    %swap3A_674 = arith.index_cast %swap3A_673 : i32 to index
    %swap3A_675 = arith.constant 176 : index
    %swap3A_676 = tpu.vector_load %arg10[%swap3A_674, %swap3A_675] {strides = array<i32>} : memref<16x192xf32, #tpu.memory_space<vmem>>, vector<16xf32>,
    tpu.vector_store %arg10[%swap3A_674, %swap3A_675], %broadcast_in_dim3A_5 {strides = array<i32>} : memref<16x192xf32, #tpu.memory_space<vmem>>, vector<16xf32>,
    %swap3A_677 = arith.constant 14 : i32
    %swap3A_678 = arith.index_cast %swap3A_677 : i32 to index
    %swap3A_679 = arith.constant 0 : index
    %swap3A_680 = tpu.vector_load %arg10[%swap3A_678, %swap3A_679] {strides = array<i32>} : memref<16x192xf32, #tpu.memory_space<vmem>>, vector<16xf32>,
    tpu.vector_store %arg10[%swap3A_678, %swap3A_679], %broadcast_in_dim3A_5 {strides = array<i32>} : memref<16x192xf32, #tpu.memory_space<vmem>>, vector<16xf32>,
    %swap3A_681 = arith.constant 14 : i32
    %swap3A_682 = arith.index_cast %swap3A_681 : i32 to index
    %swap3A_683 = arith.constant 16 : index
    %swap3A_684 = tpu.vector_load %arg10[%swap3A_682, %swap3A_683] {strides = array<i32>} : memref<16x192xf32, #tpu.memory_space<vmem>>, vector<16xf32>,
    tpu.vector_store %arg10[%swap3A_682, %swap3A_683], %broadcast_in_dim3A_5 {strides = array<i32>} : memref<16x192xf32, #tpu.memory_space<vmem>>, vector<16xf32>,
    %swap3A_685 = arith.constant 14 : i32
    %swap3A_686 = arith.index_cast %swap3A_685 : i32 to index
    %swap3A_687 = arith.constant 32 : index
    %swap3A_688 = tpu.vector_load %arg10[%swap3A_686, %swap3A_687] {strides = array<i32>} : memref<16x192xf32, #tpu.memory_space<vmem>>, vector<16xf32>,
    tpu.vector_store %arg10[%swap3A_686, %swap3A_687], %broadcast_in_dim3A_5 {strides = array<i32>} : memref<16x192xf32, #tpu.memory_space<vmem>>, vector<16xf32>,
    %swap3A_689 = arith.constant 14 : i32
    %swap3A_690 = arith.index_cast %swap3A_689 : i32 to index
    %swap3A_691 = arith.constant 48 : index
    %swap3A_692 = tpu.vector_load %arg10[%swap3A_690, %swap3A_691] {strides = array<i32>} : memref<16x192xf32, #tpu.memory_space<vmem>>, vector<16xf32>,
    tpu.vector_store %arg10[%swap3A_690, %swap3A_691], %broadcast_in_dim3A_5 {strides = array<i32>} : memref<16x192xf32, #tpu.memory_space<vmem>>, vector<16xf32>,
    %swap3A_693 = arith.constant 14 : i32
    %swap3A_694 = arith.index_cast %swap3A_693 : i32 to index
    %swap3A_695 = arith.constant 64 : index
    %swap3A_696 = tpu.vector_load %arg10[%swap3A_694, %swap3A_695] {strides = array<i32>} : memref<16x192xf32, #tpu.memory_space<vmem>>, vector<16xf32>,
    tpu.vector_store %arg10[%swap3A_694, %swap3A_695], %broadcast_in_dim3A_5 {strides = array<i32>} : memref<16x192xf32, #tpu.memory_space<vmem>>, vector<16xf32>,
    %swap3A_697 = arith.constant 14 : i32
    %swap3A_698 = arith.index_cast %swap3A_697 : i32 to index
    %swap3A_699 = arith.constant 80 : index
    %swap3A_700 = tpu.vector_load %arg10[%swap3A_698, %swap3A_699] {strides = array<i32>} : memref<16x192xf32, #tpu.memory_space<vmem>>, vector<16xf32>,
    tpu.vector_store %arg10[%swap3A_698, %swap3A_699], %broadcast_in_dim3A_5 {strides = array<i32>} : memref<16x192xf32, #tpu.memory_space<vmem>>, vector<16xf32>,
    %swap3A_701 = arith.constant 14 : i32
    %swap3A_702 = arith.index_cast %swap3A_701 : i32 to index
    %swap3A_703 = arith.constant 96 : index
    %swap3A_704 = tpu.vector_load %arg10[%swap3A_702, %swap3A_703] {strides = array<i32>} : memref<16x192xf32, #tpu.memory_space<vmem>>, vector<16xf32>,
    tpu.vector_store %arg10[%swap3A_702, %swap3A_703], %broadcast_in_dim3A_5 {strides = array<i32>} : memref<16x192xf32, #tpu.memory_space<vmem>>, vector<16xf32>,
    %swap3A_705 = arith.constant 14 : i32
    %swap3A_706 = arith.index_cast %swap3A_705 : i32 to index
    %swap3A_707 = arith.constant 112 : index
    %swap3A_708 = tpu.vector_load %arg10[%swap3A_706, %swap3A_707] {strides = array<i32>} : memref<16x192xf32, #tpu.memory_space<vmem>>, vector<16xf32>,
    tpu.vector_store %arg10[%swap3A_706, %swap3A_707], %broadcast_in_dim3A_5 {strides = array<i32>} : memref<16x192xf32, #tpu.memory_space<vmem>>, vector<16xf32>,
    %swap3A_709 = arith.constant 14 : i32
    %swap3A_710 = arith.index_cast %swap3A_709 : i32 to index
    %swap3A_711 = arith.constant 128 : index
    %swap3A_712 = tpu.vector_load %arg10[%swap3A_710, %swap3A_711] {strides = array<i32>} : memref<16x192xf32, #tpu.memory_space<vmem>>, vector<16xf32>,
    tpu.vector_store %arg10[%swap3A_710, %swap3A_711], %broadcast_in_dim3A_5 {strides = array<i32>} : memref<16x192xf32, #tpu.memory_space<vmem>>, vector<16xf32>,
    %swap3A_713 = arith.constant 14 : i32
    %swap3A_714 = arith.index_cast %swap3A_713 : i32 to index
    %swap3A_715 = arith.constant 144 : index
    %swap3A_716 = tpu.vector_load %arg10[%swap3A_714, %swap3A_715] {strides = array<i32>} : memref<16x192xf32, #tpu.memory_space<vmem>>, vector<16xf32>,
    tpu.vector_store %arg10[%swap3A_714, %swap3A_715], %broadcast_in_dim3A_5 {strides = array<i32>} : memref<16x192xf32, #tpu.memory_space<vmem>>, vector<16xf32>,
    %swap3A_717 = arith.constant 14 : i32
    %swap3A_718 = arith.index_cast %swap3A_717 : i32 to index
    %swap3A_719 = arith.constant 160 : index
    %swap3A_720 = tpu.vector_load %arg10[%swap3A_718, %swap3A_719] {strides = array<i32>} : memref<16x192xf32, #tpu.memory_space<vmem>>, vector<16xf32>,
    tpu.vector_store %arg10[%swap3A_718, %swap3A_719], %broadcast_in_dim3A_5 {strides = array<i32>} : memref<16x192xf32, #tpu.memory_space<vmem>>, vector<16xf32>,
    %swap3A_721 = arith.constant 14 : i32
    %swap3A_722 = arith.index_cast %swap3A_721 : i32 to index
    %swap3A_723 = arith.constant 176 : index
    %swap3A_724 = tpu.vector_load %arg10[%swap3A_722, %swap3A_723] {strides = array<i32>} : memref<16x192xf32, #tpu.memory_space<vmem>>, vector<16xf32>,
    tpu.vector_store %arg10[%swap3A_722, %swap3A_723], %broadcast_in_dim3A_5 {strides = array<i32>} : memref<16x192xf32, #tpu.memory_space<vmem>>, vector<16xf32>,
    %swap3A_725 = arith.constant 15 : i32
    %swap3A_726 = arith.index_cast %swap3A_725 : i32 to index
    %swap3A_727 = arith.constant 0 : index
    %swap3A_728 = tpu.vector_load %arg10[%swap3A_726, %swap3A_727] {strides = array<i32>} : memref<16x192xf32, #tpu.memory_space<vmem>>, vector<16xf32>,
    tpu.vector_store %arg10[%swap3A_726, %swap3A_727], %broadcast_in_dim3A_5 {strides = array<i32>} : memref<16x192xf32, #tpu.memory_space<vmem>>, vector<16xf32>,
    %swap3A_729 = arith.constant 15 : i32
    %swap3A_730 = arith.index_cast %swap3A_729 : i32 to index
    %swap3A_731 = arith.constant 16 : index
    %swap3A_732 = tpu.vector_load %arg10[%swap3A_730, %swap3A_731] {strides = array<i32>} : memref<16x192xf32, #tpu.memory_space<vmem>>, vector<16xf32>,
    tpu.vector_store %arg10[%swap3A_730, %swap3A_731], %broadcast_in_dim3A_5 {strides = array<i32>} : memref<16x192xf32, #tpu.memory_space<vmem>>, vector<16xf32>,
    %swap3A_733 = arith.constant 15 : i32
    %swap3A_734 = arith.index_cast %swap3A_733 : i32 to index
    %swap3A_735 = arith.constant 32 : index
    %swap3A_736 = tpu.vector_load %arg10[%swap3A_734, %swap3A_735] {strides = array<i32>} : memref<16x192xf32, #tpu.memory_space<vmem>>, vector<16xf32>,
    tpu.vector_store %arg10[%swap3A_734, %swap3A_735], %broadcast_in_dim3A_5 {strides = array<i32>} : memref<16x192xf32, #tpu.memory_space<vmem>>, vector<16xf32>,
    %swap3A_737 = arith.constant 15 : i32
    %swap3A_738 = arith.index_cast %swap3A_737 : i32 to index
    %swap3A_739 = arith.constant 48 : index
    %swap3A_740 = tpu.vector_load %arg10[%swap3A_738, %swap3A_739] {strides = array<i32>} : memref<16x192xf32, #tpu.memory_space<vmem>>, vector<16xf32>,
    tpu.vector_store %arg10[%swap3A_738, %swap3A_739], %broadcast_in_dim3A_5 {strides = array<i32>} : memref<16x192xf32, #tpu.memory_space<vmem>>, vector<16xf32>,
    %swap3A_741 = arith.constant 15 : i32
    %swap3A_742 = arith.index_cast %swap3A_741 : i32 to index
    %swap3A_743 = arith.constant 64 : index
    %swap3A_744 = tpu.vector_load %arg10[%swap3A_742, %swap3A_743] {strides = array<i32>} : memref<16x192xf32, #tpu.memory_space<vmem>>, vector<16xf32>,
    tpu.vector_store %arg10[%swap3A_742, %swap3A_743], %broadcast_in_dim3A_5 {strides = array<i32>} : memref<16x192xf32, #tpu.memory_space<vmem>>, vector<16xf32>,
    %swap3A_745 = arith.constant 15 : i32
    %swap3A_746 = arith.index_cast %swap3A_745 : i32 to index
    %swap3A_747 = arith.constant 80 : index
    %swap3A_748 = tpu.vector_load %arg10[%swap3A_746, %swap3A_747] {strides = array<i32>} : memref<16x192xf32, #tpu.memory_space<vmem>>, vector<16xf32>,
    tpu.vector_store %arg10[%swap3A_746, %swap3A_747], %broadcast_in_dim3A_5 {strides = array<i32>} : memref<16x192xf32, #tpu.memory_space<vmem>>, vector<16xf32>,
    %swap3A_749 = arith.constant 15 : i32
    %swap3A_750 = arith.index_cast %swap3A_749 : i32 to index
    %swap3A_751 = arith.constant 96 : index
    %swap3A_752 = tpu.vector_load %arg10[%swap3A_750, %swap3A_751] {strides = array<i32>} : memref<16x192xf32, #tpu.memory_space<vmem>>, vector<16xf32>,
    tpu.vector_store %arg10[%swap3A_750, %swap3A_751], %broadcast_in_dim3A_5 {strides = array<i32>} : memref<16x192xf32, #tpu.memory_space<vmem>>, vector<16xf32>,
    %swap3A_753 = arith.constant 15 : i32
    %swap3A_754 = arith.index_cast %swap3A_753 : i32 to index
    %swap3A_755 = arith.constant 112 : index
    %swap3A_756 = tpu.vector_load %arg10[%swap3A_754, %swap3A_755] {strides = array<i32>} : memref<16x192xf32, #tpu.memory_space<vmem>>, vector<16xf32>,
    tpu.vector_store %arg10[%swap3A_754, %swap3A_755], %broadcast_in_dim3A_5 {strides = array<i32>} : memref<16x192xf32, #tpu.memory_space<vmem>>, vector<16xf32>,
    %swap3A_757 = arith.constant 15 : i32
    %swap3A_758 = arith.index_cast %swap3A_757 : i32 to index
    %swap3A_759 = arith.constant 128 : index
    %swap3A_760 = tpu.vector_load %arg10[%swap3A_758, %swap3A_759] {strides = array<i32>} : memref<16x192xf32, #tpu.memory_space<vmem>>, vector<16xf32>,
    tpu.vector_store %arg10[%swap3A_758, %swap3A_759], %broadcast_in_dim3A_5 {strides = array<i32>} : memref<16x192xf32, #tpu.memory_space<vmem>>, vector<16xf32>,
    %swap3A_761 = arith.constant 15 : i32
    %swap3A_762 = arith.index_cast %swap3A_761 : i32 to index
    %swap3A_763 = arith.constant 144 : index
    %swap3A_764 = tpu.vector_load %arg10[%swap3A_762, %swap3A_763] {strides = array<i32>} : memref<16x192xf32, #tpu.memory_space<vmem>>, vector<16xf32>,
    tpu.vector_store %arg10[%swap3A_762, %swap3A_763], %broadcast_in_dim3A_5 {strides = array<i32>} : memref<16x192xf32, #tpu.memory_space<vmem>>, vector<16xf32>,
    %swap3A_765 = arith.constant 15 : i32
    %swap3A_766 = arith.index_cast %swap3A_765 : i32 to index
    %swap3A_767 = arith.constant 160 : index
    %swap3A_768 = tpu.vector_load %arg10[%swap3A_766, %swap3A_767] {strides = array<i32>} : memref<16x192xf32, #tpu.memory_space<vmem>>, vector<16xf32>,
    tpu.vector_store %arg10[%swap3A_766, %swap3A_767], %broadcast_in_dim3A_5 {strides = array<i32>} : memref<16x192xf32, #tpu.memory_space<vmem>>, vector<16xf32>,
    %swap3A_769 = arith.constant 15 : i32
    %swap3A_770 = arith.index_cast %swap3A_769 : i32 to index
    %swap3A_771 = arith.constant 176 : index
    %swap3A_772 = tpu.vector_load %arg10[%swap3A_770, %swap3A_771] {strides = array<i32>} : memref<16x192xf32, #tpu.memory_space<vmem>>, vector<16xf32>,
    tpu.vector_store %arg10[%swap3A_770, %swap3A_771], %broadcast_in_dim3A_5 {strides = array<i32>} : memref<16x192xf32, #tpu.memory_space<vmem>>, vector<16xf32>,
    %scan3A = arith.constant 0 : i32
    %scan3A_773 = arith.constant 0 : i32
    %scan3A_774 = arith.constant 100 : i32
    %scan3A_775 = arith.addi %scan3A_773, %scan3A_774 : i32
    %scan3A_776 = arith.constant 1 : i32
    scf.for %scan3A_832 = %scan3A_773 to %scan3A_775 step %scan3A_776  : i32 {
      %mul3A_833 = arith.constant 16 : i32
      %mul3A_834 = arith.muli %scan3A_832, %mul3A_833 : i32
      %get3A = arith.index_cast %mul3A_834 : i32 to index
      %get3A_835 = tpu.vector_load %arg7[%get3A] {strides = array<i32>} : memref<1600xi32, #tpu.memory_space<vmem>>, vector<16xi32>,
      %gather3A = tpu.vector_load_idx %arg6[%get3A_835] : memref<10000xi32, #tpu.memory_space<vmem>>[vector<16xi32>], vector<16xi32>,
      %mul3A_836 = arith.constant 16 : i32
      %mul3A_837 = arith.muli %scan3A_832, %mul3A_836 : i32
      %swap3A_838 = arith.index_cast %mul3A_837 : i32 to index
      %swap3A_839 = tpu.vector_load %arg8[%swap3A_838] {strides = array<i32>} : memref<1600xi32, #tpu.memory_space<vmem>>, vector<16xi32>,
      tpu.vector_store %arg8[%swap3A_838], %gather3A {strides = array<i32>} : memref<1600xi32, #tpu.memory_space<vmem>>, vector<16xi32>,
    }
    %scan3A_777 = arith.constant 100 : i32
    %iota3A = tpu.iota {dimensions = array<i32: 0>} : vector<16xi32>
    %add3A_778 = arith.constant 0 : i32
    %add3A_779 = vector.broadcast %add3A_778 : i32 to vector<16xi32>
    %add3A_780 = arith.addi %iota3A, %add3A_779 : vector<16xi32>
    %add3A_781 = arith.constant 16 : i32
    %add3A_782 = vector.broadcast %add3A_781 : i32 to vector<16xi32>
    %add3A_783 = arith.addi %iota3A, %add3A_782 : vector<16xi32>
    %add3A_784 = arith.constant 32 : i32
    %add3A_785 = vector.broadcast %add3A_784 : i32 to vector<16xi32>
    %add3A_786 = arith.addi %iota3A, %add3A_785 : vector<16xi32>
    %add3A_787 = arith.constant 48 : i32
    %add3A_788 = vector.broadcast %add3A_787 : i32 to vector<16xi32>
    %add3A_789 = arith.addi %iota3A, %add3A_788 : vector<16xi32>
    %add3A_790 = arith.constant 64 : i32
    %add3A_791 = vector.broadcast %add3A_790 : i32 to vector<16xi32>
    %add3A_792 = arith.addi %iota3A, %add3A_791 : vector<16xi32>
    %add3A_793 = arith.constant 80 : i32
    %add3A_794 = vector.broadcast %add3A_793 : i32 to vector<16xi32>
    %add3A_795 = arith.addi %iota3A, %add3A_794 : vector<16xi32>
    %add3A_796 = arith.constant 96 : i32
    %add3A_797 = vector.broadcast %add3A_796 : i32 to vector<16xi32>
    %add3A_798 = arith.addi %iota3A, %add3A_797 : vector<16xi32>
    %add3A_799 = arith.constant 112 : i32
    %add3A_800 = vector.broadcast %add3A_799 : i32 to vector<16xi32>
    %add3A_801 = arith.addi %iota3A, %add3A_800 : vector<16xi32>
    %add3A_802 = arith.constant 128 : i32
    %add3A_803 = vector.broadcast %add3A_802 : i32 to vector<16xi32>
    %add3A_804 = arith.addi %iota3A, %add3A_803 : vector<16xi32>
    %add3A_805 = arith.constant 144 : i32
    %add3A_806 = vector.broadcast %add3A_805 : i32 to vector<16xi32>
    %add3A_807 = arith.addi %iota3A, %add3A_806 : vector<16xi32>
    %add3A_808 = arith.constant 160 : i32
    %add3A_809 = vector.broadcast %add3A_808 : i32 to vector<16xi32>
    %add3A_810 = arith.addi %iota3A, %add3A_809 : vector<16xi32>
    %add3A_811 = arith.constant 176 : i32
    %add3A_812 = vector.broadcast %add3A_811 : i32 to vector<16xi32>
    %add3A_813 = arith.addi %iota3A, %add3A_812 : vector<16xi32>
    %dma_start3A = arith.constant 0 : i32
    %dma_start3A_814 = arith.constant 0 : i32
    %dma_start3A_815 = arith.constant 0 : i32
    %dma_start3A_816 = tpu.memref_slice %arg9[%dma_start3A, %dma_start3A_814, %dma_start3A_815] : memref<2x80x192xf32, #tpu.memory_space<vmem>> -> memref<1x80x192xf32, #tpu.memory_space<vmem>>
    %dma_start3A_817 = tpu.memref_squeeze %dma_start3A_816 : memref<1x80x192xf32, #tpu.memory_space<vmem>> -> memref<80x192xf32, #tpu.memory_space<vmem>>
    %dma_start3A_818 = arith.constant 0 : i32
    %dma_start3A_819 = tpu.memref_slice %arg2[%add3A_4, %dma_start3A_818] : memref<320000x192xf32, #tpu.memory_space<hbm>> -> memref<80x192xf32, #tpu.memory_space<hbm>>
    %dma_start3A_820 = arith.constant 0 : i32
    %dma_start3A_821 = arith.constant 0 : i32
    %dma_start3A_822 = tpu.memref_slice %arg9[%dma_start3A, %dma_start3A_820, %dma_start3A_821] : memref<2x80x192xf32, #tpu.memory_space<vmem>> -> memref<1x80x192xf32, #tpu.memory_space<vmem>>
    %dma_start3A_823 = tpu.memref_squeeze %dma_start3A_822 : memref<1x80x192xf32, #tpu.memory_space<vmem>> -> memref<80x192xf32, #tpu.memory_space<vmem>>
    %dma_start3A_824 = arith.constant 0 : i32
    %dma_start3A_825 = tpu.memref_slice %arg2[%add3A_4, %dma_start3A_824] : memref<320000x192xf32, #tpu.memory_space<hbm>> -> memref<80x192xf32, #tpu.memory_space<hbm>>
    tpu.enqueue_dma source(%dma_start3A_825 : memref<80x192xf32, #tpu.memory_space<hbm>>) target(%dma_start3A_823 : memref<80x192xf32, #tpu.memory_space<vmem>>) target_semaphore(%arg11 : memref<!tpu.dma_semaphore, #tpu.memory_space<semaphore_mem>>)
    %scan3A_826 = arith.constant 0 : i32
    %scan3A_827 = arith.constant 0 : i32
    %scan3A_828 = arith.constant 20 : i32
    %scan3A_829 = arith.addi %scan3A_827, %scan3A_828 : i32
    %scan3A_830 = arith.constant 1 : i32
    scf.for %scan3A_832 = %scan3A_827 to %scan3A_829 step %scan3A_830  : i32 {
      %rem3A = arith.constant 2 : i32
      %rem3A_833 = arith.remsi %scan3A_832, %rem3A : i32
      %add3A_834 = arith.constant 1 : i32
      %add3A_835 = arith.addi %scan3A_832, %add3A_834 : i32
      %lt3A = arith.constant 20 : i32
      %lt3A_836 = arith.cmpi slt, %add3A_835, %lt3A : i32
      %convert_element_type3A = arith.extui %lt3A_836 : i1 to i32
      %cond3A = arith.constant 0 : i32
      %cond3A_837 = arith.cmpi ne, %convert_element_type3A, %cond3A : i32
      scf.if %cond3A_837 {
        %add3A_858 = arith.constant 1 : i32
        %add3A_859 = arith.addi %scan3A_832, %add3A_858 : i32
        %mul3A_860 = arith.constant 80 : i32
        %mul3A_861 = arith.muli %add3A_859, %mul3A_860 : i32
        %add3A_862 = arith.addi %add3A_4, %mul3A_861 : i32
        %sub3A = arith.constant 1 : i32
        %sub3A_863 = arith.subi %sub3A, %rem3A_833 : i32
        %dma_start3A_864 = arith.constant 0 : i32
        %dma_start3A_865 = arith.constant 0 : i32
        %dma_start3A_866 = tpu.memref_slice %arg9[%sub3A_863, %dma_start3A_864, %dma_start3A_865] : memref<2x80x192xf32, #tpu.memory_space<vmem>> -> memref<1x80x192xf32, #tpu.memory_space<vmem>>
        %dma_start3A_867 = tpu.memref_squeeze %dma_start3A_866 : memref<1x80x192xf32, #tpu.memory_space<vmem>> -> memref<80x192xf32, #tpu.memory_space<vmem>>
        %dma_start3A_868 = arith.constant 0 : i32
        %dma_start3A_869 = tpu.memref_slice %arg2[%add3A_862, %dma_start3A_868] : memref<320000x192xf32, #tpu.memory_space<hbm>> -> memref<80x192xf32, #tpu.memory_space<hbm>>
        %dma_start3A_870 = arith.constant 0 : i32
        %dma_start3A_871 = arith.constant 0 : i32
        %dma_start3A_872 = tpu.memref_slice %arg9[%sub3A_863, %dma_start3A_870, %dma_start3A_871] : memref<2x80x192xf32, #tpu.memory_space<vmem>> -> memref<1x80x192xf32, #tpu.memory_space<vmem>>
        %dma_start3A_873 = tpu.memref_squeeze %dma_start3A_872 : memref<1x80x192xf32, #tpu.memory_space<vmem>> -> memref<80x192xf32, #tpu.memory_space<vmem>>
        %dma_start3A_874 = arith.constant 0 : i32
        %dma_start3A_875 = tpu.memref_slice %arg2[%add3A_862, %dma_start3A_874] : memref<320000x192xf32, #tpu.memory_space<hbm>> -> memref<80x192xf32, #tpu.memory_space<hbm>>
        tpu.enqueue_dma source(%dma_start3A_875 : memref<80x192xf32, #tpu.memory_space<hbm>>) target(%dma_start3A_873 : memref<80x192xf32, #tpu.memory_space<vmem>>) target_semaphore(%arg11 : memref<!tpu.dma_semaphore, #tpu.memory_space<semaphore_mem>>)
      } else {
      }
      %mul3A_838 = arith.constant 80 : i32
      %mul3A_839 = arith.muli %scan3A_832, %mul3A_838 : i32
      %add3A_840 = arith.addi %add3A_4, %mul3A_839 : i32
      %dma_wait3A = arith.constant 0 : i32
      %dma_wait3A_841 = arith.constant 0 : i32
      %dma_wait3A_842 = tpu.memref_slice %arg9[%rem3A_833, %dma_wait3A, %dma_wait3A_841] : memref<2x80x192xf32, #tpu.memory_space<vmem>> -> memref<1x80x192xf32, #tpu.memory_space<vmem>>
      %dma_wait3A_843 = tpu.memref_squeeze %dma_wait3A_842 : memref<1x80x192xf32, #tpu.memory_space<vmem>> -> memref<80x192xf32, #tpu.memory_space<vmem>>
      %dma_wait3A_844 = arith.constant 0 : i32
      %dma_wait3A_845 = tpu.memref_slice %arg2[%add3A_840, %dma_wait3A_844] : memref<320000x192xf32, #tpu.memory_space<hbm>> -> memref<80x192xf32, #tpu.memory_space<hbm>>
      %dma_wait3A_846 = arith.constant 0 : i32
      %dma_wait3A_847 = arith.constant 0 : i32
      %dma_wait3A_848 = tpu.memref_slice %arg9[%rem3A_833, %dma_wait3A_846, %dma_wait3A_847] : memref<2x80x192xf32, #tpu.memory_space<vmem>> -> memref<1x80x192xf32, #tpu.memory_space<vmem>>
      %dma_wait3A_849 = tpu.memref_squeeze %dma_wait3A_848 : memref<1x80x192xf32, #tpu.memory_space<vmem>> -> memref<80x192xf32, #tpu.memory_space<vmem>>
      %dma_wait3A_850 = arith.constant 0 : i32
      %dma_wait3A_851 = tpu.memref_slice %arg2[%add3A_840, %dma_wait3A_850] : memref<320000x192xf32, #tpu.memory_space<hbm>> -> memref<80x192xf32, #tpu.memory_space<hbm>>
      tpu.wait_dma2 semaphore(%arg11 : memref<!tpu.dma_semaphore, #tpu.memory_space<semaphore_mem>>) src(%dma_wait3A_851 : memref<80x192xf32, #tpu.memory_space<hbm>>) dst(%dma_wait3A_849 : memref<80x192xf32, #tpu.memory_space<vmem>>)
      %scan3A_852 = arith.constant 0 : i32
      %scan3A_853 = arith.constant 0 : i32
      %scan3A_854 = arith.constant 80 : i32
      %scan3A_855 = arith.addi %scan3A_853, %scan3A_854 : i32
      %scan3A_856 = arith.constant 8 : i32
      scf.for %scan3A_858 = %scan3A_853 to %scan3A_855 step %scan3A_856  : i32 {
        %mul3A_859 = arith.constant 80 : i32
        %mul3A_860 = arith.muli %scan3A_832, %mul3A_859 : i32
        %add3A_861 = arith.addi %mul3A_860, %scan3A_858 : i32
        %broadcast_in_dim3A_862 = arith.constant 0 : i32
        %broadcast_in_dim3A_863 = vector.broadcast %broadcast_in_dim3A_862 : i32 to vector<16xi32>
        %add3A_864 = vector.broadcast %add3A_861 : i32 to vector<16xi32>
        %add3A_865 = arith.addi %broadcast_in_dim3A_863, %add3A_864 : vector<16xi32>
        %gather3A = tpu.vector_load_idx %arg8[%add3A_865] : memref<1600xi32, #tpu.memory_space<vmem>>[vector<16xi32>], vector<16xi32>,
        %get3A = arith.index_cast %rem3A_833 : i32 to index
        %get3A_866 = arith.index_cast %scan3A_858 : i32 to index
        %get3A_867 = arith.constant 0 : index
        %get3A_868 = tpu.vector_load %arg9[%get3A, %get3A_866, %get3A_867] {strides = array<i32>} : memref<2x80x192xf32, #tpu.memory_space<vmem>>, vector<16xf32>,
        tpu.vector_store_idx %arg10[%gather3A, %add3A_780], %get3A_868 {add = true} : memref<16x192xf32, #tpu.memory_space<vmem>>[vector<16xi32>, vector<16xi32>], vector<16xf32>,
        %get3A_869 = arith.index_cast %rem3A_833 : i32 to index
        %get3A_870 = arith.index_cast %scan3A_858 : i32 to index
        %get3A_871 = arith.constant 16 : index
        %get3A_872 = tpu.vector_load %arg9[%get3A_869, %get3A_870, %get3A_871] {strides = array<i32>} : memref<2x80x192xf32, #tpu.memory_space<vmem>>, vector<16xf32>,
        tpu.vector_store_idx %arg10[%gather3A, %add3A_783], %get3A_872 {add = true} : memref<16x192xf32, #tpu.memory_space<vmem>>[vector<16xi32>, vector<16xi32>], vector<16xf32>,
        %get3A_873 = arith.index_cast %rem3A_833 : i32 to index
        %get3A_874 = arith.index_cast %scan3A_858 : i32 to index
        %get3A_875 = arith.constant 32 : index
        %get3A_876 = tpu.vector_load %arg9[%get3A_873, %get3A_874, %get3A_875] {strides = array<i32>} : memref<2x80x192xf32, #tpu.memory_space<vmem>>, vector<16xf32>,
        tpu.vector_store_idx %arg10[%gather3A, %add3A_786], %get3A_876 {add = true} : memref<16x192xf32, #tpu.memory_space<vmem>>[vector<16xi32>, vector<16xi32>], vector<16xf32>,
        %get3A_877 = arith.index_cast %rem3A_833 : i32 to index
        %get3A_878 = arith.index_cast %scan3A_858 : i32 to index
        %get3A_879 = arith.constant 48 : index
        %get3A_880 = tpu.vector_load %arg9[%get3A_877, %get3A_878, %get3A_879] {strides = array<i32>} : memref<2x80x192xf32, #tpu.memory_space<vmem>>, vector<16xf32>,
        tpu.vector_store_idx %arg10[%gather3A, %add3A_789], %get3A_880 {add = true} : memref<16x192xf32, #tpu.memory_space<vmem>>[vector<16xi32>, vector<16xi32>], vector<16xf32>,
        %get3A_881 = arith.index_cast %rem3A_833 : i32 to index
        %get3A_882 = arith.index_cast %scan3A_858 : i32 to index
        %get3A_883 = arith.constant 64 : index
        %get3A_884 = tpu.vector_load %arg9[%get3A_881, %get3A_882, %get3A_883] {strides = array<i32>} : memref<2x80x192xf32, #tpu.memory_space<vmem>>, vector<16xf32>,
        tpu.vector_store_idx %arg10[%gather3A, %add3A_792], %get3A_884 {add = true} : memref<16x192xf32, #tpu.memory_space<vmem>>[vector<16xi32>, vector<16xi32>], vector<16xf32>,
        %get3A_885 = arith.index_cast %rem3A_833 : i32 to index
        %get3A_886 = arith.index_cast %scan3A_858 : i32 to index
        %get3A_887 = arith.constant 80 : index
        %get3A_888 = tpu.vector_load %arg9[%get3A_885, %get3A_886, %get3A_887] {strides = array<i32>} : memref<2x80x192xf32, #tpu.memory_space<vmem>>, vector<16xf32>,
        tpu.vector_store_idx %arg10[%gather3A, %add3A_795], %get3A_888 {add = true} : memref<16x192xf32, #tpu.memory_space<vmem>>[vector<16xi32>, vector<16xi32>], vector<16xf32>,
        %get3A_889 = arith.index_cast %rem3A_833 : i32 to index
        %get3A_890 = arith.index_cast %scan3A_858 : i32 to index
        %get3A_891 = arith.constant 96 : index
        %get3A_892 = tpu.vector_load %arg9[%get3A_889, %get3A_890, %get3A_891] {strides = array<i32>} : memref<2x80x192xf32, #tpu.memory_space<vmem>>, vector<16xf32>,
        tpu.vector_store_idx %arg10[%gather3A, %add3A_798], %get3A_892 {add = true} : memref<16x192xf32, #tpu.memory_space<vmem>>[vector<16xi32>, vector<16xi32>], vector<16xf32>,
        %get3A_893 = arith.index_cast %rem3A_833 : i32 to index
        %get3A_894 = arith.index_cast %scan3A_858 : i32 to index
        %get3A_895 = arith.constant 112 : index
        %get3A_896 = tpu.vector_load %arg9[%get3A_893, %get3A_894, %get3A_895] {strides = array<i32>} : memref<2x80x192xf32, #tpu.memory_space<vmem>>, vector<16xf32>,
        tpu.vector_store_idx %arg10[%gather3A, %add3A_801], %get3A_896 {add = true} : memref<16x192xf32, #tpu.memory_space<vmem>>[vector<16xi32>, vector<16xi32>], vector<16xf32>,
        %get3A_897 = arith.index_cast %rem3A_833 : i32 to index
        %get3A_898 = arith.index_cast %scan3A_858 : i32 to index
        %get3A_899 = arith.constant 128 : index
        %get3A_900 = tpu.vector_load %arg9[%get3A_897, %get3A_898, %get3A_899] {strides = array<i32>} : memref<2x80x192xf32, #tpu.memory_space<vmem>>, vector<16xf32>,
        tpu.vector_store_idx %arg10[%gather3A, %add3A_804], %get3A_900 {add = true} : memref<16x192xf32, #tpu.memory_space<vmem>>[vector<16xi32>, vector<16xi32>], vector<16xf32>,
        %get3A_901 = arith.index_cast %rem3A_833 : i32 to index
        %get3A_902 = arith.index_cast %scan3A_858 : i32 to index
        %get3A_903 = arith.constant 144 : index
        %get3A_904 = tpu.vector_load %arg9[%get3A_901, %get3A_902, %get3A_903] {strides = array<i32>} : memref<2x80x192xf32, #tpu.memory_space<vmem>>, vector<16xf32>,
        tpu.vector_store_idx %arg10[%gather3A, %add3A_807], %get3A_904 {add = true} : memref<16x192xf32, #tpu.memory_space<vmem>>[vector<16xi32>, vector<16xi32>], vector<16xf32>,
        %get3A_905 = arith.index_cast %rem3A_833 : i32 to index
        %get3A_906 = arith.index_cast %scan3A_858 : i32 to index
        %get3A_907 = arith.constant 160 : index
        %get3A_908 = tpu.vector_load %arg9[%get3A_905, %get3A_906, %get3A_907] {strides = array<i32>} : memref<2x80x192xf32, #tpu.memory_space<vmem>>, vector<16xf32>,
        tpu.vector_store_idx %arg10[%gather3A, %add3A_810], %get3A_908 {add = true} : memref<16x192xf32, #tpu.memory_space<vmem>>[vector<16xi32>, vector<16xi32>], vector<16xf32>,
        %get3A_909 = arith.index_cast %rem3A_833 : i32 to index
        %get3A_910 = arith.index_cast %scan3A_858 : i32 to index
        %get3A_911 = arith.constant 176 : index
        %get3A_912 = tpu.vector_load %arg9[%get3A_909, %get3A_910, %get3A_911] {strides = array<i32>} : memref<2x80x192xf32, #tpu.memory_space<vmem>>, vector<16xf32>,
        tpu.vector_store_idx %arg10[%gather3A, %add3A_813], %get3A_912 {add = true} : memref<16x192xf32, #tpu.memory_space<vmem>>[vector<16xi32>, vector<16xi32>], vector<16xf32>,
        %scan3A_913 = arith.constant 1 : i32
        %scan3A_914 = arith.addi %scan3A_858, %scan3A_913 : i32
        %mul3A_915 = arith.constant 80 : i32
        %mul3A_916 = arith.muli %scan3A_832, %mul3A_915 : i32
        %add3A_917 = arith.addi %mul3A_916, %scan3A_914 : i32
        %broadcast_in_dim3A_918 = arith.constant 0 : i32
        %broadcast_in_dim3A_919 = vector.broadcast %broadcast_in_dim3A_918 : i32 to vector<16xi32>
        %add3A_920 = vector.broadcast %add3A_917 : i32 to vector<16xi32>
        %add3A_921 = arith.addi %broadcast_in_dim3A_919, %add3A_920 : vector<16xi32>
        %gather3A_922 = tpu.vector_load_idx %arg8[%add3A_921] : memref<1600xi32, #tpu.memory_space<vmem>>[vector<16xi32>], vector<16xi32>,
        %get3A_923 = arith.index_cast %rem3A_833 : i32 to index
        %get3A_924 = arith.index_cast %scan3A_914 : i32 to index
        %get3A_925 = arith.constant 0 : index
        %get3A_926 = tpu.vector_load %arg9[%get3A_923, %get3A_924, %get3A_925] {strides = array<i32>} : memref<2x80x192xf32, #tpu.memory_space<vmem>>, vector<16xf32>,
        tpu.vector_store_idx %arg10[%gather3A_922, %add3A_780], %get3A_926 {add = true} : memref<16x192xf32, #tpu.memory_space<vmem>>[vector<16xi32>, vector<16xi32>], vector<16xf32>,
        %get3A_927 = arith.index_cast %rem3A_833 : i32 to index
        %get3A_928 = arith.index_cast %scan3A_914 : i32 to index
        %get3A_929 = arith.constant 16 : index
        %get3A_930 = tpu.vector_load %arg9[%get3A_927, %get3A_928, %get3A_929] {strides = array<i32>} : memref<2x80x192xf32, #tpu.memory_space<vmem>>, vector<16xf32>,
        tpu.vector_store_idx %arg10[%gather3A_922, %add3A_783], %get3A_930 {add = true} : memref<16x192xf32, #tpu.memory_space<vmem>>[vector<16xi32>, vector<16xi32>], vector<16xf32>,
        %get3A_931 = arith.index_cast %rem3A_833 : i32 to index
        %get3A_932 = arith.index_cast %scan3A_914 : i32 to index
        %get3A_933 = arith.constant 32 : index
        %get3A_934 = tpu.vector_load %arg9[%get3A_931, %get3A_932, %get3A_933] {strides = array<i32>} : memref<2x80x192xf32, #tpu.memory_space<vmem>>, vector<16xf32>,
        tpu.vector_store_idx %arg10[%gather3A_922, %add3A_786], %get3A_934 {add = true} : memref<16x192xf32, #tpu.memory_space<vmem>>[vector<16xi32>, vector<16xi32>], vector<16xf32>,
        %get3A_935 = arith.index_cast %rem3A_833 : i32 to index
        %get3A_936 = arith.index_cast %scan3A_914 : i32 to index
        %get3A_937 = arith.constant 48 : index
        %get3A_938 = tpu.vector_load %arg9[%get3A_935, %get3A_936, %get3A_937] {strides = array<i32>} : memref<2x80x192xf32, #tpu.memory_space<vmem>>, vector<16xf32>,
        tpu.vector_store_idx %arg10[%gather3A_922, %add3A_789], %get3A_938 {add = true} : memref<16x192xf32, #tpu.memory_space<vmem>>[vector<16xi32>, vector<16xi32>], vector<16xf32>,
        %get3A_939 = arith.index_cast %rem3A_833 : i32 to index
        %get3A_940 = arith.index_cast %scan3A_914 : i32 to index
        %get3A_941 = arith.constant 64 : index
        %get3A_942 = tpu.vector_load %arg9[%get3A_939, %get3A_940, %get3A_941] {strides = array<i32>} : memref<2x80x192xf32, #tpu.memory_space<vmem>>, vector<16xf32>,
        tpu.vector_store_idx %arg10[%gather3A_922, %add3A_792], %get3A_942 {add = true} : memref<16x192xf32, #tpu.memory_space<vmem>>[vector<16xi32>, vector<16xi32>], vector<16xf32>,
        %get3A_943 = arith.index_cast %rem3A_833 : i32 to index
        %get3A_944 = arith.index_cast %scan3A_914 : i32 to index
        %get3A_945 = arith.constant 80 : index
        %get3A_946 = tpu.vector_load %arg9[%get3A_943, %get3A_944, %get3A_945] {strides = array<i32>} : memref<2x80x192xf32, #tpu.memory_space<vmem>>, vector<16xf32>,
        tpu.vector_store_idx %arg10[%gather3A_922, %add3A_795], %get3A_946 {add = true} : memref<16x192xf32, #tpu.memory_space<vmem>>[vector<16xi32>, vector<16xi32>], vector<16xf32>,
        %get3A_947 = arith.index_cast %rem3A_833 : i32 to index
        %get3A_948 = arith.index_cast %scan3A_914 : i32 to index
        %get3A_949 = arith.constant 96 : index
        %get3A_950 = tpu.vector_load %arg9[%get3A_947, %get3A_948, %get3A_949] {strides = array<i32>} : memref<2x80x192xf32, #tpu.memory_space<vmem>>, vector<16xf32>,
        tpu.vector_store_idx %arg10[%gather3A_922, %add3A_798], %get3A_950 {add = true} : memref<16x192xf32, #tpu.memory_space<vmem>>[vector<16xi32>, vector<16xi32>], vector<16xf32>,
        %get3A_951 = arith.index_cast %rem3A_833 : i32 to index
        %get3A_952 = arith.index_cast %scan3A_914 : i32 to index
        %get3A_953 = arith.constant 112 : index
        %get3A_954 = tpu.vector_load %arg9[%get3A_951, %get3A_952, %get3A_953] {strides = array<i32>} : memref<2x80x192xf32, #tpu.memory_space<vmem>>, vector<16xf32>,
        tpu.vector_store_idx %arg10[%gather3A_922, %add3A_801], %get3A_954 {add = true} : memref<16x192xf32, #tpu.memory_space<vmem>>[vector<16xi32>, vector<16xi32>], vector<16xf32>,
        %get3A_955 = arith.index_cast %rem3A_833 : i32 to index
        %get3A_956 = arith.index_cast %scan3A_914 : i32 to index
        %get3A_957 = arith.constant 128 : index
        %get3A_958 = tpu.vector_load %arg9[%get3A_955, %get3A_956, %get3A_957] {strides = array<i32>} : memref<2x80x192xf32, #tpu.memory_space<vmem>>, vector<16xf32>,
        tpu.vector_store_idx %arg10[%gather3A_922, %add3A_804], %get3A_958 {add = true} : memref<16x192xf32, #tpu.memory_space<vmem>>[vector<16xi32>, vector<16xi32>], vector<16xf32>,
        %get3A_959 = arith.index_cast %rem3A_833 : i32 to index
        %get3A_960 = arith.index_cast %scan3A_914 : i32 to index
        %get3A_961 = arith.constant 144 : index
        %get3A_962 = tpu.vector_load %arg9[%get3A_959, %get3A_960, %get3A_961] {strides = array<i32>} : memref<2x80x192xf32, #tpu.memory_space<vmem>>, vector<16xf32>,
        tpu.vector_store_idx %arg10[%gather3A_922, %add3A_807], %get3A_962 {add = true} : memref<16x192xf32, #tpu.memory_space<vmem>>[vector<16xi32>, vector<16xi32>], vector<16xf32>,
        %get3A_963 = arith.index_cast %rem3A_833 : i32 to index
        %get3A_964 = arith.index_cast %scan3A_914 : i32 to index
        %get3A_965 = arith.constant 160 : index
        %get3A_966 = tpu.vector_load %arg9[%get3A_963, %get3A_964, %get3A_965] {strides = array<i32>} : memref<2x80x192xf32, #tpu.memory_space<vmem>>, vector<16xf32>,
        tpu.vector_store_idx %arg10[%gather3A_922, %add3A_810], %get3A_966 {add = true} : memref<16x192xf32, #tpu.memory_space<vmem>>[vector<16xi32>, vector<16xi32>], vector<16xf32>,
        %get3A_967 = arith.index_cast %rem3A_833 : i32 to index
        %get3A_968 = arith.index_cast %scan3A_914 : i32 to index
        %get3A_969 = arith.constant 176 : index
        %get3A_970 = tpu.vector_load %arg9[%get3A_967, %get3A_968, %get3A_969] {strides = array<i32>} : memref<2x80x192xf32, #tpu.memory_space<vmem>>, vector<16xf32>,
        tpu.vector_store_idx %arg10[%gather3A_922, %add3A_813], %get3A_970 {add = true} : memref<16x192xf32, #tpu.memory_space<vmem>>[vector<16xi32>, vector<16xi32>], vector<16xf32>,
        %scan3A_971 = arith.constant 2 : i32
        %scan3A_972 = arith.addi %scan3A_858, %scan3A_971 : i32
        %mul3A_973 = arith.constant 80 : i32
        %mul3A_974 = arith.muli %scan3A_832, %mul3A_973 : i32
        %add3A_975 = arith.addi %mul3A_974, %scan3A_972 : i32
        %broadcast_in_dim3A_976 = arith.constant 0 : i32
        %broadcast_in_dim3A_977 = vector.broadcast %broadcast_in_dim3A_976 : i32 to vector<16xi32>
        %add3A_978 = vector.broadcast %add3A_975 : i32 to vector<16xi32>
        %add3A_979 = arith.addi %broadcast_in_dim3A_977, %add3A_978 : vector<16xi32>
        %gather3A_980 = tpu.vector_load_idx %arg8[%add3A_979] : memref<1600xi32, #tpu.memory_space<vmem>>[vector<16xi32>], vector<16xi32>,
        %get3A_981 = arith.index_cast %rem3A_833 : i32 to index
        %get3A_982 = arith.index_cast %scan3A_972 : i32 to index
        %get3A_983 = arith.constant 0 : index
        %get3A_984 = tpu.vector_load %arg9[%get3A_981, %get3A_982, %get3A_983] {strides = array<i32>} : memref<2x80x192xf32, #tpu.memory_space<vmem>>, vector<16xf32>,
        tpu.vector_store_idx %arg10[%gather3A_980, %add3A_780], %get3A_984 {add = true} : memref<16x192xf32, #tpu.memory_space<vmem>>[vector<16xi32>, vector<16xi32>], vector<16xf32>,
        %get3A_985 = arith.index_cast %rem3A_833 : i32 to index
        %get3A_986 = arith.index_cast %scan3A_972 : i32 to index
        %get3A_987 = arith.constant 16 : index
        %get3A_988 = tpu.vector_load %arg9[%get3A_985, %get3A_986, %get3A_987] {strides = array<i32>} : memref<2x80x192xf32, #tpu.memory_space<vmem>>, vector<16xf32>,
        tpu.vector_store_idx %arg10[%gather3A_980, %add3A_783], %get3A_988 {add = true} : memref<16x192xf32, #tpu.memory_space<vmem>>[vector<16xi32>, vector<16xi32>], vector<16xf32>,
        %get3A_989 = arith.index_cast %rem3A_833 : i32 to index
        %get3A_990 = arith.index_cast %scan3A_972 : i32 to index
        %get3A_991 = arith.constant 32 : index
        %get3A_992 = tpu.vector_load %arg9[%get3A_989, %get3A_990, %get3A_991] {strides = array<i32>} : memref<2x80x192xf32, #tpu.memory_space<vmem>>, vector<16xf32>,
        tpu.vector_store_idx %arg10[%gather3A_980, %add3A_786], %get3A_992 {add = true} : memref<16x192xf32, #tpu.memory_space<vmem>>[vector<16xi32>, vector<16xi32>], vector<16xf32>,
        %get3A_993 = arith.index_cast %rem3A_833 : i32 to index
        %get3A_994 = arith.index_cast %scan3A_972 : i32 to index
        %get3A_995 = arith.constant 48 : index
        %get3A_996 = tpu.vector_load %arg9[%get3A_993, %get3A_994, %get3A_995] {strides = array<i32>} : memref<2x80x192xf32, #tpu.memory_space<vmem>>, vector<16xf32>,
        tpu.vector_store_idx %arg10[%gather3A_980, %add3A_789], %get3A_996 {add = true} : memref<16x192xf32, #tpu.memory_space<vmem>>[vector<16xi32>, vector<16xi32>], vector<16xf32>,
        %get3A_997 = arith.index_cast %rem3A_833 : i32 to index
        %get3A_998 = arith.index_cast %scan3A_972 : i32 to index
        %get3A_999 = arith.constant 64 : index
        %get3A_1000 = tpu.vector_load %arg9[%get3A_997, %get3A_998, %get3A_999] {strides = array<i32>} : memref<2x80x192xf32, #tpu.memory_space<vmem>>, vector<16xf32>,
        tpu.vector_store_idx %arg10[%gather3A_980, %add3A_792], %get3A_1000 {add = true} : memref<16x192xf32, #tpu.memory_space<vmem>>[vector<16xi32>, vector<16xi32>], vector<16xf32>,
        %get3A_1001 = arith.index_cast %rem3A_833 : i32 to index
        %get3A_1002 = arith.index_cast %scan3A_972 : i32 to index
        %get3A_1003 = arith.constant 80 : index
        %get3A_1004 = tpu.vector_load %arg9[%get3A_1001, %get3A_1002, %get3A_1003] {strides = array<i32>} : memref<2x80x192xf32, #tpu.memory_space<vmem>>, vector<16xf32>,
        tpu.vector_store_idx %arg10[%gather3A_980, %add3A_795], %get3A_1004 {add = true} : memref<16x192xf32, #tpu.memory_space<vmem>>[vector<16xi32>, vector<16xi32>], vector<16xf32>,
        %get3A_1005 = arith.index_cast %rem3A_833 : i32 to index
        %get3A_1006 = arith.index_cast %scan3A_972 : i32 to index
        %get3A_1007 = arith.constant 96 : index
        %get3A_1008 = tpu.vector_load %arg9[%get3A_1005, %get3A_1006, %get3A_1007] {strides = array<i32>} : memref<2x80x192xf32, #tpu.memory_space<vmem>>, vector<16xf32>,
        tpu.vector_store_idx %arg10[%gather3A_980, %add3A_798], %get3A_1008 {add = true} : memref<16x192xf32, #tpu.memory_space<vmem>>[vector<16xi32>, vector<16xi32>], vector<16xf32>,
        %get3A_1009 = arith.index_cast %rem3A_833 : i32 to index
        %get3A_1010 = arith.index_cast %scan3A_972 : i32 to index
        %get3A_1011 = arith.constant 112 : index
        %get3A_1012 = tpu.vector_load %arg9[%get3A_1009, %get3A_1010, %get3A_1011] {strides = array<i32>} : memref<2x80x192xf32, #tpu.memory_space<vmem>>, vector<16xf32>,
        tpu.vector_store_idx %arg10[%gather3A_980, %add3A_801], %get3A_1012 {add = true} : memref<16x192xf32, #tpu.memory_space<vmem>>[vector<16xi32>, vector<16xi32>], vector<16xf32>,
        %get3A_1013 = arith.index_cast %rem3A_833 : i32 to index
        %get3A_1014 = arith.index_cast %scan3A_972 : i32 to index
        %get3A_1015 = arith.constant 128 : index
        %get3A_1016 = tpu.vector_load %arg9[%get3A_1013, %get3A_1014, %get3A_1015] {strides = array<i32>} : memref<2x80x192xf32, #tpu.memory_space<vmem>>, vector<16xf32>,
        tpu.vector_store_idx %arg10[%gather3A_980, %add3A_804], %get3A_1016 {add = true} : memref<16x192xf32, #tpu.memory_space<vmem>>[vector<16xi32>, vector<16xi32>], vector<16xf32>,
        %get3A_1017 = arith.index_cast %rem3A_833 : i32 to index
        %get3A_1018 = arith.index_cast %scan3A_972 : i32 to index
        %get3A_1019 = arith.constant 144 : index
        %get3A_1020 = tpu.vector_load %arg9[%get3A_1017, %get3A_1018, %get3A_1019] {strides = array<i32>} : memref<2x80x192xf32, #tpu.memory_space<vmem>>, vector<16xf32>,
        tpu.vector_store_idx %arg10[%gather3A_980, %add3A_807], %get3A_1020 {add = true} : memref<16x192xf32, #tpu.memory_space<vmem>>[vector<16xi32>, vector<16xi32>], vector<16xf32>,
        %get3A_1021 = arith.index_cast %rem3A_833 : i32 to index
        %get3A_1022 = arith.index_cast %scan3A_972 : i32 to index
        %get3A_1023 = arith.constant 160 : index
        %get3A_1024 = tpu.vector_load %arg9[%get3A_1021, %get3A_1022, %get3A_1023] {strides = array<i32>} : memref<2x80x192xf32, #tpu.memory_space<vmem>>, vector<16xf32>,
        tpu.vector_store_idx %arg10[%gather3A_980, %add3A_810], %get3A_1024 {add = true} : memref<16x192xf32, #tpu.memory_space<vmem>>[vector<16xi32>, vector<16xi32>], vector<16xf32>,
        %get3A_1025 = arith.index_cast %rem3A_833 : i32 to index
        %get3A_1026 = arith.index_cast %scan3A_972 : i32 to index
        %get3A_1027 = arith.constant 176 : index
        %get3A_1028 = tpu.vector_load %arg9[%get3A_1025, %get3A_1026, %get3A_1027] {strides = array<i32>} : memref<2x80x192xf32, #tpu.memory_space<vmem>>, vector<16xf32>,
        tpu.vector_store_idx %arg10[%gather3A_980, %add3A_813], %get3A_1028 {add = true} : memref<16x192xf32, #tpu.memory_space<vmem>>[vector<16xi32>, vector<16xi32>], vector<16xf32>,
        %scan3A_1029 = arith.constant 3 : i32
        %scan3A_1030 = arith.addi %scan3A_858, %scan3A_1029 : i32
        %mul3A_1031 = arith.constant 80 : i32
        %mul3A_1032 = arith.muli %scan3A_832, %mul3A_1031 : i32
        %add3A_1033 = arith.addi %mul3A_1032, %scan3A_1030 : i32
        %broadcast_in_dim3A_1034 = arith.constant 0 : i32
        %broadcast_in_dim3A_1035 = vector.broadcast %broadcast_in_dim3A_1034 : i32 to vector<16xi32>
        %add3A_1036 = vector.broadcast %add3A_1033 : i32 to vector<16xi32>
        %add3A_1037 = arith.addi %broadcast_in_dim3A_1035, %add3A_1036 : vector<16xi32>
        %gather3A_1038 = tpu.vector_load_idx %arg8[%add3A_1037] : memref<1600xi32, #tpu.memory_space<vmem>>[vector<16xi32>], vector<16xi32>,
        %get3A_1039 = arith.index_cast %rem3A_833 : i32 to index
        %get3A_1040 = arith.index_cast %scan3A_1030 : i32 to index
        %get3A_1041 = arith.constant 0 : index
        %get3A_1042 = tpu.vector_load %arg9[%get3A_1039, %get3A_1040, %get3A_1041] {strides = array<i32>} : memref<2x80x192xf32, #tpu.memory_space<vmem>>, vector<16xf32>,
        tpu.vector_store_idx %arg10[%gather3A_1038, %add3A_780], %get3A_1042 {add = true} : memref<16x192xf32, #tpu.memory_space<vmem>>[vector<16xi32>, vector<16xi32>], vector<16xf32>,
        %get3A_1043 = arith.index_cast %rem3A_833 : i32 to index
        %get3A_1044 = arith.index_cast %scan3A_1030 : i32 to index
        %get3A_1045 = arith.constant 16 : index
        %get3A_1046 = tpu.vector_load %arg9[%get3A_1043, %get3A_1044, %get3A_1045] {strides = array<i32>} : memref<2x80x192xf32, #tpu.memory_space<vmem>>, vector<16xf32>,
        tpu.vector_store_idx %arg10[%gather3A_1038, %add3A_783], %get3A_1046 {add = true} : memref<16x192xf32, #tpu.memory_space<vmem>>[vector<16xi32>, vector<16xi32>], vector<16xf32>,
        %get3A_1047 = arith.index_cast %rem3A_833 : i32 to index
        %get3A_1048 = arith.index_cast %scan3A_1030 : i32 to index
        %get3A_1049 = arith.constant 32 : index
        %get3A_1050 = tpu.vector_load %arg9[%get3A_1047, %get3A_1048, %get3A_1049] {strides = array<i32>} : memref<2x80x192xf32, #tpu.memory_space<vmem>>, vector<16xf32>,
        tpu.vector_store_idx %arg10[%gather3A_1038, %add3A_786], %get3A_1050 {add = true} : memref<16x192xf32, #tpu.memory_space<vmem>>[vector<16xi32>, vector<16xi32>], vector<16xf32>,
        %get3A_1051 = arith.index_cast %rem3A_833 : i32 to index
        %get3A_1052 = arith.index_cast %scan3A_1030 : i32 to index
        %get3A_1053 = arith.constant 48 : index
        %get3A_1054 = tpu.vector_load %arg9[%get3A_1051, %get3A_1052, %get3A_1053] {strides = array<i32>} : memref<2x80x192xf32, #tpu.memory_space<vmem>>, vector<16xf32>,
        tpu.vector_store_idx %arg10[%gather3A_1038, %add3A_789], %get3A_1054 {add = true} : memref<16x192xf32, #tpu.memory_space<vmem>>[vector<16xi32>, vector<16xi32>], vector<16xf32>,
        %get3A_1055 = arith.index_cast %rem3A_833 : i32 to index
        %get3A_1056 = arith.index_cast %scan3A_1030 : i32 to index
        %get3A_1057 = arith.constant 64 : index
        %get3A_1058 = tpu.vector_load %arg9[%get3A_1055, %get3A_1056, %get3A_1057] {strides = array<i32>} : memref<2x80x192xf32, #tpu.memory_space<vmem>>, vector<16xf32>,
        tpu.vector_store_idx %arg10[%gather3A_1038, %add3A_792], %get3A_1058 {add = true} : memref<16x192xf32, #tpu.memory_space<vmem>>[vector<16xi32>, vector<16xi32>], vector<16xf32>,
        %get3A_1059 = arith.index_cast %rem3A_833 : i32 to index
        %get3A_1060 = arith.index_cast %scan3A_1030 : i32 to index
        %get3A_1061 = arith.constant 80 : index
        %get3A_1062 = tpu.vector_load %arg9[%get3A_1059, %get3A_1060, %get3A_1061] {strides = array<i32>} : memref<2x80x192xf32, #tpu.memory_space<vmem>>, vector<16xf32>,
        tpu.vector_store_idx %arg10[%gather3A_1038, %add3A_795], %get3A_1062 {add = true} : memref<16x192xf32, #tpu.memory_space<vmem>>[vector<16xi32>, vector<16xi32>], vector<16xf32>,
        %get3A_1063 = arith.index_cast %rem3A_833 : i32 to index
        %get3A_1064 = arith.index_cast %scan3A_1030 : i32 to index
        %get3A_1065 = arith.constant 96 : index
        %get3A_1066 = tpu.vector_load %arg9[%get3A_1063, %get3A_1064, %get3A_1065] {strides = array<i32>} : memref<2x80x192xf32, #tpu.memory_space<vmem>>, vector<16xf32>,
        tpu.vector_store_idx %arg10[%gather3A_1038, %add3A_798], %get3A_1066 {add = true} : memref<16x192xf32, #tpu.memory_space<vmem>>[vector<16xi32>, vector<16xi32>], vector<16xf32>,
        %get3A_1067 = arith.index_cast %rem3A_833 : i32 to index
        %get3A_1068 = arith.index_cast %scan3A_1030 : i32 to index
        %get3A_1069 = arith.constant 112 : index
        %get3A_1070 = tpu.vector_load %arg9[%get3A_1067, %get3A_1068, %get3A_1069] {strides = array<i32>} : memref<2x80x192xf32, #tpu.memory_space<vmem>>, vector<16xf32>,
        tpu.vector_store_idx %arg10[%gather3A_1038, %add3A_801], %get3A_1070 {add = true} : memref<16x192xf32, #tpu.memory_space<vmem>>[vector<16xi32>, vector<16xi32>], vector<16xf32>,
        %get3A_1071 = arith.index_cast %rem3A_833 : i32 to index
        %get3A_1072 = arith.index_cast %scan3A_1030 : i32 to index
        %get3A_1073 = arith.constant 128 : index
        %get3A_1074 = tpu.vector_load %arg9[%get3A_1071, %get3A_1072, %get3A_1073] {strides = array<i32>} : memref<2x80x192xf32, #tpu.memory_space<vmem>>, vector<16xf32>,
        tpu.vector_store_idx %arg10[%gather3A_1038, %add3A_804], %get3A_1074 {add = true} : memref<16x192xf32, #tpu.memory_space<vmem>>[vector<16xi32>, vector<16xi32>], vector<16xf32>,
        %get3A_1075 = arith.index_cast %rem3A_833 : i32 to index
        %get3A_1076 = arith.index_cast %scan3A_1030 : i32 to index
        %get3A_1077 = arith.constant 144 : index
        %get3A_1078 = tpu.vector_load %arg9[%get3A_1075, %get3A_1076, %get3A_1077] {strides = array<i32>} : memref<2x80x192xf32, #tpu.memory_space<vmem>>, vector<16xf32>,
        tpu.vector_store_idx %arg10[%gather3A_1038, %add3A_807], %get3A_1078 {add = true} : memref<16x192xf32, #tpu.memory_space<vmem>>[vector<16xi32>, vector<16xi32>], vector<16xf32>,
        %get3A_1079 = arith.index_cast %rem3A_833 : i32 to index
        %get3A_1080 = arith.index_cast %scan3A_1030 : i32 to index
        %get3A_1081 = arith.constant 160 : index
        %get3A_1082 = tpu.vector_load %arg9[%get3A_1079, %get3A_1080, %get3A_1081] {strides = array<i32>} : memref<2x80x192xf32, #tpu.memory_space<vmem>>, vector<16xf32>,
        tpu.vector_store_idx %arg10[%gather3A_1038, %add3A_810], %get3A_1082 {add = true} : memref<16x192xf32, #tpu.memory_space<vmem>>[vector<16xi32>, vector<16xi32>], vector<16xf32>,
        %get3A_1083 = arith.index_cast %rem3A_833 : i32 to index
        %get3A_1084 = arith.index_cast %scan3A_1030 : i32 to index
        %get3A_1085 = arith.constant 176 : index
        %get3A_1086 = tpu.vector_load %arg9[%get3A_1083, %get3A_1084, %get3A_1085] {strides = array<i32>} : memref<2x80x192xf32, #tpu.memory_space<vmem>>, vector<16xf32>,
        tpu.vector_store_idx %arg10[%gather3A_1038, %add3A_813], %get3A_1086 {add = true} : memref<16x192xf32, #tpu.memory_space<vmem>>[vector<16xi32>, vector<16xi32>], vector<16xf32>,
        %scan3A_1087 = arith.constant 4 : i32
        %scan3A_1088 = arith.addi %scan3A_858, %scan3A_1087 : i32
        %mul3A_1089 = arith.constant 80 : i32
        %mul3A_1090 = arith.muli %scan3A_832, %mul3A_1089 : i32
        %add3A_1091 = arith.addi %mul3A_1090, %scan3A_1088 : i32
        %broadcast_in_dim3A_1092 = arith.constant 0 : i32
        %broadcast_in_dim3A_1093 = vector.broadcast %broadcast_in_dim3A_1092 : i32 to vector<16xi32>
        %add3A_1094 = vector.broadcast %add3A_1091 : i32 to vector<16xi32>
        %add3A_1095 = arith.addi %broadcast_in_dim3A_1093, %add3A_1094 : vector<16xi32>
        %gather3A_1096 = tpu.vector_load_idx %arg8[%add3A_1095] : memref<1600xi32, #tpu.memory_space<vmem>>[vector<16xi32>], vector<16xi32>,
        %get3A_1097 = arith.index_cast %rem3A_833 : i32 to index
        %get3A_1098 = arith.index_cast %scan3A_1088 : i32 to index
        %get3A_1099 = arith.constant 0 : index
        %get3A_1100 = tpu.vector_load %arg9[%get3A_1097, %get3A_1098, %get3A_1099] {strides = array<i32>} : memref<2x80x192xf32, #tpu.memory_space<vmem>>, vector<16xf32>,
        tpu.vector_store_idx %arg10[%gather3A_1096, %add3A_780], %get3A_1100 {add = true} : memref<16x192xf32, #tpu.memory_space<vmem>>[vector<16xi32>, vector<16xi32>], vector<16xf32>,
        %get3A_1101 = arith.index_cast %rem3A_833 : i32 to index
        %get3A_1102 = arith.index_cast %scan3A_1088 : i32 to index
        %get3A_1103 = arith.constant 16 : index
        %get3A_1104 = tpu.vector_load %arg9[%get3A_1101, %get3A_1102, %get3A_1103] {strides = array<i32>} : memref<2x80x192xf32, #tpu.memory_space<vmem>>, vector<16xf32>,
        tpu.vector_store_idx %arg10[%gather3A_1096, %add3A_783], %get3A_1104 {add = true} : memref<16x192xf32, #tpu.memory_space<vmem>>[vector<16xi32>, vector<16xi32>], vector<16xf32>,
        %get3A_1105 = arith.index_cast %rem3A_833 : i32 to index
        %get3A_1106 = arith.index_cast %scan3A_1088 : i32 to index
        %get3A_1107 = arith.constant 32 : index
        %get3A_1108 = tpu.vector_load %arg9[%get3A_1105, %get3A_1106, %get3A_1107] {strides = array<i32>} : memref<2x80x192xf32, #tpu.memory_space<vmem>>, vector<16xf32>,
        tpu.vector_store_idx %arg10[%gather3A_1096, %add3A_786], %get3A_1108 {add = true} : memref<16x192xf32, #tpu.memory_space<vmem>>[vector<16xi32>, vector<16xi32>], vector<16xf32>,
        %get3A_1109 = arith.index_cast %rem3A_833 : i32 to index
        %get3A_1110 = arith.index_cast %scan3A_1088 : i32 to index
        %get3A_1111 = arith.constant 48 : index
        %get3A_1112 = tpu.vector_load %arg9[%get3A_1109, %get3A_1110, %get3A_1111] {strides = array<i32>} : memref<2x80x192xf32, #tpu.memory_space<vmem>>, vector<16xf32>,
        tpu.vector_store_idx %arg10[%gather3A_1096, %add3A_789], %get3A_1112 {add = true} : memref<16x192xf32, #tpu.memory_space<vmem>>[vector<16xi32>, vector<16xi32>], vector<16xf32>,
        %get3A_1113 = arith.index_cast %rem3A_833 : i32 to index
        %get3A_1114 = arith.index_cast %scan3A_1088 : i32 to index
        %get3A_1115 = arith.constant 64 : index
        %get3A_1116 = tpu.vector_load %arg9[%get3A_1113, %get3A_1114, %get3A_1115] {strides = array<i32>} : memref<2x80x192xf32, #tpu.memory_space<vmem>>, vector<16xf32>,
        tpu.vector_store_idx %arg10[%gather3A_1096, %add3A_792], %get3A_1116 {add = true} : memref<16x192xf32, #tpu.memory_space<vmem>>[vector<16xi32>, vector<16xi32>], vector<16xf32>,
        %get3A_1117 = arith.index_cast %rem3A_833 : i32 to index
        %get3A_1118 = arith.index_cast %scan3A_1088 : i32 to index
        %get3A_1119 = arith.constant 80 : index
        %get3A_1120 = tpu.vector_load %arg9[%get3A_1117, %get3A_1118, %get3A_1119] {strides = array<i32>} : memref<2x80x192xf32, #tpu.memory_space<vmem>>, vector<16xf32>,
        tpu.vector_store_idx %arg10[%gather3A_1096, %add3A_795], %get3A_1120 {add = true} : memref<16x192xf32, #tpu.memory_space<vmem>>[vector<16xi32>, vector<16xi32>], vector<16xf32>,
        %get3A_1121 = arith.index_cast %rem3A_833 : i32 to index
        %get3A_1122 = arith.index_cast %scan3A_1088 : i32 to index
        %get3A_1123 = arith.constant 96 : index
        %get3A_1124 = tpu.vector_load %arg9[%get3A_1121, %get3A_1122, %get3A_1123] {strides = array<i32>} : memref<2x80x192xf32, #tpu.memory_space<vmem>>, vector<16xf32>,
        tpu.vector_store_idx %arg10[%gather3A_1096, %add3A_798], %get3A_1124 {add = true} : memref<16x192xf32, #tpu.memory_space<vmem>>[vector<16xi32>, vector<16xi32>], vector<16xf32>,
        %get3A_1125 = arith.index_cast %rem3A_833 : i32 to index
        %get3A_1126 = arith.index_cast %scan3A_1088 : i32 to index
        %get3A_1127 = arith.constant 112 : index
        %get3A_1128 = tpu.vector_load %arg9[%get3A_1125, %get3A_1126, %get3A_1127] {strides = array<i32>} : memref<2x80x192xf32, #tpu.memory_space<vmem>>, vector<16xf32>,
        tpu.vector_store_idx %arg10[%gather3A_1096, %add3A_801], %get3A_1128 {add = true} : memref<16x192xf32, #tpu.memory_space<vmem>>[vector<16xi32>, vector<16xi32>], vector<16xf32>,
        %get3A_1129 = arith.index_cast %rem3A_833 : i32 to index
        %get3A_1130 = arith.index_cast %scan3A_1088 : i32 to index
        %get3A_1131 = arith.constant 128 : index
        %get3A_1132 = tpu.vector_load %arg9[%get3A_1129, %get3A_1130, %get3A_1131] {strides = array<i32>} : memref<2x80x192xf32, #tpu.memory_space<vmem>>, vector<16xf32>,
        tpu.vector_store_idx %arg10[%gather3A_1096, %add3A_804], %get3A_1132 {add = true} : memref<16x192xf32, #tpu.memory_space<vmem>>[vector<16xi32>, vector<16xi32>], vector<16xf32>,
        %get3A_1133 = arith.index_cast %rem3A_833 : i32 to index
        %get3A_1134 = arith.index_cast %scan3A_1088 : i32 to index
        %get3A_1135 = arith.constant 144 : index
        %get3A_1136 = tpu.vector_load %arg9[%get3A_1133, %get3A_1134, %get3A_1135] {strides = array<i32>} : memref<2x80x192xf32, #tpu.memory_space<vmem>>, vector<16xf32>,
        tpu.vector_store_idx %arg10[%gather3A_1096, %add3A_807], %get3A_1136 {add = true} : memref<16x192xf32, #tpu.memory_space<vmem>>[vector<16xi32>, vector<16xi32>], vector<16xf32>,
        %get3A_1137 = arith.index_cast %rem3A_833 : i32 to index
        %get3A_1138 = arith.index_cast %scan3A_1088 : i32 to index
        %get3A_1139 = arith.constant 160 : index
        %get3A_1140 = tpu.vector_load %arg9[%get3A_1137, %get3A_1138, %get3A_1139] {strides = array<i32>} : memref<2x80x192xf32, #tpu.memory_space<vmem>>, vector<16xf32>,
        tpu.vector_store_idx %arg10[%gather3A_1096, %add3A_810], %get3A_1140 {add = true} : memref<16x192xf32, #tpu.memory_space<vmem>>[vector<16xi32>, vector<16xi32>], vector<16xf32>,
        %get3A_1141 = arith.index_cast %rem3A_833 : i32 to index
        %get3A_1142 = arith.index_cast %scan3A_1088 : i32 to index
        %get3A_1143 = arith.constant 176 : index
        %get3A_1144 = tpu.vector_load %arg9[%get3A_1141, %get3A_1142, %get3A_1143] {strides = array<i32>} : memref<2x80x192xf32, #tpu.memory_space<vmem>>, vector<16xf32>,
        tpu.vector_store_idx %arg10[%gather3A_1096, %add3A_813], %get3A_1144 {add = true} : memref<16x192xf32, #tpu.memory_space<vmem>>[vector<16xi32>, vector<16xi32>], vector<16xf32>,
        %scan3A_1145 = arith.constant 5 : i32
        %scan3A_1146 = arith.addi %scan3A_858, %scan3A_1145 : i32
        %mul3A_1147 = arith.constant 80 : i32
        %mul3A_1148 = arith.muli %scan3A_832, %mul3A_1147 : i32
        %add3A_1149 = arith.addi %mul3A_1148, %scan3A_1146 : i32
        %broadcast_in_dim3A_1150 = arith.constant 0 : i32
        %broadcast_in_dim3A_1151 = vector.broadcast %broadcast_in_dim3A_1150 : i32 to vector<16xi32>
        %add3A_1152 = vector.broadcast %add3A_1149 : i32 to vector<16xi32>
        %add3A_1153 = arith.addi %broadcast_in_dim3A_1151, %add3A_1152 : vector<16xi32>
        %gather3A_1154 = tpu.vector_load_idx %arg8[%add3A_1153] : memref<1600xi32, #tpu.memory_space<vmem>>[vector<16xi32>], vector<16xi32>,
        %get3A_1155 = arith.index_cast %rem3A_833 : i32 to index
        %get3A_1156 = arith.index_cast %scan3A_1146 : i32 to index
        %get3A_1157 = arith.constant 0 : index
        %get3A_1158 = tpu.vector_load %arg9[%get3A_1155, %get3A_1156, %get3A_1157] {strides = array<i32>} : memref<2x80x192xf32, #tpu.memory_space<vmem>>, vector<16xf32>,
        tpu.vector_store_idx %arg10[%gather3A_1154, %add3A_780], %get3A_1158 {add = true} : memref<16x192xf32, #tpu.memory_space<vmem>>[vector<16xi32>, vector<16xi32>], vector<16xf32>,
        %get3A_1159 = arith.index_cast %rem3A_833 : i32 to index
        %get3A_1160 = arith.index_cast %scan3A_1146 : i32 to index
        %get3A_1161 = arith.constant 16 : index
        %get3A_1162 = tpu.vector_load %arg9[%get3A_1159, %get3A_1160, %get3A_1161] {strides = array<i32>} : memref<2x80x192xf32, #tpu.memory_space<vmem>>, vector<16xf32>,
        tpu.vector_store_idx %arg10[%gather3A_1154, %add3A_783], %get3A_1162 {add = true} : memref<16x192xf32, #tpu.memory_space<vmem>>[vector<16xi32>, vector<16xi32>], vector<16xf32>,
        %get3A_1163 = arith.index_cast %rem3A_833 : i32 to index
        %get3A_1164 = arith.index_cast %scan3A_1146 : i32 to index
        %get3A_1165 = arith.constant 32 : index
        %get3A_1166 = tpu.vector_load %arg9[%get3A_1163, %get3A_1164, %get3A_1165] {strides = array<i32>} : memref<2x80x192xf32, #tpu.memory_space<vmem>>, vector<16xf32>,
        tpu.vector_store_idx %arg10[%gather3A_1154, %add3A_786], %get3A_1166 {add = true} : memref<16x192xf32, #tpu.memory_space<vmem>>[vector<16xi32>, vector<16xi32>], vector<16xf32>,
        %get3A_1167 = arith.index_cast %rem3A_833 : i32 to index
        %get3A_1168 = arith.index_cast %scan3A_1146 : i32 to index
        %get3A_1169 = arith.constant 48 : index
        %get3A_1170 = tpu.vector_load %arg9[%get3A_1167, %get3A_1168, %get3A_1169] {strides = array<i32>} : memref<2x80x192xf32, #tpu.memory_space<vmem>>, vector<16xf32>,
        tpu.vector_store_idx %arg10[%gather3A_1154, %add3A_789], %get3A_1170 {add = true} : memref<16x192xf32, #tpu.memory_space<vmem>>[vector<16xi32>, vector<16xi32>], vector<16xf32>,
        %get3A_1171 = arith.index_cast %rem3A_833 : i32 to index
        %get3A_1172 = arith.index_cast %scan3A_1146 : i32 to index
        %get3A_1173 = arith.constant 64 : index
        %get3A_1174 = tpu.vector_load %arg9[%get3A_1171, %get3A_1172, %get3A_1173] {strides = array<i32>} : memref<2x80x192xf32, #tpu.memory_space<vmem>>, vector<16xf32>,
        tpu.vector_store_idx %arg10[%gather3A_1154, %add3A_792], %get3A_1174 {add = true} : memref<16x192xf32, #tpu.memory_space<vmem>>[vector<16xi32>, vector<16xi32>], vector<16xf32>,
        %get3A_1175 = arith.index_cast %rem3A_833 : i32 to index
        %get3A_1176 = arith.index_cast %scan3A_1146 : i32 to index
        %get3A_1177 = arith.constant 80 : index
        %get3A_1178 = tpu.vector_load %arg9[%get3A_1175, %get3A_1176, %get3A_1177] {strides = array<i32>} : memref<2x80x192xf32, #tpu.memory_space<vmem>>, vector<16xf32>,
        tpu.vector_store_idx %arg10[%gather3A_1154, %add3A_795], %get3A_1178 {add = true} : memref<16x192xf32, #tpu.memory_space<vmem>>[vector<16xi32>, vector<16xi32>], vector<16xf32>,
        %get3A_1179 = arith.index_cast %rem3A_833 : i32 to index
        %get3A_1180 = arith.index_cast %scan3A_1146 : i32 to index
        %get3A_1181 = arith.constant 96 : index
        %get3A_1182 = tpu.vector_load %arg9[%get3A_1179, %get3A_1180, %get3A_1181] {strides = array<i32>} : memref<2x80x192xf32, #tpu.memory_space<vmem>>, vector<16xf32>,
        tpu.vector_store_idx %arg10[%gather3A_1154, %add3A_798], %get3A_1182 {add = true} : memref<16x192xf32, #tpu.memory_space<vmem>>[vector<16xi32>, vector<16xi32>], vector<16xf32>,
        %get3A_1183 = arith.index_cast %rem3A_833 : i32 to index
        %get3A_1184 = arith.index_cast %scan3A_1146 : i32 to index
        %get3A_1185 = arith.constant 112 : index
        %get3A_1186 = tpu.vector_load %arg9[%get3A_1183, %get3A_1184, %get3A_1185] {strides = array<i32>} : memref<2x80x192xf32, #tpu.memory_space<vmem>>, vector<16xf32>,
        tpu.vector_store_idx %arg10[%gather3A_1154, %add3A_801], %get3A_1186 {add = true} : memref<16x192xf32, #tpu.memory_space<vmem>>[vector<16xi32>, vector<16xi32>], vector<16xf32>,
        %get3A_1187 = arith.index_cast %rem3A_833 : i32 to index
        %get3A_1188 = arith.index_cast %scan3A_1146 : i32 to index
        %get3A_1189 = arith.constant 128 : index
        %get3A_1190 = tpu.vector_load %arg9[%get3A_1187, %get3A_1188, %get3A_1189] {strides = array<i32>} : memref<2x80x192xf32, #tpu.memory_space<vmem>>, vector<16xf32>,
        tpu.vector_store_idx %arg10[%gather3A_1154, %add3A_804], %get3A_1190 {add = true} : memref<16x192xf32, #tpu.memory_space<vmem>>[vector<16xi32>, vector<16xi32>], vector<16xf32>,
        %get3A_1191 = arith.index_cast %rem3A_833 : i32 to index
        %get3A_1192 = arith.index_cast %scan3A_1146 : i32 to index
        %get3A_1193 = arith.constant 144 : index
        %get3A_1194 = tpu.vector_load %arg9[%get3A_1191, %get3A_1192, %get3A_1193] {strides = array<i32>} : memref<2x80x192xf32, #tpu.memory_space<vmem>>, vector<16xf32>,
        tpu.vector_store_idx %arg10[%gather3A_1154, %add3A_807], %get3A_1194 {add = true} : memref<16x192xf32, #tpu.memory_space<vmem>>[vector<16xi32>, vector<16xi32>], vector<16xf32>,
        %get3A_1195 = arith.index_cast %rem3A_833 : i32 to index
        %get3A_1196 = arith.index_cast %scan3A_1146 : i32 to index
        %get3A_1197 = arith.constant 160 : index
        %get3A_1198 = tpu.vector_load %arg9[%get3A_1195, %get3A_1196, %get3A_1197] {strides = array<i32>} : memref<2x80x192xf32, #tpu.memory_space<vmem>>, vector<16xf32>,
        tpu.vector_store_idx %arg10[%gather3A_1154, %add3A_810], %get3A_1198 {add = true} : memref<16x192xf32, #tpu.memory_space<vmem>>[vector<16xi32>, vector<16xi32>], vector<16xf32>,
        %get3A_1199 = arith.index_cast %rem3A_833 : i32 to index
        %get3A_1200 = arith.index_cast %scan3A_1146 : i32 to index
        %get3A_1201 = arith.constant 176 : index
        %get3A_1202 = tpu.vector_load %arg9[%get3A_1199, %get3A_1200, %get3A_1201] {strides = array<i32>} : memref<2x80x192xf32, #tpu.memory_space<vmem>>, vector<16xf32>,
        tpu.vector_store_idx %arg10[%gather3A_1154, %add3A_813], %get3A_1202 {add = true} : memref<16x192xf32, #tpu.memory_space<vmem>>[vector<16xi32>, vector<16xi32>], vector<16xf32>,
        %scan3A_1203 = arith.constant 6 : i32
        %scan3A_1204 = arith.addi %scan3A_858, %scan3A_1203 : i32
        %mul3A_1205 = arith.constant 80 : i32
        %mul3A_1206 = arith.muli %scan3A_832, %mul3A_1205 : i32
        %add3A_1207 = arith.addi %mul3A_1206, %scan3A_1204 : i32
        %broadcast_in_dim3A_1208 = arith.constant 0 : i32
        %broadcast_in_dim3A_1209 = vector.broadcast %broadcast_in_dim3A_1208 : i32 to vector<16xi32>
        %add3A_1210 = vector.broadcast %add3A_1207 : i32 to vector<16xi32>
        %add3A_1211 = arith.addi %broadcast_in_dim3A_1209, %add3A_1210 : vector<16xi32>
        %gather3A_1212 = tpu.vector_load_idx %arg8[%add3A_1211] : memref<1600xi32, #tpu.memory_space<vmem>>[vector<16xi32>], vector<16xi32>,
        %get3A_1213 = arith.index_cast %rem3A_833 : i32 to index
        %get3A_1214 = arith.index_cast %scan3A_1204 : i32 to index
        %get3A_1215 = arith.constant 0 : index
        %get3A_1216 = tpu.vector_load %arg9[%get3A_1213, %get3A_1214, %get3A_1215] {strides = array<i32>} : memref<2x80x192xf32, #tpu.memory_space<vmem>>, vector<16xf32>,
        tpu.vector_store_idx %arg10[%gather3A_1212, %add3A_780], %get3A_1216 {add = true} : memref<16x192xf32, #tpu.memory_space<vmem>>[vector<16xi32>, vector<16xi32>], vector<16xf32>,
        %get3A_1217 = arith.index_cast %rem3A_833 : i32 to index
        %get3A_1218 = arith.index_cast %scan3A_1204 : i32 to index
        %get3A_1219 = arith.constant 16 : index
        %get3A_1220 = tpu.vector_load %arg9[%get3A_1217, %get3A_1218, %get3A_1219] {strides = array<i32>} : memref<2x80x192xf32, #tpu.memory_space<vmem>>, vector<16xf32>,
        tpu.vector_store_idx %arg10[%gather3A_1212, %add3A_783], %get3A_1220 {add = true} : memref<16x192xf32, #tpu.memory_space<vmem>>[vector<16xi32>, vector<16xi32>], vector<16xf32>,
        %get3A_1221 = arith.index_cast %rem3A_833 : i32 to index
        %get3A_1222 = arith.index_cast %scan3A_1204 : i32 to index
        %get3A_1223 = arith.constant 32 : index
        %get3A_1224 = tpu.vector_load %arg9[%get3A_1221, %get3A_1222, %get3A_1223] {strides = array<i32>} : memref<2x80x192xf32, #tpu.memory_space<vmem>>, vector<16xf32>,
        tpu.vector_store_idx %arg10[%gather3A_1212, %add3A_786], %get3A_1224 {add = true} : memref<16x192xf32, #tpu.memory_space<vmem>>[vector<16xi32>, vector<16xi32>], vector<16xf32>,
        %get3A_1225 = arith.index_cast %rem3A_833 : i32 to index
        %get3A_1226 = arith.index_cast %scan3A_1204 : i32 to index
        %get3A_1227 = arith.constant 48 : index
        %get3A_1228 = tpu.vector_load %arg9[%get3A_1225, %get3A_1226, %get3A_1227] {strides = array<i32>} : memref<2x80x192xf32, #tpu.memory_space<vmem>>, vector<16xf32>,
        tpu.vector_store_idx %arg10[%gather3A_1212, %add3A_789], %get3A_1228 {add = true} : memref<16x192xf32, #tpu.memory_space<vmem>>[vector<16xi32>, vector<16xi32>], vector<16xf32>,
        %get3A_1229 = arith.index_cast %rem3A_833 : i32 to index
        %get3A_1230 = arith.index_cast %scan3A_1204 : i32 to index
        %get3A_1231 = arith.constant 64 : index
        %get3A_1232 = tpu.vector_load %arg9[%get3A_1229, %get3A_1230, %get3A_1231] {strides = array<i32>} : memref<2x80x192xf32, #tpu.memory_space<vmem>>, vector<16xf32>,
        tpu.vector_store_idx %arg10[%gather3A_1212, %add3A_792], %get3A_1232 {add = true} : memref<16x192xf32, #tpu.memory_space<vmem>>[vector<16xi32>, vector<16xi32>], vector<16xf32>,
        %get3A_1233 = arith.index_cast %rem3A_833 : i32 to index
        %get3A_1234 = arith.index_cast %scan3A_1204 : i32 to index
        %get3A_1235 = arith.constant 80 : index
        %get3A_1236 = tpu.vector_load %arg9[%get3A_1233, %get3A_1234, %get3A_1235] {strides = array<i32>} : memref<2x80x192xf32, #tpu.memory_space<vmem>>, vector<16xf32>,
        tpu.vector_store_idx %arg10[%gather3A_1212, %add3A_795], %get3A_1236 {add = true} : memref<16x192xf32, #tpu.memory_space<vmem>>[vector<16xi32>, vector<16xi32>], vector<16xf32>,
        %get3A_1237 = arith.index_cast %rem3A_833 : i32 to index
        %get3A_1238 = arith.index_cast %scan3A_1204 : i32 to index
        %get3A_1239 = arith.constant 96 : index
        %get3A_1240 = tpu.vector_load %arg9[%get3A_1237, %get3A_1238, %get3A_1239] {strides = array<i32>} : memref<2x80x192xf32, #tpu.memory_space<vmem>>, vector<16xf32>,
        tpu.vector_store_idx %arg10[%gather3A_1212, %add3A_798], %get3A_1240 {add = true} : memref<16x192xf32, #tpu.memory_space<vmem>>[vector<16xi32>, vector<16xi32>], vector<16xf32>,
        %get3A_1241 = arith.index_cast %rem3A_833 : i32 to index
        %get3A_1242 = arith.index_cast %scan3A_1204 : i32 to index
        %get3A_1243 = arith.constant 112 : index
        %get3A_1244 = tpu.vector_load %arg9[%get3A_1241, %get3A_1242, %get3A_1243] {strides = array<i32>} : memref<2x80x192xf32, #tpu.memory_space<vmem>>, vector<16xf32>,
        tpu.vector_store_idx %arg10[%gather3A_1212, %add3A_801], %get3A_1244 {add = true} : memref<16x192xf32, #tpu.memory_space<vmem>>[vector<16xi32>, vector<16xi32>], vector<16xf32>,
        %get3A_1245 = arith.index_cast %rem3A_833 : i32 to index
        %get3A_1246 = arith.index_cast %scan3A_1204 : i32 to index
        %get3A_1247 = arith.constant 128 : index
        %get3A_1248 = tpu.vector_load %arg9[%get3A_1245, %get3A_1246, %get3A_1247] {strides = array<i32>} : memref<2x80x192xf32, #tpu.memory_space<vmem>>, vector<16xf32>,
        tpu.vector_store_idx %arg10[%gather3A_1212, %add3A_804], %get3A_1248 {add = true} : memref<16x192xf32, #tpu.memory_space<vmem>>[vector<16xi32>, vector<16xi32>], vector<16xf32>,
        %get3A_1249 = arith.index_cast %rem3A_833 : i32 to index
        %get3A_1250 = arith.index_cast %scan3A_1204 : i32 to index
        %get3A_1251 = arith.constant 144 : index
        %get3A_1252 = tpu.vector_load %arg9[%get3A_1249, %get3A_1250, %get3A_1251] {strides = array<i32>} : memref<2x80x192xf32, #tpu.memory_space<vmem>>, vector<16xf32>,
        tpu.vector_store_idx %arg10[%gather3A_1212, %add3A_807], %get3A_1252 {add = true} : memref<16x192xf32, #tpu.memory_space<vmem>>[vector<16xi32>, vector<16xi32>], vector<16xf32>,
        %get3A_1253 = arith.index_cast %rem3A_833 : i32 to index
        %get3A_1254 = arith.index_cast %scan3A_1204 : i32 to index
        %get3A_1255 = arith.constant 160 : index
        %get3A_1256 = tpu.vector_load %arg9[%get3A_1253, %get3A_1254, %get3A_1255] {strides = array<i32>} : memref<2x80x192xf32, #tpu.memory_space<vmem>>, vector<16xf32>,
        tpu.vector_store_idx %arg10[%gather3A_1212, %add3A_810], %get3A_1256 {add = true} : memref<16x192xf32, #tpu.memory_space<vmem>>[vector<16xi32>, vector<16xi32>], vector<16xf32>,
        %get3A_1257 = arith.index_cast %rem3A_833 : i32 to index
        %get3A_1258 = arith.index_cast %scan3A_1204 : i32 to index
        %get3A_1259 = arith.constant 176 : index
        %get3A_1260 = tpu.vector_load %arg9[%get3A_1257, %get3A_1258, %get3A_1259] {strides = array<i32>} : memref<2x80x192xf32, #tpu.memory_space<vmem>>, vector<16xf32>,
        tpu.vector_store_idx %arg10[%gather3A_1212, %add3A_813], %get3A_1260 {add = true} : memref<16x192xf32, #tpu.memory_space<vmem>>[vector<16xi32>, vector<16xi32>], vector<16xf32>,
        %scan3A_1261 = arith.constant 7 : i32
        %scan3A_1262 = arith.addi %scan3A_858, %scan3A_1261 : i32
        %mul3A_1263 = arith.constant 80 : i32
        %mul3A_1264 = arith.muli %scan3A_832, %mul3A_1263 : i32
        %add3A_1265 = arith.addi %mul3A_1264, %scan3A_1262 : i32
        %broadcast_in_dim3A_1266 = arith.constant 0 : i32
        %broadcast_in_dim3A_1267 = vector.broadcast %broadcast_in_dim3A_1266 : i32 to vector<16xi32>
        %add3A_1268 = vector.broadcast %add3A_1265 : i32 to vector<16xi32>
        %add3A_1269 = arith.addi %broadcast_in_dim3A_1267, %add3A_1268 : vector<16xi32>
        %gather3A_1270 = tpu.vector_load_idx %arg8[%add3A_1269] : memref<1600xi32, #tpu.memory_space<vmem>>[vector<16xi32>], vector<16xi32>,
        %get3A_1271 = arith.index_cast %rem3A_833 : i32 to index
        %get3A_1272 = arith.index_cast %scan3A_1262 : i32 to index
        %get3A_1273 = arith.constant 0 : index
        %get3A_1274 = tpu.vector_load %arg9[%get3A_1271, %get3A_1272, %get3A_1273] {strides = array<i32>} : memref<2x80x192xf32, #tpu.memory_space<vmem>>, vector<16xf32>,
        tpu.vector_store_idx %arg10[%gather3A_1270, %add3A_780], %get3A_1274 {add = true} : memref<16x192xf32, #tpu.memory_space<vmem>>[vector<16xi32>, vector<16xi32>], vector<16xf32>,
        %get3A_1275 = arith.index_cast %rem3A_833 : i32 to index
        %get3A_1276 = arith.index_cast %scan3A_1262 : i32 to index
        %get3A_1277 = arith.constant 16 : index
        %get3A_1278 = tpu.vector_load %arg9[%get3A_1275, %get3A_1276, %get3A_1277] {strides = array<i32>} : memref<2x80x192xf32, #tpu.memory_space<vmem>>, vector<16xf32>,
        tpu.vector_store_idx %arg10[%gather3A_1270, %add3A_783], %get3A_1278 {add = true} : memref<16x192xf32, #tpu.memory_space<vmem>>[vector<16xi32>, vector<16xi32>], vector<16xf32>,
        %get3A_1279 = arith.index_cast %rem3A_833 : i32 to index
        %get3A_1280 = arith.index_cast %scan3A_1262 : i32 to index
        %get3A_1281 = arith.constant 32 : index
        %get3A_1282 = tpu.vector_load %arg9[%get3A_1279, %get3A_1280, %get3A_1281] {strides = array<i32>} : memref<2x80x192xf32, #tpu.memory_space<vmem>>, vector<16xf32>,
        tpu.vector_store_idx %arg10[%gather3A_1270, %add3A_786], %get3A_1282 {add = true} : memref<16x192xf32, #tpu.memory_space<vmem>>[vector<16xi32>, vector<16xi32>], vector<16xf32>,
        %get3A_1283 = arith.index_cast %rem3A_833 : i32 to index
        %get3A_1284 = arith.index_cast %scan3A_1262 : i32 to index
        %get3A_1285 = arith.constant 48 : index
        %get3A_1286 = tpu.vector_load %arg9[%get3A_1283, %get3A_1284, %get3A_1285] {strides = array<i32>} : memref<2x80x192xf32, #tpu.memory_space<vmem>>, vector<16xf32>,
        tpu.vector_store_idx %arg10[%gather3A_1270, %add3A_789], %get3A_1286 {add = true} : memref<16x192xf32, #tpu.memory_space<vmem>>[vector<16xi32>, vector<16xi32>], vector<16xf32>,
        %get3A_1287 = arith.index_cast %rem3A_833 : i32 to index
        %get3A_1288 = arith.index_cast %scan3A_1262 : i32 to index
        %get3A_1289 = arith.constant 64 : index
        %get3A_1290 = tpu.vector_load %arg9[%get3A_1287, %get3A_1288, %get3A_1289] {strides = array<i32>} : memref<2x80x192xf32, #tpu.memory_space<vmem>>, vector<16xf32>,
        tpu.vector_store_idx %arg10[%gather3A_1270, %add3A_792], %get3A_1290 {add = true} : memref<16x192xf32, #tpu.memory_space<vmem>>[vector<16xi32>, vector<16xi32>], vector<16xf32>,
        %get3A_1291 = arith.index_cast %rem3A_833 : i32 to index
        %get3A_1292 = arith.index_cast %scan3A_1262 : i32 to index
        %get3A_1293 = arith.constant 80 : index
        %get3A_1294 = tpu.vector_load %arg9[%get3A_1291, %get3A_1292, %get3A_1293] {strides = array<i32>} : memref<2x80x192xf32, #tpu.memory_space<vmem>>, vector<16xf32>,
        tpu.vector_store_idx %arg10[%gather3A_1270, %add3A_795], %get3A_1294 {add = true} : memref<16x192xf32, #tpu.memory_space<vmem>>[vector<16xi32>, vector<16xi32>], vector<16xf32>,
        %get3A_1295 = arith.index_cast %rem3A_833 : i32 to index
        %get3A_1296 = arith.index_cast %scan3A_1262 : i32 to index
        %get3A_1297 = arith.constant 96 : index
        %get3A_1298 = tpu.vector_load %arg9[%get3A_1295, %get3A_1296, %get3A_1297] {strides = array<i32>} : memref<2x80x192xf32, #tpu.memory_space<vmem>>, vector<16xf32>,
        tpu.vector_store_idx %arg10[%gather3A_1270, %add3A_798], %get3A_1298 {add = true} : memref<16x192xf32, #tpu.memory_space<vmem>>[vector<16xi32>, vector<16xi32>], vector<16xf32>,
        %get3A_1299 = arith.index_cast %rem3A_833 : i32 to index
        %get3A_1300 = arith.index_cast %scan3A_1262 : i32 to index
        %get3A_1301 = arith.constant 112 : index
        %get3A_1302 = tpu.vector_load %arg9[%get3A_1299, %get3A_1300, %get3A_1301] {strides = array<i32>} : memref<2x80x192xf32, #tpu.memory_space<vmem>>, vector<16xf32>,
        tpu.vector_store_idx %arg10[%gather3A_1270, %add3A_801], %get3A_1302 {add = true} : memref<16x192xf32, #tpu.memory_space<vmem>>[vector<16xi32>, vector<16xi32>], vector<16xf32>,
        %get3A_1303 = arith.index_cast %rem3A_833 : i32 to index
        %get3A_1304 = arith.index_cast %scan3A_1262 : i32 to index
        %get3A_1305 = arith.constant 128 : index
        %get3A_1306 = tpu.vector_load %arg9[%get3A_1303, %get3A_1304, %get3A_1305] {strides = array<i32>} : memref<2x80x192xf32, #tpu.memory_space<vmem>>, vector<16xf32>,
        tpu.vector_store_idx %arg10[%gather3A_1270, %add3A_804], %get3A_1306 {add = true} : memref<16x192xf32, #tpu.memory_space<vmem>>[vector<16xi32>, vector<16xi32>], vector<16xf32>,
        %get3A_1307 = arith.index_cast %rem3A_833 : i32 to index
        %get3A_1308 = arith.index_cast %scan3A_1262 : i32 to index
        %get3A_1309 = arith.constant 144 : index
        %get3A_1310 = tpu.vector_load %arg9[%get3A_1307, %get3A_1308, %get3A_1309] {strides = array<i32>} : memref<2x80x192xf32, #tpu.memory_space<vmem>>, vector<16xf32>,
        tpu.vector_store_idx %arg10[%gather3A_1270, %add3A_807], %get3A_1310 {add = true} : memref<16x192xf32, #tpu.memory_space<vmem>>[vector<16xi32>, vector<16xi32>], vector<16xf32>,
        %get3A_1311 = arith.index_cast %rem3A_833 : i32 to index
        %get3A_1312 = arith.index_cast %scan3A_1262 : i32 to index
        %get3A_1313 = arith.constant 160 : index
        %get3A_1314 = tpu.vector_load %arg9[%get3A_1311, %get3A_1312, %get3A_1313] {strides = array<i32>} : memref<2x80x192xf32, #tpu.memory_space<vmem>>, vector<16xf32>,
        tpu.vector_store_idx %arg10[%gather3A_1270, %add3A_810], %get3A_1314 {add = true} : memref<16x192xf32, #tpu.memory_space<vmem>>[vector<16xi32>, vector<16xi32>], vector<16xf32>,
        %get3A_1315 = arith.index_cast %rem3A_833 : i32 to index
        %get3A_1316 = arith.index_cast %scan3A_1262 : i32 to index
        %get3A_1317 = arith.constant 176 : index
        %get3A_1318 = tpu.vector_load %arg9[%get3A_1315, %get3A_1316, %get3A_1317] {strides = array<i32>} : memref<2x80x192xf32, #tpu.memory_space<vmem>>, vector<16xf32>,
        tpu.vector_store_idx %arg10[%gather3A_1270, %add3A_813], %get3A_1318 {add = true} : memref<16x192xf32, #tpu.memory_space<vmem>>[vector<16xi32>, vector<16xi32>], vector<16xf32>,
      }
      %scan3A_857 = arith.constant 80 : i32
    }
    %scan3A_831 = arith.constant 20 : i32
    "tpu.region"() ({
      %run_scoped3A = tpu.sem_alloc : memref<!tpu.dma_semaphore, #tpu.memory_space<semaphore_mem>>
      %dma_start3A_832 = arith.constant 0 : i32
      %dma_start3A_833 = arith.constant 0 : i32
      %dma_start3A_834 = tpu.memref_slice %arg5[%add3A, %dma_start3A_832, %dma_start3A_833] : memref<32x16x192xf32, #tpu.memory_space<hbm>> -> memref<1x16x192xf32, #tpu.memory_space<hbm>>
      %dma_start3A_835 = tpu.memref_squeeze %dma_start3A_834 : memref<1x16x192xf32, #tpu.memory_space<hbm>> -> memref<16x192xf32, #tpu.memory_space<hbm>>
      %dma_start3A_836 = arith.constant 0 : i32
      %dma_start3A_837 = arith.constant 0 : i32
      %dma_start3A_838 = tpu.memref_slice %arg5[%add3A, %dma_start3A_836, %dma_start3A_837] : memref<32x16x192xf32, #tpu.memory_space<hbm>> -> memref<1x16x192xf32, #tpu.memory_space<hbm>>
      %dma_start3A_839 = tpu.memref_squeeze %dma_start3A_838 : memref<1x16x192xf32, #tpu.memory_space<hbm>> -> memref<16x192xf32, #tpu.memory_space<hbm>>
      tpu.enqueue_dma source(%arg10 : memref<16x192xf32, #tpu.memory_space<vmem>>) target(%dma_start3A_839 : memref<16x192xf32, #tpu.memory_space<hbm>>) target_semaphore(%run_scoped3A : memref<!tpu.dma_semaphore, #tpu.memory_space<semaphore_mem>>)
      %dma_wait3A = arith.constant 0 : i32
      %dma_wait3A_840 = arith.constant 0 : i32
      %dma_wait3A_841 = tpu.memref_slice %arg5[%add3A, %dma_wait3A, %dma_wait3A_840] : memref<32x16x192xf32, #tpu.memory_space<hbm>> -> memref<1x16x192xf32, #tpu.memory_space<hbm>>
      %dma_wait3A_842 = tpu.memref_squeeze %dma_wait3A_841 : memref<1x16x192xf32, #tpu.memory_space<hbm>> -> memref<16x192xf32, #tpu.memory_space<hbm>>
      %dma_wait3A_843 = arith.constant 0 : i32
      %dma_wait3A_844 = arith.constant 0 : i32
      %dma_wait3A_845 = tpu.memref_slice %arg5[%add3A, %dma_wait3A_843, %dma_wait3A_844] : memref<32x16x192xf32, #tpu.memory_space<hbm>> -> memref<1x16x192xf32, #tpu.memory_space<hbm>>
      %dma_wait3A_846 = tpu.memref_squeeze %dma_wait3A_845 : memref<1x16x192xf32, #tpu.memory_space<hbm>> -> memref<16x192xf32, #tpu.memory_space<hbm>>
      tpu.wait_dma2 semaphore(%run_scoped3A : memref<!tpu.dma_semaphore, #tpu.memory_space<semaphore_mem>>) src(%arg10 : memref<16x192xf32, #tpu.memory_space<vmem>>) dst(%dma_wait3A_846 : memref<16x192xf32, #tpu.memory_space<hbm>>)
      tpu.yield
    }) : () -> ()
    return
  }
}

module attributes {stable_mosaic.version = 14 : i64} {
  func.func @_fin_body(%arg0: i32, %arg1: memref<16x192xf32, #tpu.memory_space<vmem>>, %arg2: memref<32x16x192xf32, #tpu.memory_space<vmem>>, %arg3: memref<1x10000xi32, #tpu.memory_space<vmem>>, %arg4: memref<192x3xf32, #tpu.memory_space<vmem>>, %arg5: memref<1x3xf32, #tpu.memory_space<vmem>>, %arg6: memref<16x3xf32, #tpu.memory_space<vmem>>) attributes {dimension_semantics = [#tpu.dimension_semantics<arbitrary>], iteration_bounds = array<i64: 1>, scalar_prefetch = 0 : i64, scratch_operands = 0 : i64, tpu.core_type = #tpu.core_type<tc>, window_params = [{pipeline_mode = #tpu.pipeline_mode<synchronous>, transform_indices = @transform_0, window_bounds = array<i64: 16, 192>}, {pipeline_mode = #tpu.pipeline_mode<synchronous>, transform_indices = @transform_1, window_bounds = array<i64: 32, 16, 192>}, {pipeline_mode = #tpu.pipeline_mode<synchronous>, transform_indices = @transform_2, window_bounds = array<i64: 1, 10000>}, {pipeline_mode = #tpu.pipeline_mode<synchronous>, transform_indices = @transform_3, window_bounds = array<i64: 192, 3>}, {pipeline_mode = #tpu.pipeline_mode<synchronous>, transform_indices = @transform_4, window_bounds = array<i64: 1, 3>}, {pipeline_mode = #tpu.pipeline_mode<synchronous>, transform_indices = @transform_5, window_bounds = array<i64: 16, 3>}]} {
    %get3A = arith.constant 0 : index
    %get3A_0 = arith.constant 0 : index
    %get3A_1 = vector.load %arg3[%get3A, %get3A_0] : memref<1x10000xi32, #tpu.memory_space<vmem>>, vector<1x10000xi32>
    %iota3A = tpu.iota {dimensions = array<i32: 0>} : vector<16x10000xi32>
    %eq3A = vector.broadcast %get3A_1 : vector<1x10000xi32> to vector<16x10000xi32>
    %eq3A_2 = arith.cmpi eq, %eq3A, %iota3A : vector<16x10000xi32>
    %convert_element_type3A = arith.extui %eq3A_2 : vector<16x10000xi1> to vector<16x10000xi32>
    %convert_element_type3A_3 = arith.sitofp %convert_element_type3A : vector<16x10000xi32> to vector<16x10000xf32>
    %reduce_sum3A = arith.constant dense<0.000000e+00> : vector<16xf32>
    %reduce_sum3A_4 = vector.multi_reduction <add>, %convert_element_type3A_3, %reduce_sum3A [1] : vector<16x10000xf32> to vector<16xf32>
    %broadcast_in_dim3A = vector.shape_cast %reduce_sum3A_4 : vector<16xf32> to vector<16x1xf32>
    %get3A_5 = arith.constant 0 : index
    %get3A_6 = arith.constant 0 : index
    %get3A_7 = vector.load %arg1[%get3A_5, %get3A_6] : memref<16x192xf32, #tpu.memory_space<vmem>>, vector<16x192xf32>
    %get3A_8 = arith.constant 0 : index
    %get3A_9 = arith.constant 0 : index
    %get3A_10 = arith.constant 0 : index
    %get3A_11 = vector.load %arg2[%get3A_8, %get3A_9, %get3A_10] : memref<32x16x192xf32, #tpu.memory_space<vmem>>, vector<32x16x192xf32>
    %reduce_sum3A_12 = arith.constant dense<0.000000e+00> : vector<16x192xf32>
    %reduce_sum3A_13 = vector.multi_reduction <add>, %get3A_11, %reduce_sum3A_12 [0] : vector<32x16x192xf32> to vector<16x192xf32>
    %add3A = arith.addf %get3A_7, %reduce_sum3A_13 : vector<16x192xf32>
    %max3A = arith.constant 1.000000e+00 : f32
    %max3A_14 = vector.broadcast %max3A : f32 to vector<16x1xf32>
    %max3A_15 = arith.maximumf %broadcast_in_dim3A, %max3A_14 : vector<16x1xf32>
    %div3A = vector.broadcast %max3A_15 : vector<16x1xf32> to vector<16x192xf32>
    %div3A_16 = arith.divf %add3A, %div3A : vector<16x192xf32>
    %get3A_17 = arith.constant 0 : index
    %get3A_18 = arith.constant 0 : index
    %get3A_19 = vector.load %arg4[%get3A_17, %get3A_18] : memref<192x3xf32, #tpu.memory_space<vmem>>, vector<192x3xf32>
    %dot_general3A = arith.constant dense<0.000000e+00> : vector<16x3xf32>
    %dot_general3A_20 = tpu.matmul %div3A_16, %get3A_19, %dot_general3A {dimension_numbers = #tpu.dot_dimension_numbers<[1], [0], [0], [1], [0, 0, 1, 1], [], []>, transpose_lhs_hint = false} : vector<16x192xf32>, vector<192x3xf32>, vector<16x3xf32> -> vector<16x3xf32>
    %get3A_21 = arith.constant 0 : index
    %get3A_22 = arith.constant 0 : index
    %get3A_23 = vector.load %arg5[%get3A_21, %get3A_22] : memref<1x3xf32, #tpu.memory_space<vmem>>, vector<1x3xf32>
    %add3A_24 = vector.broadcast %get3A_23 : vector<1x3xf32> to vector<16x3xf32>
    %add3A_25 = arith.addf %dot_general3A_20, %add3A_24 : vector<16x3xf32>
    %swap3A = arith.constant 0 : index
    %swap3A_26 = arith.constant 0 : index
    %swap3A_27 = vector.load %arg6[%swap3A, %swap3A_26] : memref<16x3xf32, #tpu.memory_space<vmem>>, vector<16x3xf32>
    tpu.vector_store %arg6[%swap3A, %swap3A_26], %add3A_25 {strides = array<i32>} : memref<16x3xf32, #tpu.memory_space<vmem>>, vector<16x3xf32>,
    return
  }
  func.func @transform_0(%arg0: i32) -> (i32, i32) {
    %c0_i32 = arith.constant 0 : i32
    %c0_i32_0 = arith.constant 0 : i32
    %c0_i32_1 = arith.constant 0 : i32
    return %c0_i32, %c0_i32_0 : i32, i32
  }
  func.func @transform_1(%arg0: i32) -> (i32, i32, i32) {
    %c0_i32 = arith.constant 0 : i32
    %c0_i32_0 = arith.constant 0 : i32
    %c0_i32_1 = arith.constant 0 : i32
    %c0_i32_2 = arith.constant 0 : i32
    return %c0_i32, %c0_i32_0, %c0_i32_1 : i32, i32, i32
  }
  func.func @transform_2(%arg0: i32) -> (i32, i32) {
    %c0_i32 = arith.constant 0 : i32
    %c0_i32_0 = arith.constant 0 : i32
    %c0_i32_1 = arith.constant 0 : i32
    return %c0_i32, %c0_i32_0 : i32, i32
  }
  func.func @transform_3(%arg0: i32) -> (i32, i32) {
    %c0_i32 = arith.constant 0 : i32
    %c0_i32_0 = arith.constant 0 : i32
    %c0_i32_1 = arith.constant 0 : i32
    return %c0_i32, %c0_i32_0 : i32, i32
  }
  func.func @transform_4(%arg0: i32) -> (i32, i32) {
    %c0_i32 = arith.constant 0 : i32
    %c0_i32_0 = arith.constant 0 : i32
    %c0_i32_1 = arith.constant 0 : i32
    return %c0_i32, %c0_i32_0 : i32, i32
  }
  func.func @transform_5(%arg0: i32) -> (i32, i32) {
    %c0_i32 = arith.constant 0 : i32
    %c0_i32_0 = arith.constant 0 : i32
    %c0_i32_1 = arith.constant 0 : i32
    return %c0_i32, %c0_i32_0 : i32, i32
  }
}

module attributes {stable_mosaic.version = 14 : i64} {
  func.func @_tc_body(%arg0: i32, %arg1: memref<1x1x6400xi32, #tpu.memory_space<vmem>>, %arg2: memref<1x10000xi32, #tpu.memory_space<vmem>>, %arg3: memref<6400x192xf32, #tpu.memory_space<vmem>>, %arg4: memref<16x192xf32, #tpu.memory_space<vmem>>, %arg5: memref<16x192xf32, #tpu.memory_space<vmem>>, %arg6: memref<16x2xi32, #tpu.memory_space<vmem>>) attributes {dimension_semantics = [#tpu.dimension_semantics<arbitrary>], iteration_bounds = array<i64: 42>, scalar_prefetch = 0 : i64, scratch_operands = 2 : i64, tpu.core_type = #tpu.core_type<tc>, window_params = [{transform_indices = @transform_0, window_bounds = array<i64: 1, 1, 6400>}, {pipeline_mode = #tpu.pipeline_mode<synchronous>, transform_indices = @transform_1, window_bounds = array<i64: 1, 10000>}, {transform_indices = @transform_2, window_bounds = array<i64: 6400, 192>}, {pipeline_mode = #tpu.pipeline_mode<synchronous>, transform_indices = @transform_3, window_bounds = array<i64: 16, 192>}]} {
    %eq3A = arith.constant 0 : i32
    %eq3A_0 = arith.cmpi eq, %arg0, %eq3A : i32
    %convert_element_type3A = arith.extui %eq3A_0 : i1 to i32
    %cond3A = arith.constant 0 : i32
    %cond3A_1 = arith.cmpi ne, %convert_element_type3A, %cond3A : i32
    scf.if %cond3A_1 {
      %get3A_35 = arith.constant 0 : index
      %get3A_36 = arith.constant 0 : index
      %get3A_37 = vector.load %arg2[%get3A_35, %get3A_36] : memref<1x10000xi32, #tpu.memory_space<vmem>>, vector<1x10000xi32>
      %iota3A = tpu.iota {dimensions = array<i32: 0>} : vector<16x10000xi32>
      %lt3A = vector.broadcast %get3A_37 : vector<1x10000xi32> to vector<16x10000xi32>
      %lt3A_38 = arith.cmpi slt, %lt3A, %iota3A : vector<16x10000xi32>
      %convert_element_type3A_39 = arith.extui %lt3A_38 : vector<16x10000xi1> to vector<16x10000xi32>
      %reduce_sum3A = arith.constant dense<0> : vector<16xi32>
      %reduce_sum3A_40 = vector.multi_reduction <add>, %convert_element_type3A_39, %reduce_sum3A [1] : vector<16x10000xi32> to vector<16xi32>
      %broadcast_in_dim3A = vector.shape_cast %reduce_sum3A_40 : vector<16xi32> to vector<16x1xi32>
      %swap3A_41 = arith.constant 0 : index
      %swap3A_42 = arith.constant 0 : index
      %swap3A_43 = vector.load %arg6[%swap3A_41, %swap3A_42] : memref<16x2xi32, #tpu.memory_space<vmem>>, vector<16x1xi32>
      tpu.vector_store %arg6[%swap3A_41, %swap3A_42], %broadcast_in_dim3A {strides = array<i32>} : memref<16x2xi32, #tpu.memory_space<vmem>>, vector<16x1xi32>,
      %add3A_44 = arith.constant 1 : i32
      %add3A_45 = vector.broadcast %add3A_44 : i32 to vector<16x10000xi32>
      %add3A_46 = arith.addi %iota3A, %add3A_45 : vector<16x10000xi32>
      %lt3A_47 = vector.broadcast %get3A_37 : vector<1x10000xi32> to vector<16x10000xi32>
      %lt3A_48 = arith.cmpi slt, %lt3A_47, %add3A_46 : vector<16x10000xi32>
      %convert_element_type3A_49 = arith.extui %lt3A_48 : vector<16x10000xi1> to vector<16x10000xi32>
      %reduce_sum3A_50 = arith.constant dense<0> : vector<16xi32>
      %reduce_sum3A_51 = vector.multi_reduction <add>, %convert_element_type3A_49, %reduce_sum3A_50 [1] : vector<16x10000xi32> to vector<16xi32>
      %broadcast_in_dim3A_52 = vector.shape_cast %reduce_sum3A_51 : vector<16xi32> to vector<16x1xi32>
      %swap3A_53 = arith.constant 0 : index
      %swap3A_54 = arith.constant 1 : index
      %swap3A_55 = vector.load %arg6[%swap3A_53, %swap3A_54] : memref<16x2xi32, #tpu.memory_space<vmem>>, vector<16x1xi32>
      tpu.vector_store %arg6[%swap3A_53, %swap3A_54], %broadcast_in_dim3A_52 {strides = array<i32>} : memref<16x2xi32, #tpu.memory_space<vmem>>, vector<16x1xi32>,
      %broadcast_in_dim3A_56 = arith.constant 0.000000e+00 : f32
      %broadcast_in_dim3A_57 = vector.broadcast %broadcast_in_dim3A_56 : f32 to vector<16x192xf32>
      %swap3A_58 = arith.constant 0 : index
      %swap3A_59 = arith.constant 0 : index
      %swap3A_60 = vector.load %arg5[%swap3A_58, %swap3A_59] : memref<16x192xf32, #tpu.memory_space<vmem>>, vector<16x192xf32>
      tpu.vector_store %arg5[%swap3A_58, %swap3A_59], %broadcast_in_dim3A_57 {strides = array<i32>} : memref<16x192xf32, #tpu.memory_space<vmem>>, vector<16x192xf32>,
    } else {
    }
    %get3A = arith.constant 0 : index
    %get3A_2 = arith.constant 0 : index
    %get3A_3 = vector.load %arg6[%get3A, %get3A_2] : memref<16x2xi32, #tpu.memory_space<vmem>>, vector<16x1xi32>
    %get3A_4 = arith.constant 0 : index
    %get3A_5 = arith.constant 1 : index
    %get3A_6 = vector.load %arg6[%get3A_4, %get3A_5] : memref<16x2xi32, #tpu.memory_space<vmem>>, vector<16x1xi32>
    %get3A_7 = arith.constant 0 : index
    %get3A_8 = arith.constant 0 : index
    %get3A_9 = arith.constant 0 : index
    %get3A_10 = vector.load %arg1[%get3A_7, %get3A_8, %get3A_9] : memref<1x1x6400xi32, #tpu.memory_space<vmem>>, vector<1x1x6400xi32>
    %get3A_11 = vector.shape_cast %get3A_10 : vector<1x1x6400xi32> to vector<1x6400xi32>
    %ge3A = vector.broadcast %get3A_11 : vector<1x6400xi32> to vector<16x6400xi32>
    %ge3A_12 = vector.broadcast %get3A_3 : vector<16x1xi32> to vector<16x6400xi32>
    %ge3A_13 = arith.cmpi sge, %ge3A, %ge3A_12 : vector<16x6400xi32>
    %convert_element_type3A_14 = arith.extui %ge3A_13 : vector<16x6400xi1> to vector<16x6400xi32>
    %convert_element_type3A_15 = arith.sitofp %convert_element_type3A_14 : vector<16x6400xi32> to vector<16x6400xf32>
    %ge3A_16 = vector.broadcast %get3A_11 : vector<1x6400xi32> to vector<16x6400xi32>
    %ge3A_17 = vector.broadcast %get3A_6 : vector<16x1xi32> to vector<16x6400xi32>
    %ge3A_18 = arith.cmpi sge, %ge3A_16, %ge3A_17 : vector<16x6400xi32>
    %convert_element_type3A_19 = arith.extui %ge3A_18 : vector<16x6400xi1> to vector<16x6400xi32>
    %convert_element_type3A_20 = arith.sitofp %convert_element_type3A_19 : vector<16x6400xi32> to vector<16x6400xf32>
    %sub3A = arith.subf %convert_element_type3A_15, %convert_element_type3A_20 : vector<16x6400xf32>
    %get3A_21 = arith.constant 0 : index
    %get3A_22 = arith.constant 0 : index
    %get3A_23 = vector.load %arg5[%get3A_21, %get3A_22] : memref<16x192xf32, #tpu.memory_space<vmem>>, vector<16x192xf32>
    %get3A_24 = arith.constant 0 : index
    %get3A_25 = arith.constant 0 : index
    %get3A_26 = vector.load %arg3[%get3A_24, %get3A_25] : memref<6400x192xf32, #tpu.memory_space<vmem>>, vector<6400x192xf32>
    %dot_general3A = arith.constant dense<0.000000e+00> : vector<16x192xf32>
    %dot_general3A_27 = tpu.matmul %sub3A, %get3A_26, %dot_general3A {dimension_numbers = #tpu.dot_dimension_numbers<[1], [0], [0], [1], [0, 0, 1, 1], [], []>, transpose_lhs_hint = false} : vector<16x6400xf32>, vector<6400x192xf32>, vector<16x192xf32> -> vector<16x192xf32>
    %add3A = arith.addf %get3A_23, %dot_general3A_27 : vector<16x192xf32>
    %swap3A = arith.constant 0 : index
    %swap3A_28 = arith.constant 0 : index
    %swap3A_29 = vector.load %arg5[%swap3A, %swap3A_28] : memref<16x192xf32, #tpu.memory_space<vmem>>, vector<16x192xf32>
    tpu.vector_store %arg5[%swap3A, %swap3A_28], %add3A {strides = array<i32>} : memref<16x192xf32, #tpu.memory_space<vmem>>, vector<16x192xf32>,
    %eq3A_30 = arith.constant 41 : i32
    %eq3A_31 = arith.cmpi eq, %arg0, %eq3A_30 : i32
    %convert_element_type3A_32 = arith.extui %eq3A_31 : i1 to i32
    %cond3A_33 = arith.constant 0 : i32
    %cond3A_34 = arith.cmpi ne, %convert_element_type3A_32, %cond3A_33 : i32
    scf.if %cond3A_34 {
      %get3A_35 = arith.constant 0 : index
      %get3A_36 = arith.constant 0 : index
      %get3A_37 = vector.load %arg5[%get3A_35, %get3A_36] : memref<16x192xf32, #tpu.memory_space<vmem>>, vector<16x192xf32>
      %swap3A_38 = arith.constant 0 : index
      %swap3A_39 = arith.constant 0 : index
      %swap3A_40 = vector.load %arg4[%swap3A_38, %swap3A_39] : memref<16x192xf32, #tpu.memory_space<vmem>>, vector<16x192xf32>
      tpu.vector_store %arg4[%swap3A_38, %swap3A_39], %get3A_37 {strides = array<i32>} : memref<16x192xf32, #tpu.memory_space<vmem>>, vector<16x192xf32>,
    } else {
    }
    return
  }
  func.func @transform_0(%arg0: i32) -> (i32, i32, i32) {
    %c0_i32 = arith.constant 0 : i32
    %c0_i32_0 = arith.constant 0 : i32
    %c0_i32_1 = arith.constant 0 : i32
    return %arg0, %c0_i32, %c0_i32_0 : i32, i32, i32
  }
  func.func @transform_1(%arg0: i32) -> (i32, i32) {
    %c0_i32 = arith.constant 0 : i32
    %c0_i32_0 = arith.constant 0 : i32
    %c0_i32_1 = arith.constant 0 : i32
    return %c0_i32, %c0_i32_0 : i32, i32
  }
  func.func @transform_2(%arg0: i32) -> (i32, i32) {
    %c0_i32 = arith.constant 0 : i32
    %c0_i32_0 = arith.constant 0 : i32
    return %arg0, %c0_i32 : i32, i32
  }
  func.func @transform_3(%arg0: i32) -> (i32, i32) {
    %c0_i32 = arith.constant 0 : i32
    %c0_i32_0 = arith.constant 0 : i32
    %c0_i32_1 = arith.constant 0 : i32
    return %c0_i32, %c0_i32_0 : i32, i32
  }
}

</mosaic_0001>

<sc_bundles>
// kernel: kernel.5.cloned.1.call-start
scs
__scs_entry_jumppad:
0x0: {  	(pc) =	sbr.rel $0x88, $3  }
0x1: {  	(tag) =	ssettag $0x0;
	lr =	simm.s32 $0x1  }
0x2: {  	[smem:$0x3F9C] =	sst lr;
	_ =	strace $0xD0000000  }
0x3: {  	_ = 	snop  }
0x4: {  	_ = 	snop  }
0x5: {  	_ = 	snop  }
0x6: {  	_ = 	snop  }
0x7: {  	_ = 	snop  }
__scs_overlays_trampoline_lowered:
0x8: {  	[smem:$0x3FAB] =	sst s0  }
0x9: {  	[smem:$0x3FAC] =	sst s1  }
0xa: {  	[smem:$0x3FAD] =	sst s2  }
0xb: {  	[smem:$0x3FAE] =	sst s3  }
0xc: {  	[smem:$0x3FAF] =	sst s4  }
0xd: {  	[smem:$0x3FB0] =	sst s5  }
0xe: {  	[smem:$0x3FB1] =	sst s6  }
0xf: {  	[smem:$0x3FB2] =	sst s7  }
0x10: {  	[smem:$0x3FB3] =	sst s8  }
0x11: {  	[smem:$0x3FB4] =	sst s9;
	s0 =	simm.s32 @!p0 $0x0  }
0x12: {  	s1 =	sld [smem:$0x3F9A];
	s0 =	simm.s32 @p0 $0x1  }
0x13: {  	[smem:$0x3FB5] =	sst s0;
	s0 =	simm.s32 @!p1 $0x0  }
0x14: {  	s2 =	sld [smem:$0x3F99];
	s0 =	simm.s32 @p1 $0x1  }
0x15: {  	[smem:$0x3FB6] =	sst s0;
	s0 =	simm.s32 @!p2 $0x0  }
0x16: {  	s3 =	sld [smem:$0x3FDB];
	s0 =	simm.s32 @p2 $0x1  }
0x17: {  	s4 =	simm.s32 $0x1BF5;
	[smem:$0x3FB8] =	sst s0  }
0x18: {  	s0 =	sld [smem:$0x3F9B];
	_ =	swait.ge [sflag:s4], $0x0  }
0x19: {  	s7 =	sld [smem:$0x3F9C]  }
0x1a: {  	s8 =	sadd.s32 $0xFFFFE003, lr  }
0x1b: {  	s9 =	sadd.s32 $0xFFFFFEF7, lr;
	s5 =	simm.s32 $0xFFFFFFFF;
	p2 =	slt.u32 s8, $0xFFFFF086  }
0x1c: {  	p1 =	slt.u32 s9, $0xF7A;
	s5 =	simm.s32 @!p2 $0x0  }
0x1d: {  	s5 =	simm.s32 @p1 $0x1;
	p0 =	seq.s32 s7, s2  }
0x1e: {  	s7 =	smul.u32 @!p0 $0xF7A, s2;
	p2 =	seq.s32 @!p0 s5, $0x0  }
0x1f: {  	s9 =	smul.u32 $0xF7A, s1;
	s8 =	simm.s32 @!p0 $0x1BF5;
	p2 =	por !p2, p0  }
0x20: {  	[sflag:s8] =	ssyncset.s32 @!p0 $0xFFFFF086;
	s6 =	sadd.s32 @!p0 s3, s7;
	s7 =	simm.s32 @!p0 $0x108  }
0x21: {  	s3 =	sadd.s32 s3, s9;
	s6 =	sadd.s32 @!p0 $0x88, s6;
	s7 =	simm.s32 @p2 $0x1082  }
0x22: {  	[simem:s7], [sflag:s8] =	dma.local @!p0 [hbm:s6], $0xF7A  }
0x23: {  	s9 =	sor.u32 $0xD0000000, s2;
	s6 =	simm.s32 $0x108;
	_ =	swait.ge @!p0 [sflag:s8], $0x0  }
0x24: {  	s3 =	sadd.s32 $0x88, s3;
	s6 =	simm.s32 @!p1 $0x1082;
	[sflag:s4] =	ssyncset.s32 $0xFFFFF086  }
0x25: {  	[simem:s6], [sflag:s4] =	dma.local [hbm:s3], $0xF7A  }
0x26: {  	[smem:$0x3F9C] =	sst s1;
	(tag) =	ssettag s2;
	_ =	strace s9  }
0x27: {  	s1 =	sld [smem:$0x3FAC]  }
0x28: {  	s2 =	sld [smem:$0x3FAD]  }
0x29: {  	s4 =	sld [smem:$0x3FAF]  }
0x2a: {  	p0 =	seq.s32 s5, $0x0;
	s5 =	sld [smem:$0x3FB0]  }
0x2b: {  	s6 =	sld [smem:$0x3FB1]  }
0x2c: {  	s7 =	sld [smem:$0x3FB2]  }
0x2d: {  	s3 =	simm.s32 $0x108;
	s8 =	sld [smem:$0x3FB3]  }
0x2e: {  	s3 =	simm.s32 @!p0 $0x1082;
	s9 =	sld [smem:$0x3FB4]  }
0x2f: {  	lr =	sadd.s32 s0, s3;
	s0 =	sld [smem:$0x3FAB]  }
0x30: {  	s3 =	sld [smem:$0x3FAE]  }
0x31: {  	[smem:$0x3FB7] =	sst s10  }
0x32: {  	s10 =	sld [smem:$0x3FB5];
	_ =	sdelay $0x3  }
0x33: {  	p0 =	seq.s32 s10, $0x1;
	s10 =	sld [smem:$0x3FB7];
	_ =	sdelay $0x3  }
0x34: {  	[smem:$0x3FB7] =	sst s10  }
0x35: {  	s10 =	sld [smem:$0x3FB6];
	_ =	sdelay $0x3  }
0x36: {  	p1 =	seq.s32 s10, $0x1;
	s10 =	sld [smem:$0x3FB7];
	_ =	sdelay $0x3  }
0x37: {  	[smem:$0x3FB7] =	sst s10  }
0x38: {  	s10 =	sld [smem:$0x3FB8]  }
0x39: {  	_ = 	snop;
	(pc) =	sbr.ind lr, $3  }
0x3a: {  	_ = 	snop  }
0x3b: {  	_ = 	snop  }
0x3c: {  	p2 =	seq.s32 s10, $0x1;
	s10 =	sld [smem:$0x3FB7]  }
0x3d: {  	_ =	shalt  }
0x3e: {  	_ =	shalt  }
0x3f: {  	_ =	shalt  }
0x40: {  	_ =	shalt  }
0x41: {  	_ =	shalt  }
0x42: {  	_ =	shalt  }
0x43: {  	_ =	shalt  }
0x44: {  	_ =	shalt  }
0x45: {  	_ =	shalt  }
0x46: {  	_ =	shalt  }
0x47: {  	_ =	shalt  }
0x48: {  	_ =	shalt  }
0x49: {  	_ =	shalt  }
0x4a: {  	_ =	shalt  }
0x4b: {  	_ =	shalt  }
0x4c: {  	_ =	shalt  }
0x4d: {  	_ =	shalt  }
0x4e: {  	_ =	shalt  }
0x4f: {  	_ =	shalt  }
0x50: {  	_ =	shalt  }
0x51: {  	_ =	shalt  }
0x52: {  	_ =	shalt  }
0x53: {  	_ =	shalt  }
0x54: {  	_ =	shalt  }
0x55: {  	_ =	shalt  }
0x56: {  	_ =	shalt  }
0x57: {  	_ =	shalt  }
0x58: {  	_ =	shalt  }
0x59: {  	_ =	shalt  }
0x5a: {  	_ =	shalt  }
0x5b: {  	_ =	shalt  }
0x5c: {  	_ =	shalt  }
0x5d: {  	_ =	shalt  }
0x5e: {  	_ =	shalt  }
0x5f: {  	_ =	shalt  }
0x60: {  	_ =	shalt  }
0x61: {  	_ =	shalt  }
0x62: {  	_ =	shalt  }
0x63: {  	_ =	shalt  }
0x64: {  	_ =	shalt  }
0x65: {  	_ =	shalt  }
0x66: {  	_ =	shalt  }
0x67: {  	_ =	shalt  }
0x68: {  	_ =	shalt  }
0x69: {  	_ =	shalt  }
0x6a: {  	_ =	shalt  }
0x6b: {  	_ =	shalt  }
0x6c: {  	_ =	shalt  }
0x6d: {  	_ =	shalt  }
0x6e: {  	_ =	shalt  }
0x6f: {  	_ =	shalt  }
0x70: {  	_ =	shalt  }
0x71: {  	_ =	shalt  }
0x72: {  	_ =	shalt  }
0x73: {  	_ =	shalt  }
0x74: {  	_ =	shalt  }
0x75: {  	_ =	shalt  }
0x76: {  	_ =	shalt  }
0x77: {  	_ =	shalt  }
0x78: {  	_ =	shalt  }
0x79: {  	_ =	shalt  }
0x7a: {  	_ =	shalt  }
0x7b: {  	_ =	shalt  }
0x7c: {  	_ =	shalt  }
0x7d: {  	_ =	shalt  }
0x7e: {  	_ =	shalt  }
0x7f: {  	_ =	shalt  }
0x80: {  	_ =	shalt  }
0x81: {  	_ =	shalt  }
0x82: {  	_ =	shalt  }
0x83: {  	_ =	shalt  }
0x84: {  	_ =	shalt  }
0x85: {  	_ =	shalt  }
0x86: {  	_ =	shalt  }
0x87: {  	_ =	shalt  }
.Lfunc_end0:
.L_simem_size_0:
called_computation_lowered:
.L_overlay_start_0:
0x88: {  	s2 =	sld [smem:$0x3FD9]  }
0x89: {  	s3 =	sld [smem:$0x3FFE];
	_ =	sdelay $0x1  }
0x8a: {  	s1 =	srdreg.scid  }
0x8b: {  	s0 =	sand.u32 $0x1, s1  }
0x8c: {  	s17 =	sshll.u32 s0, $0xA;
	s2 =	sadd.s32 s3, s2  }
0x8d: {  	s2 =	sadd.s32 s2, s17  }
0x8e: {  	[smem:$0x3FC3] =	sst s2  }
0x8f: {  	_ = 	snop  }
0x90: {  	s2 =	sld [smem:$0x3FC8]  }
0x91: {  	s18 =	sld [smem:$0x3FC7];
	(tm) =	ssettm $0x1  }
0x92: {  	s4 =	sld [smem:$0x3FFB];
	_ =	sdelay $0x3  }
0x93: {  	_ =	strace s4  }
0x94: {  	s4 =	sld [smem:$0x3FFC];
	_ =	sdelay $0x3  }
0x95: {  	_ =	strace s4  }
0x96: {  	s4 =	sld [smem:$0x3FFD];
	_ =	sdelay $0x3  }
0x97: {  	_ =	strace s4  }
0x98: {  	_ =	strace $0x8FFFFFFF  }
0x99: {  	s19 =	sld [smem:$0x3FDB];
	_ =	sdelay $0x1  }
0x9a: {  	s5 =	simm.s32 $_scs_section_size  }
0x9b: {  	s6 =	simm.s32 $_size__tile_overlayer_lowered;
	s7 =	simm.s32 $_tile_overlayer_lowered  }
0x9c: {  	s22 =	simm.s32 $0x1BFF;
	s21 =	sshll.u32 s7, $0x1;
	s4 =	sadd.s32 s5, s19  }
0x9d: {  	s8 =	simm.s32 $0x0;
	s20 =	sshll.u32 s6, $0x1;
	s6 =	sadd.s32 s21, s4  }
0x9e: {  	[timem:s8], [sflag:s22] =	dma.local [hbm:s6], s20  }
0x9f: {  	_ =	swait.ge [sflag:s22], s20  }
0xa0: {  	s5 =	ssub.s32 $0x0, s20;
	[sflag:s22] =	ssyncset.done $0x0  }
0xa1: {  	[sflag:s22] =	ssyncadd.s32 s5;
	_ =	sdelay $0x1  }
0xa2: {  	s23 =	simm.s32 $0x1B8B  }
0xa3: {  	_ =	swait.ge [sflag:s23], $0x1  }
0xa4: {  	[sflag:s23] =	ssyncset.done $0x0  }
0xa5: {  	s25 =	simm.s32 $0x1B8E;
	s24 =	sld [smem:$0x3FFE];
	[sflag:s23] =	ssyncadd.s32 $0xFFFFFFFF  }
0xa6: {  	s26 =	simm.s32 $execute0_lowered;
	[smem:$0x3FD2] =	sst s25  }
0xa7: {  	s6 =	sshll.u32 s26, $0x1;
	_ =	strace $0x80000046;
	[dreg:$0x1] =	wrdreg $0xFFFFFFFF  }
0xa8: {  	s28 =	simm.s32 $_size_execute0_lowered;
	s4 =	sadd.s32 s4, s6;
	[dreg:$0x0] =	wrdreg $0x0  }
0xa9: {  	s6 =	sshll.u32 s28, $0x1;
	[dreg:$0x2] =	wrdreg s4  }
0xaa: {  	[dreg:$0x3] =	wrdreg s6  }
0xab: {  	[dreg:$0x4] =	wrdreg $0xC0  }
0xac: {  	_ =	task [dreg:s8], $0x5FFFF  }
0xad: {  	[dreg:$0x1] =	wrdreg $0xFFFFFFFF  }
0xae: {  	[dreg:$0x0] =	wrdreg $0x60  }
0xaf: {  	[dreg:$0x2] =	wrdreg s24  }
0xb0: {  	[dreg:$0x3] =	wrdreg s2  }
0xb1: {  	[dreg:$0x4] =	wrdreg s18  }
0xb2: {  	[dreg:$0x5] =	wrdreg $0x9  }
0xb3: {  	_ =	task.clear_ibuf [dreg:s8], $0x6FFFF;
	_ =	strace $0x90000046  }
0xb4: {  	s29 =	simm.s32 $0x9;
	_ =	strace $0x80000048  }
0xb5: {  	_ =	swait.ge [sflag:s29], $0x1  }
0xb6: {  	[sflag:s29] =	ssyncadd.s32 $0xFFFFFFFF  }
0xb7: {  	_ =	strace $0x90000048  }
0xb8: {  	_ =	sfence  }
0xb9: {  	s30 =	sld [smem:$0x0];
	_ =	sdelay $0x2  }
0xba: {  	s31 =	sshll.u32 s1, $0xD;
	s1 =	sshrl.u32 s1, $0x2  }
0xbb: {  	s3 =	sand.u32 $0x4000, s31;
	s1 =	sadd.s32 s1, s30  }
0xbc: {  	s0 =	sor.u32 s3, s0;
	s1 =	sshll.u32 s1, $0x11  }
0xbd: {  	s0 =	sor.u32 s1, s0  }
0xbe: {  	s0 =	sadd.s32 $0x8F2B, s0  }
0xbf: {  	[sflag:s0] =	ssyncadd.remote.s32 $0x1  }
0xc0: {  	_ =	sfence.sel $0xFFFF  }
0xc1: {  	[dreg:$0x0] =	wrdreg $0xFFFFFFFF;
	(pc) =	sbr.abs _section_cstart, $3  }
0xc2: {  	[dreg:$0x1] =	wrdreg $0xFFFFFFFF  }
0xc3: {  	_ =	task.clear_ibuf [dreg:s8], $0x2FFFF;
	_ =	strace $0x9FFFFFFF  }
0xc4: {  	(tm) =	ssettm $0x7FFFFFFF  }
0xc5: {  	_ =	shalt  }
tec
execute0_lowered:
.L_overlay_start_1:
0x0: {  	(tag) =	ssettag $0x1  }
0x1: {  	s5 =	rddreg [dreg:$0x0]  }
0x2: {  	s6 =	rddreg [dreg:$0x1];
	s1 =	srdreg.scid  }
0x3: {  	s0 =	stileid.u32;
	s2 =	rddreg [dreg:$0x2];
	s3 =	simm.s32 $0x0  }
0x4: {  	s12 =	simm.s32 $0x3480;
	s13 =	simm.s32 $0x1;
	s14 =	simm.s32 $0x2E00  }
0x5: {  	s15 =	simm.s32 $0xD480;
	s7 =	sand.u32 $0x1, s1;
	s4 =	sshll.u32 s0, $0x1  }
0x6: {  	s16 =	simm.s32 $0x0;
	[smem:$0x7FF] =	sst s3;
	s8 =	sor.u32 s7, s4  }
0x7: {  	s1 =	rddreg [dreg:$0x3];
	_ =	strace $0x80000047;
	s9 =	smul.u32 $0x640, s8  }
0x8: {  	v0 =	vlaneseq.u32;
	s4 =	sadd.s32 $0xE00, s5;
	s7 =	ssub.s32 $0x2, s7;
	s8 =	sshll.u32 s8, $0x9  }
0x9: {  	v1 =	vimm.f32 $0.0e+00;
	v2 =	vor.u32 $0x10, v0;
	v3 =	vor.u32 $0x20, v0;
	s31 =	sshrl.u32 s7, $0x1;
	s8 =	sadd.s32 s8, s5;
	s5 =	sadd.s32 $0x41A00, s9  }
0xa: {  	v4 =	vor.u32 $0x30, v0;
	v5 =	vor.u32 $0x40, v0;
	v6 =	vor.u32 $0x50, v0;
	s9 =	ssub.s32 s7, s31;
	s8 =	sadd.s32 $0x9C4E00, s8;
	s10 =	sshrl.u32 s5, $0x3  }
0xb: {  	v7 =	vor.u32 $0x60, v0;
	v8 =	vor.u32 $0x70, v0;
	v9 =	vor.u32 $0x400, v0;
	s11 =	sshll.u32 s5, $0x5;
	s9 =	smax.u32 s9, $0x1;
	s6 =	sadd.s32 s6, s10  }
0xc: {  	v10 =	vor.u32 $0x410, v0;
	v11 =	vor.u32 $0x420, v0;
	v12 =	vor.u32 $0x430, v0;
	s7 =	sadd.s32 s4, s11;
	s10 =	simm.s32 $0x2;
	s11 =	simm.s32 $0x2780  }
.LBB2_1:
0xd: {  	[tilespmem:s3], [sflag:$0x2] =	stream.linear.gather [hbm4b:s2+s3], $0x2780, $0x38;
	[tilespmem:$0xE480] =	vst v63  }
0xe: {  	_ =	swait.ge [sflag:s10], $0x2780  }
0xf: {  	[sflag:s10] =	ssyncset.done $0x0  }
0x10: {  	[sflag:s10] =	ssyncadd.s32 $0xFFFFD880  }
0x11: {  	[tilespmem:s11], [sflag:$0x2] =	stream.linear.gather [hbm4b:s6+s3], $0x640, $0x38;
	[tilespmem:$0xE480] =	vst v63  }
0x12: {  	_ =	swait.ge [sflag:s10], $0x640  }
0x13: {  	[sflag:s10] =	ssyncset.done $0x0  }
0x14: {  	[sflag:s10] =	ssyncadd.s32 $0xFFFFF9C0  }
0x15: {  	[tilespmem:$0xD480] =	vst v1  }
0x16: {  	[tilespmem:$0xD490] =	vst v1  }
0x17: {  	[tilespmem:$0xD4A0] =	vst v1  }
0x18: {  	[tilespmem:$0xD4B0] =	vst v1  }
0x19: {  	[tilespmem:$0xD4C0] =	vst v1  }
0x1a: {  	[tilespmem:$0xD4D0] =	vst v1  }
0x1b: {  	[tilespmem:$0xD4E0] =	vst v1  }
0x1c: {  	[tilespmem:$0xD4F0] =	vst v1  }
0x1d: {  	[tilespmem:$0xD880] =	vst v1  }
0x1e: {  	[tilespmem:$0xD890] =	vst v1  }
0x1f: {  	[tilespmem:$0xD8A0] =	vst v1  }
0x20: {  	[tilespmem:$0xD8B0] =	vst v1  }
0x21: {  	[tilespmem:$0xD500] =	vst v1  }
0x22: {  	[tilespmem:$0xD510] =	vst v1  }
0x23: {  	[tilespmem:$0xD520] =	vst v1  }
0x24: {  	[tilespmem:$0xD530] =	vst v1  }
0x25: {  	[tilespmem:$0xD540] =	vst v1  }
0x26: {  	[tilespmem:$0xD550] =	vst v1  }
0x27: {  	[tilespmem:$0xD560] =	vst v1  }
0x28: {  	[tilespmem:$0xD570] =	vst v1  }
0x29: {  	[tilespmem:$0xD900] =	vst v1  }
0x2a: {  	[tilespmem:$0xD910] =	vst v1  }
0x2b: {  	[tilespmem:$0xD920] =	vst v1  }
0x2c: {  	[tilespmem:$0xD930] =	vst v1  }
0x2d: {  	[tilespmem:$0xD580] =	vst v1  }
0x2e: {  	[tilespmem:$0xD590] =	vst v1  }
0x2f: {  	[tilespmem:$0xD5A0] =	vst v1  }
0x30: {  	[tilespmem:$0xD5B0] =	vst v1  }
0x31: {  	[tilespmem:$0xD5C0] =	vst v1  }
0x32: {  	[tilespmem:$0xD5D0] =	vst v1  }
0x33: {  	[tilespmem:$0xD5E0] =	vst v1  }
0x34: {  	[tilespmem:$0xD5F0] =	vst v1  }
0x35: {  	[tilespmem:$0xD980] =	vst v1  }
0x36: {  	[tilespmem:$0xD990] =	vst v1  }
0x37: {  	[tilespmem:$0xD9A0] =	vst v1  }
0x38: {  	[tilespmem:$0xD9B0] =	vst v1  }
0x39: {  	[tilespmem:$0xD600] =	vst v1  }
0x3a: {  	[tilespmem:$0xD610] =	vst v1  }
0x3b: {  	[tilespmem:$0xD620] =	vst v1  }
0x3c: {  	[tilespmem:$0xD630] =	vst v1  }
0x3d: {  	[tilespmem:$0xD640] =	vst v1  }
0x3e: {  	[tilespmem:$0xD650] =	vst v1  }
0x3f: {  	[tilespmem:$0xD660] =	vst v1  }
0x40: {  	[tilespmem:$0xD670] =	vst v1  }
0x41: {  	[tilespmem:$0xDA00] =	vst v1  }
0x42: {  	[tilespmem:$0xDA10] =	vst v1  }
0x43: {  	[tilespmem:$0xDA20] =	vst v1  }
0x44: {  	[tilespmem:$0xDA30] =	vst v1  }
0x45: {  	[tilespmem:$0xD680] =	vst v1  }
0x46: {  	[tilespmem:$0xD690] =	vst v1  }
0x47: {  	[tilespmem:$0xD6A0] =	vst v1  }
0x48: {  	[tilespmem:$0xD6B0] =	vst v1  }
0x49: {  	[tilespmem:$0xD6C0] =	vst v1  }
0x4a: {  	[tilespmem:$0xD6D0] =	vst v1  }
0x4b: {  	[tilespmem:$0xD6E0] =	vst v1  }
0x4c: {  	[tilespmem:$0xD6F0] =	vst v1  }
0x4d: {  	[tilespmem:$0xDA80] =	vst v1  }
0x4e: {  	[tilespmem:$0xDA90] =	vst v1  }
0x4f: {  	[tilespmem:$0xDAA0] =	vst v1  }
0x50: {  	[tilespmem:$0xDAB0] =	vst v1  }
0x51: {  	[tilespmem:$0xD700] =	vst v1  }
0x52: {  	[tilespmem:$0xD710] =	vst v1  }
0x53: {  	[tilespmem:$0xD720] =	vst v1  }
0x54: {  	[tilespmem:$0xD730] =	vst v1  }
0x55: {  	[tilespmem:$0xD740] =	vst v1  }
0x56: {  	[tilespmem:$0xD750] =	vst v1  }
0x57: {  	[tilespmem:$0xD760] =	vst v1  }
0x58: {  	[tilespmem:$0xD770] =	vst v1  }
0x59: {  	[tilespmem:$0xDB00] =	vst v1  }
0x5a: {  	[tilespmem:$0xDB10] =	vst v1  }
0x5b: {  	[tilespmem:$0xDB20] =	vst v1  }
0x5c: {  	[tilespmem:$0xDB30] =	vst v1  }
0x5d: {  	[tilespmem:$0xD780] =	vst v1  }
0x5e: {  	[tilespmem:$0xD790] =	vst v1  }
0x5f: {  	[tilespmem:$0xD7A0] =	vst v1  }
0x60: {  	[tilespmem:$0xD7B0] =	vst v1  }
0x61: {  	[tilespmem:$0xD7C0] =	vst v1  }
0x62: {  	[tilespmem:$0xD7D0] =	vst v1  }
0x63: {  	[tilespmem:$0xD7E0] =	vst v1  }
0x64: {  	[tilespmem:$0xD7F0] =	vst v1  }
0x65: {  	[tilespmem:$0xDB80] =	vst v1  }
0x66: {  	[tilespmem:$0xDB90] =	vst v1  }
0x67: {  	[tilespmem:$0xDBA0] =	vst v1  }
0x68: {  	[tilespmem:$0xDBB0] =	vst v1  }
0x69: {  	[tilespmem:$0xD800] =	vst v1  }
0x6a: {  	[tilespmem:$0xD810] =	vst v1  }
0x6b: {  	[tilespmem:$0xD820] =	vst v1  }
0x6c: {  	[tilespmem:$0xD830] =	vst v1  }
0x6d: {  	[tilespmem:$0xD840] =	vst v1  }
0x6e: {  	[tilespmem:$0xD850] =	vst v1  }
0x6f: {  	[tilespmem:$0xD860] =	vst v1  }
0x70: {  	[tilespmem:$0xD870] =	vst v1  }
0x71: {  	[tilespmem:$0xDC00] =	vst v1  }
0x72: {  	[tilespmem:$0xDC10] =	vst v1  }
0x73: {  	[tilespmem:$0xDC20] =	vst v1  }
0x74: {  	[tilespmem:$0xDC30] =	vst v1  }
0x75: {  	[tilespmem:$0xDC80] =	vst v1  }
0x76: {  	[tilespmem:$0xDC90] =	vst v1  }
0x77: {  	[tilespmem:$0xDCA0] =	vst v1  }
0x78: {  	[tilespmem:$0xDCB0] =	vst v1  }
0x79: {  	[tilespmem:$0xDCC0] =	vst v1  }
0x7a: {  	[tilespmem:$0xDCD0] =	vst v1  }
0x7b: {  	[tilespmem:$0xDCE0] =	vst v1  }
0x7c: {  	[tilespmem:$0xDCF0] =	vst v1  }
0x7d: {  	[tilespmem:$0xE080] =	vst v1  }
0x7e: {  	[tilespmem:$0xE090] =	vst v1  }
0x7f: {  	[tilespmem:$0xE0A0] =	vst v1  }
0x80: {  	[tilespmem:$0xE0B0] =	vst v1  }
0x81: {  	[tilespmem:$0xDD00] =	vst v1  }
0x82: {  	[tilespmem:$0xDD10] =	vst v1  }
0x83: {  	[tilespmem:$0xDD20] =	vst v1  }
0x84: {  	[tilespmem:$0xDD30] =	vst v1  }
0x85: {  	[tilespmem:$0xDD40] =	vst v1  }
0x86: {  	[tilespmem:$0xDD50] =	vst v1  }
0x87: {  	[tilespmem:$0xDD60] =	vst v1  }
0x88: {  	[tilespmem:$0xDD70] =	vst v1  }
0x89: {  	[tilespmem:$0xE100] =	vst v1  }
0x8a: {  	[tilespmem:$0xE110] =	vst v1  }
0x8b: {  	[tilespmem:$0xE120] =	vst v1  }
0x8c: {  	[tilespmem:$0xE130] =	vst v1  }
0x8d: {  	[tilespmem:$0xDD80] =	vst v1  }
0x8e: {  	[tilespmem:$0xDD90] =	vst v1  }
0x8f: {  	[tilespmem:$0xDDA0] =	vst v1  }
0x90: {  	[tilespmem:$0xDDB0] =	vst v1  }
0x91: {  	[tilespmem:$0xDDC0] =	vst v1  }
0x92: {  	[tilespmem:$0xDDD0] =	vst v1  }
0x93: {  	[tilespmem:$0xDDE0] =	vst v1  }
0x94: {  	[tilespmem:$0xDDF0] =	vst v1  }
0x95: {  	[tilespmem:$0xE180] =	vst v1  }
0x96: {  	[tilespmem:$0xE190] =	vst v1  }
0x97: {  	[tilespmem:$0xE1A0] =	vst v1  }
0x98: {  	[tilespmem:$0xE1B0] =	vst v1  }
0x99: {  	[tilespmem:$0xDE00] =	vst v1  }
0x9a: {  	[tilespmem:$0xDE10] =	vst v1  }
0x9b: {  	[tilespmem:$0xDE20] =	vst v1  }
0x9c: {  	[tilespmem:$0xDE30] =	vst v1  }
0x9d: {  	[tilespmem:$0xDE40] =	vst v1  }
0x9e: {  	[tilespmem:$0xDE50] =	vst v1  }
0x9f: {  	[tilespmem:$0xDE60] =	vst v1  }
0xa0: {  	[tilespmem:$0xDE70] =	vst v1  }
0xa1: {  	[tilespmem:$0xE200] =	vst v1  }
0xa2: {  	[tilespmem:$0xE210] =	vst v1  }
0xa3: {  	[tilespmem:$0xE220] =	vst v1  }
0xa4: {  	[tilespmem:$0xE230] =	vst v1  }
0xa5: {  	[tilespmem:$0xDE80] =	vst v1  }
0xa6: {  	[tilespmem:$0xDE90] =	vst v1  }
0xa7: {  	[tilespmem:$0xDEA0] =	vst v1  }
0xa8: {  	[tilespmem:$0xDEB0] =	vst v1  }
0xa9: {  	[tilespmem:$0xDEC0] =	vst v1  }
0xaa: {  	[tilespmem:$0xDED0] =	vst v1  }
0xab: {  	[tilespmem:$0xDEE0] =	vst v1  }
0xac: {  	[tilespmem:$0xDEF0] =	vst v1  }
0xad: {  	[tilespmem:$0xE280] =	vst v1  }
0xae: {  	[tilespmem:$0xE290] =	vst v1  }
0xaf: {  	[tilespmem:$0xE2A0] =	vst v1  }
0xb0: {  	[tilespmem:$0xE2B0] =	vst v1  }
0xb1: {  	[tilespmem:$0xDF00] =	vst v1  }
0xb2: {  	[tilespmem:$0xDF10] =	vst v1  }
0xb3: {  	[tilespmem:$0xDF20] =	vst v1  }
0xb4: {  	[tilespmem:$0xDF30] =	vst v1  }
0xb5: {  	[tilespmem:$0xDF40] =	vst v1  }
0xb6: {  	[tilespmem:$0xDF50] =	vst v1  }
0xb7: {  	[tilespmem:$0xDF60] =	vst v1  }
0xb8: {  	[tilespmem:$0xDF70] =	vst v1  }
0xb9: {  	[tilespmem:$0xE300] =	vst v1  }
0xba: {  	[tilespmem:$0xE310] =	vst v1  }
0xbb: {  	[tilespmem:$0xE320] =	vst v1  }
0xbc: {  	[tilespmem:$0xE330] =	vst v1  }
0xbd: {  	[tilespmem:$0xDF80] =	vst v1  }
0xbe: {  	[tilespmem:$0xDF90] =	vst v1  }
0xbf: {  	[tilespmem:$0xDFA0] =	vst v1  }
0xc0: {  	[tilespmem:$0xDFB0] =	vst v1  }
0xc1: {  	[tilespmem:$0xDFC0] =	vst v1  }
0xc2: {  	[tilespmem:$0xDFD0] =	vst v1  }
0xc3: {  	[tilespmem:$0xDFE0] =	vst v1  }
0xc4: {  	[tilespmem:$0xDFF0] =	vst v1  }
0xc5: {  	[tilespmem:$0xE380] =	vst v1  }
0xc6: {  	[tilespmem:$0xE390] =	vst v1  }
0xc7: {  	[tilespmem:$0xE3A0] =	vst v1  }
0xc8: {  	[tilespmem:$0xE3B0] =	vst v1  }
0xc9: {  	[tilespmem:$0xE000] =	vst v1  }
0xca: {  	[tilespmem:$0xE010] =	vst v1  }
0xcb: {  	[tilespmem:$0xE020] =	vst v1  }
0xcc: {  	[tilespmem:$0xE030] =	vst v1  }
0xcd: {  	[tilespmem:$0xE040] =	vst v1  }
0xce: {  	[tilespmem:$0xE050] =	vst v1  }
0xcf: {  	[tilespmem:$0xE060] =	vst v1  }
0xd0: {  	[tilespmem:$0xE070] =	vst v1  }
0xd1: {  	[tilespmem:$0xE400] =	vst v1  }
0xd2: {  	[tilespmem:$0xE410] =	vst v1  }
0xd3: {  	[tilespmem:$0xE420] =	vst v1  }
0xd4: {  	s17 =	simm.s32 $0x0;
	[tilespmem:$0xE430] =	vst v1  }
0xd5: {  	v13 =	vld [tilespmem:s17+$0x2780];
	_ =	sdelay $0x7  }
0xd6: {  	s18 =	simm.s32 $0x10;
	s19 =	simm.s32 $0x80;
	v13 =	vld.idx.msk [tilespmem:v13+s3+$0x0], $0xffff  }
.LBB2_2:
0xd7: {  	p0 =	sne.s32 s19, $0x18C0;
	v14 =	vld [tilespmem:s18+$0x2780];
	_ =	sdelay $0x3  }
.Ltmp0:
0xd8: {  	(pc) =	sbr.rel @p0 .LBB2_2-.Ltmp0, $2  }
0xd9: {  	[tilespmem:s17+$0x2E00] =	vst v13;
	s17 =	smov.u32 s18;
	_ =	sdelay $0x2  }
0xda: {  	s18 =	sshra.s32 s19, $0x2;
	s19 =	sadd.s32 $0x40, s19;
	v13 =	vld.idx.msk [tilespmem:v14+s3+$0x0], $0xffff  }
0xdb: {  	v14 =	vld [tilespmem:s18+$0x2780];
	_ =	sdelay $0x6  }
0xdc: {  	[tilespmem:s17+$0x2E00] =	vst v13  }
0xdd: {  	v13 =	vld.idx.msk [tilespmem:v14+s3+$0x0], $0xffff;
	_ =	sdelay $0x4  }
0xde: {  	p0 =	por $0x0, $0x0;
	s17 =	simm.s32 $0x0;
	[tilespmem:s18+$0x2E00] =	vst v13;
	s18 =	simm.s32 $0x0  }
0xdf: {  	[tilespmem:s12], [sflag:$0x1] =	stream.linear.gather [hbm4b:s7+s17], $0x5000, $0x38;
	[tilespmem:$0xE480] =	vst v63  }
.LBB2_5:
0xe0: {  	s19 =	smov.u32 s17  }
0xe1: {  	s20 =	sand.u32 $0x1, s17;
	s17 =	sadd.s32 $0x1, s17;
	p1 =	seq.s32 s19, $0x13  }
0xe2: {  	s19 =	sxor.u32 @!p1 $0x1, s20;
	s20 =	smul.u32 @!p1 $0x50, s17  }
0xe3: {  	s21 =	simm.s32 $0x1;
	s19 =	smul.u32 @!p1 $0x14000, s19  }
0xe4: {  	s21 =	simm.s32 @!p0 $0x0;
	s20 =	sadd.s32 @!p1 s5, s20  }
0xe5: {  	s21 =	smul.u32 $0x14000, s21;
	s19 =	sshrl.u32 @!p1 s19, $0x2;
	s20 =	sshll.u32 @!p1 s20, $0x5  }
0xe6: {  	s22 =	simm.s32 @!p1 $0x0;
	s19 =	sadd.s32 @!p1 $0x3480, s19;
	s20 =	sadd.s32 @!p1 s4, s20  }
0xe7: {  	[tilespmem:s19], [sflag:$0x1] =	stream.linear.gather @!p1 [hbm4b:s20+s22], $0x5000, $0x38;
	[tilespmem:$0xE480] =	vst v63  }
0xe8: {  	_ =	swait.ge [sflag:s13], $0x5000  }
0xe9: {  	s31 =	sshrl.u32 s21, $0x2;
	[sflag:s13] =	ssyncset.done $0x0  }
0xea: {  	s19 =	sadd.s32 $0x3860, s31;
	s20 =	simm.s32 $0xFFFFFFF8;
	[sflag:s13] =	ssyncadd.s32 $0xFFFFB000  }
.LBB2_6:
0xeb: {  	s21 =	sadd.s32 s20, s18  }
0xec: {  	s22 =	sadd.s32 $0x8, s21  }
0xed: {  	v13 =	vmov s22  }
0xee: {  	v13 =	vand.u32 $0xFFFFFFF8, v13  }
0xef: {  	v13 =	vbroadcast v13, $0x0;
	_ =	sdelay $0x5  }
0xf0: {  	v13 =	vld.idx.msk [tilespmem:v13+s14+$0x0], $0xffff;
	_ =	sdelay $0x4  }
0xf1: {  	v14 =	vshll.u32 v13, $0x8;
	v13 =	vshll.u32 v13, $0x7  }
0xf2: {  	v14 =	vand.u32 $0xFFFFF800, v14;
	v13 =	vand.u32 $0x380, v13  }
0xf3: {  	v13 =	vor.u32 v13, v14  }
0xf4: {  	v14 =	vld [tilespmem:s19+$0xFFFFFC20];
	v15 =	vor.u32 v0, v13;
	_ =	sdelay $0x4  }
0xf5: {  	[tilespmem:v15+s15+$0x0] =	vst.idx.add.f32.msk $0xffff, v14  }
0xf6: {  	v15 =	vor.u32 v2, v13;
	v14 =	vld [tilespmem:s19+$0xFFFFFC30];
	_ =	sdelay $0x4  }
0xf7: {  	[tilespmem:v15+s15+$0x0] =	vst.idx.add.f32.msk $0xffff, v14  }
0xf8: {  	v15 =	vor.u32 v3, v13;
	v14 =	vld [tilespmem:s19+$0xFFFFFC40];
	_ =	sdelay $0x4  }
0xf9: {  	[tilespmem:v15+s15+$0x0] =	vst.idx.add.f32.msk $0xffff, v14  }
0xfa: {  	v15 =	vor.u32 v4, v13;
	v14 =	vld [tilespmem:s19+$0xFFFFFC50];
	_ =	sdelay $0x4  }
0xfb: {  	[tilespmem:v15+s15+$0x0] =	vst.idx.add.f32.msk $0xffff, v14  }
0xfc: {  	v15 =	vor.u32 v5, v13;
	v14 =	vld [tilespmem:s19+$0xFFFFFC60];
	_ =	sdelay $0x4  }
0xfd: {  	[tilespmem:v15+s15+$0x0] =	vst.idx.add.f32.msk $0xffff, v14  }
0xfe: {  	v15 =	vor.u32 v6, v13;
	v14 =	vld [tilespmem:s19+$0xFFFFFC70];
	_ =	sdelay $0x4  }
0xff: {  	[tilespmem:v15+s15+$0x0] =	vst.idx.add.f32.msk $0xffff, v14  }
0x100: {  	v15 =	vor.u32 v7, v13;
	v14 =	vld [tilespmem:s19+$0xFFFFFC80];
	_ =	sdelay $0x4  }
0x101: {  	[tilespmem:v15+s15+$0x0] =	vst.idx.add.f32.msk $0xffff, v14  }
0x102: {  	v15 =	vor.u32 v8, v13;
	v14 =	vld [tilespmem:s19+$0xFFFFFC90];
	_ =	sdelay $0x4  }
0x103: {  	[tilespmem:v15+s15+$0x0] =	vst.idx.add.f32.msk $0xffff, v14  }
0x104: {  	v15 =	vor.u32 v9, v13;
	v14 =	vld [tilespmem:s19+$0x20];
	_ =	sdelay $0x4  }
0x105: {  	[tilespmem:v15+s15+$0x0] =	vst.idx.add.f32.msk $0xffff, v14  }
0x106: {  	v15 =	vor.u32 v10, v13;
	v14 =	vld [tilespmem:s19+$0x30];
	_ =	sdelay $0x4  }
0x107: {  	[tilespmem:v15+s15+$0x0] =	vst.idx.add.f32.msk $0xffff, v14  }
0x108: {  	v15 =	vor.u32 v11, v13;
	v14 =	vld [tilespmem:s19+$0x40];
	_ =	sdelay $0x2  }
0x109: {  	s25 =	sadd.s32 $0x9, s21  }
0x10a: {  	v16 =	vmov s25  }
0x10b: {  	[tilespmem:v15+s15+$0x0] =	vst.idx.add.f32.msk $0xffff, v14;
	v14 =	vand.u32 $0xFFFFFFF9, v16  }
0x10c: {  	v13 =	vor.u32 v12, v13;
	v15 =	vld [tilespmem:s19+$0x50];
	v14 =	vbroadcast v14, $0x0;
	_ =	sdelay $0x4  }
0x10d: {  	[tilespmem:v13+s15+$0x0] =	vst.idx.add.f32.msk $0xffff, v15  }
0x10e: {  	v13 =	vld.idx.msk [tilespmem:v14+s14+$0x0], $0xffff;
	_ =	sdelay $0x4  }
0x10f: {  	v14 =	vshll.u32 v13, $0x8;
	v13 =	vshll.u32 v13, $0x7  }
0x110: {  	v14 =	vand.u32 $0xFFFFF800, v14;
	v13 =	vand.u32 $0x380, v13  }
0x111: {  	v13 =	vor.u32 v13, v14  }
0x112: {  	v14 =	vld [tilespmem:s19+$0xFFFFFCA0];
	v15 =	vor.u32 v0, v13;
	_ =	sdelay $0x4  }
0x113: {  	[tilespmem:v15+s15+$0x0] =	vst.idx.add.f32.msk $0xffff, v14  }
0x114: {  	v15 =	vor.u32 v2, v13;
	v14 =	vld [tilespmem:s19+$0xFFFFFCB0];
	_ =	sdelay $0x4  }
0x115: {  	[tilespmem:v15+s15+$0x0] =	vst.idx.add.f32.msk $0xffff, v14  }
0x116: {  	v15 =	vor.u32 v3, v13;
	v14 =	vld [tilespmem:s19+$0xFFFFFCC0];
	_ =	sdelay $0x4  }
0x117: {  	[tilespmem:v15+s15+$0x0] =	vst.idx.add.f32.msk $0xffff, v14  }
0x118: {  	v15 =	vor.u32 v4, v13;
	v14 =	vld [tilespmem:s19+$0xFFFFFCD0];
	_ =	sdelay $0x4  }
0x119: {  	[tilespmem:v15+s15+$0x0] =	vst.idx.add.f32.msk $0xffff, v14  }
0x11a: {  	v15 =	vor.u32 v5, v13;
	v14 =	vld [tilespmem:s19+$0xFFFFFCE0];
	_ =	sdelay $0x4  }
0x11b: {  	[tilespmem:v15+s15+$0x0] =	vst.idx.add.f32.msk $0xffff, v14  }
0x11c: {  	v15 =	vor.u32 v6, v13;
	v14 =	vld [tilespmem:s19+$0xFFFFFCF0];
	_ =	sdelay $0x4  }
0x11d: {  	[tilespmem:v15+s15+$0x0] =	vst.idx.add.f32.msk $0xffff, v14  }
0x11e: {  	v15 =	vor.u32 v7, v13;
	v14 =	vld [tilespmem:s19+$0xFFFFFD00];
	_ =	sdelay $0x4  }
0x11f: {  	[tilespmem:v15+s15+$0x0] =	vst.idx.add.f32.msk $0xffff, v14  }
0x120: {  	v15 =	vor.u32 v8, v13;
	v14 =	vld [tilespmem:s19+$0xFFFFFD10];
	_ =	sdelay $0x4  }
0x121: {  	[tilespmem:v15+s15+$0x0] =	vst.idx.add.f32.msk $0xffff, v14  }
0x122: {  	v15 =	vor.u32 v9, v13;
	v14 =	vld [tilespmem:s19+$0xA0];
	_ =	sdelay $0x4  }
0x123: {  	[tilespmem:v15+s15+$0x0] =	vst.idx.add.f32.msk $0xffff, v14  }
0x124: {  	v15 =	vor.u32 v10, v13;
	v14 =	vld [tilespmem:s19+$0xB0];
	_ =	sdelay $0x4  }
0x125: {  	[tilespmem:v15+s15+$0x0] =	vst.idx.add.f32.msk $0xffff, v14  }
0x126: {  	v15 =	vor.u32 v11, v13;
	v14 =	vld [tilespmem:s19+$0xC0];
	_ =	sdelay $0x2  }
0x127: {  	s26 =	sadd.s32 $0xA, s21  }
0x128: {  	v59 =	vmov s26  }
0x129: {  	[tilespmem:v15+s15+$0x0] =	vst.idx.add.f32.msk $0xffff, v14;
	v14 =	vand.u32 $0xFFFFFFFA, v59  }
0x12a: {  	v13 =	vor.u32 v12, v13;
	v15 =	vld [tilespmem:s19+$0xD0];
	v14 =	vbroadcast v14, $0x0;
	_ =	sdelay $0x4  }
0x12b: {  	[tilespmem:v13+s15+$0x0] =	vst.idx.add.f32.msk $0xffff, v15  }
0x12c: {  	v13 =	vld.idx.msk [tilespmem:v14+s14+$0x0], $0xffff;
	_ =	sdelay $0x4  }
0x12d: {  	v14 =	vshll.u32 v13, $0x8;
	v13 =	vshll.u32 v13, $0x7  }
0x12e: {  	v14 =	vand.u32 $0xFFFFF800, v14;
	v13 =	vand.u32 $0x380, v13  }
0x12f: {  	v13 =	vor.u32 v13, v14  }
0x130: {  	v14 =	vld [tilespmem:s19+$0xFFFFFD20];
	v15 =	vor.u32 v0, v13;
	_ =	sdelay $0x4  }
0x131: {  	[tilespmem:v15+s15+$0x0] =	vst.idx.add.f32.msk $0xffff, v14  }
0x132: {  	v15 =	vor.u32 v2, v13;
	v14 =	vld [tilespmem:s19+$0xFFFFFD30];
	_ =	sdelay $0x4  }
0x133: {  	[tilespmem:v15+s15+$0x0] =	vst.idx.add.f32.msk $0xffff, v14  }
0x134: {  	v15 =	vor.u32 v3, v13;
	v14 =	vld [tilespmem:s19+$0xFFFFFD40];
	_ =	sdelay $0x4  }
0x135: {  	[tilespmem:v15+s15+$0x0] =	vst.idx.add.f32.msk $0xffff, v14  }
0x136: {  	v15 =	vor.u32 v4, v13;
	v14 =	vld [tilespmem:s19+$0xFFFFFD50];
	_ =	sdelay $0x4  }
0x137: {  	[tilespmem:v15+s15+$0x0] =	vst.idx.add.f32.msk $0xffff, v14  }
0x138: {  	v15 =	vor.u32 v5, v13;
	v14 =	vld [tilespmem:s19+$0xFFFFFD60];
	_ =	sdelay $0x4  }
0x139: {  	[tilespmem:v15+s15+$0x0] =	vst.idx.add.f32.msk $0xffff, v14  }
0x13a: {  	v15 =	vor.u32 v6, v13;
	v14 =	vld [tilespmem:s19+$0xFFFFFD70];
	_ =	sdelay $0x4  }
0x13b: {  	[tilespmem:v15+s15+$0x0] =	vst.idx.add.f32.msk $0xffff, v14  }
0x13c: {  	v15 =	vor.u32 v7, v13;
	v14 =	vld [tilespmem:s19+$0xFFFFFD80];
	_ =	sdelay $0x4  }
0x13d: {  	[tilespmem:v15+s15+$0x0] =	vst.idx.add.f32.msk $0xffff, v14  }
0x13e: {  	v15 =	vor.u32 v8, v13;
	v14 =	vld [tilespmem:s19+$0xFFFFFD90];
	_ =	sdelay $0x4  }
0x13f: {  	[tilespmem:v15+s15+$0x0] =	vst.idx.add.f32.msk $0xffff, v14  }
0x140: {  	v15 =	vor.u32 v9, v13;
	v14 =	vld [tilespmem:s19+$0x120];
	_ =	sdelay $0x4  }
0x141: {  	[tilespmem:v15+s15+$0x0] =	vst.idx.add.f32.msk $0xffff, v14  }
0x142: {  	v15 =	vor.u32 v10, v13;
	v14 =	vld [tilespmem:s19+$0x130];
	_ =	sdelay $0x4  }
0x143: {  	[tilespmem:v15+s15+$0x0] =	vst.idx.add.f32.msk $0xffff, v14  }
0x144: {  	v15 =	vor.u32 v11, v13;
	v14 =	vld [tilespmem:s19+$0x140];
	_ =	sdelay $0x2  }
0x145: {  	s28 =	sadd.s32 $0xB, s21  }
0x146: {  	v60 =	vmov s28  }
0x147: {  	[tilespmem:v15+s15+$0x0] =	vst.idx.add.f32.msk $0xffff, v14;
	v14 =	vand.u32 $0xFFFFFFFB, v60  }
0x148: {  	v13 =	vor.u32 v12, v13;
	v15 =	vld [tilespmem:s19+$0x150];
	v14 =	vbroadcast v14, $0x0;
	_ =	sdelay $0x4  }
0x149: {  	[tilespmem:v13+s15+$0x0] =	vst.idx.add.f32.msk $0xffff, v15  }
0x14a: {  	v13 =	vld.idx.msk [tilespmem:v14+s14+$0x0], $0xffff;
	_ =	sdelay $0x4  }
0x14b: {  	v14 =	vshll.u32 v13, $0x8;
	v13 =	vshll.u32 v13, $0x7  }
0x14c: {  	v14 =	vand.u32 $0xFFFFF800, v14;
	v13 =	vand.u32 $0x380, v13  }
0x14d: {  	v13 =	vor.u32 v13, v14  }
0x14e: {  	v14 =	vld [tilespmem:s19+$0xFFFFFDA0];
	v15 =	vor.u32 v0, v13;
	_ =	sdelay $0x4  }
0x14f: {  	[tilespmem:v15+s15+$0x0] =	vst.idx.add.f32.msk $0xffff, v14  }
0x150: {  	v15 =	vor.u32 v2, v13;
	v14 =	vld [tilespmem:s19+$0xFFFFFDB0];
	_ =	sdelay $0x4  }
0x151: {  	[tilespmem:v15+s15+$0x0] =	vst.idx.add.f32.msk $0xffff, v14  }
0x152: {  	v15 =	vor.u32 v3, v13;
	v14 =	vld [tilespmem:s19+$0xFFFFFDC0];
	_ =	sdelay $0x4  }
0x153: {  	[tilespmem:v15+s15+$0x0] =	vst.idx.add.f32.msk $0xffff, v14  }
0x154: {  	v15 =	vor.u32 v4, v13;
	v14 =	vld [tilespmem:s19+$0xFFFFFDD0];
	_ =	sdelay $0x4  }
0x155: {  	[tilespmem:v15+s15+$0x0] =	vst.idx.add.f32.msk $0xffff, v14  }
0x156: {  	v15 =	vor.u32 v5, v13;
	v14 =	vld [tilespmem:s19+$0xFFFFFDE0];
	_ =	sdelay $0x4  }
0x157: {  	[tilespmem:v15+s15+$0x0] =	vst.idx.add.f32.msk $0xffff, v14  }
0x158: {  	v15 =	vor.u32 v6, v13;
	v14 =	vld [tilespmem:s19+$0xFFFFFDF0];
	_ =	sdelay $0x4  }
0x159: {  	[tilespmem:v15+s15+$0x0] =	vst.idx.add.f32.msk $0xffff, v14  }
0x15a: {  	v15 =	vor.u32 v7, v13;
	v14 =	vld [tilespmem:s19+$0xFFFFFE00];
	_ =	sdelay $0x4  }
0x15b: {  	[tilespmem:v15+s15+$0x0] =	vst.idx.add.f32.msk $0xffff, v14  }
0x15c: {  	v15 =	vor.u32 v8, v13;
	v14 =	vld [tilespmem:s19+$0xFFFFFE10];
	_ =	sdelay $0x4  }
0x15d: {  	[tilespmem:v15+s15+$0x0] =	vst.idx.add.f32.msk $0xffff, v14  }
0x15e: {  	v15 =	vor.u32 v9, v13;
	v14 =	vld [tilespmem:s19+$0x1A0];
	_ =	sdelay $0x4  }
0x15f: {  	[tilespmem:v15+s15+$0x0] =	vst.idx.add.f32.msk $0xffff, v14  }
0x160: {  	v15 =	vor.u32 v10, v13;
	v14 =	vld [tilespmem:s19+$0x1B0];
	_ =	sdelay $0x4  }
0x161: {  	[tilespmem:v15+s15+$0x0] =	vst.idx.add.f32.msk $0xffff, v14  }
0x162: {  	v15 =	vor.u32 v11, v13;
	v14 =	vld [tilespmem:s19+$0x1C0];
	_ =	sdelay $0x2  }
0x163: {  	s29 =	sadd.s32 $0xC, s21  }
0x164: {  	v61 =	vmov s29  }
0x165: {  	[tilespmem:v15+s15+$0x0] =	vst.idx.add.f32.msk $0xffff, v14;
	v14 =	vand.u32 $0xFFFFFFFC, v61  }
0x166: {  	v13 =	vor.u32 v12, v13;
	v15 =	vld [tilespmem:s19+$0x1D0];
	v14 =	vbroadcast v14, $0x0;
	_ =	sdelay $0x4  }
0x167: {  	[tilespmem:v13+s15+$0x0] =	vst.idx.add.f32.msk $0xffff, v15  }
0x168: {  	v13 =	vld.idx.msk [tilespmem:v14+s14+$0x0], $0xffff;
	_ =	sdelay $0x4  }
0x169: {  	v14 =	vshll.u32 v13, $0x8;
	v13 =	vshll.u32 v13, $0x7  }
0x16a: {  	v14 =	vand.u32 $0xFFFFF800, v14;
	v13 =	vand.u32 $0x380, v13  }
0x16b: {  	v13 =	vor.u32 v13, v14  }
0x16c: {  	v14 =	vld [tilespmem:s19+$0xFFFFFE20];
	v15 =	vor.u32 v0, v13;
	_ =	sdelay $0x4  }
0x16d: {  	[tilespmem:v15+s15+$0x0] =	vst.idx.add.f32.msk $0xffff, v14  }
0x16e: {  	v15 =	vor.u32 v2, v13;
	v14 =	vld [tilespmem:s19+$0xFFFFFE30];
	_ =	sdelay $0x4  }
0x16f: {  	[tilespmem:v15+s15+$0x0] =	vst.idx.add.f32.msk $0xffff, v14  }
0x170: {  	v15 =	vor.u32 v3, v13;
	v14 =	vld [tilespmem:s19+$0xFFFFFE40];
	_ =	sdelay $0x4  }
0x171: {  	[tilespmem:v15+s15+$0x0] =	vst.idx.add.f32.msk $0xffff, v14  }
0x172: {  	v15 =	vor.u32 v4, v13;
	v14 =	vld [tilespmem:s19+$0xFFFFFE50];
	_ =	sdelay $0x4  }
0x173: {  	[tilespmem:v15+s15+$0x0] =	vst.idx.add.f32.msk $0xffff, v14  }
0x174: {  	v15 =	vor.u32 v5, v13;
	v14 =	vld [tilespmem:s19+$0xFFFFFE60];
	_ =	sdelay $0x4  }
0x175: {  	[tilespmem:v15+s15+$0x0] =	vst.idx.add.f32.msk $0xffff, v14  }
0x176: {  	v15 =	vor.u32 v6, v13;
	v14 =	vld [tilespmem:s19+$0xFFFFFE70];
	_ =	sdelay $0x4  }
0x177: {  	[tilespmem:v15+s15+$0x0] =	vst.idx.add.f32.msk $0xffff, v14  }
0x178: {  	v15 =	vor.u32 v7, v13;
	v14 =	vld [tilespmem:s19+$0xFFFFFE80];
	_ =	sdelay $0x4  }
0x179: {  	[tilespmem:v15+s15+$0x0] =	vst.idx.add.f32.msk $0xffff, v14  }
0x17a: {  	v15 =	vor.u32 v8, v13;
	v14 =	vld [tilespmem:s19+$0xFFFFFE90];
	_ =	sdelay $0x4  }
0x17b: {  	[tilespmem:v15+s15+$0x0] =	vst.idx.add.f32.msk $0xffff, v14  }
0x17c: {  	v15 =	vor.u32 v9, v13;
	v14 =	vld [tilespmem:s19+$0x220];
	_ =	sdelay $0x4  }
0x17d: {  	[tilespmem:v15+s15+$0x0] =	vst.idx.add.f32.msk $0xffff, v14  }
0x17e: {  	v15 =	vor.u32 v10, v13;
	v14 =	vld [tilespmem:s19+$0x230];
	_ =	sdelay $0x4  }
0x17f: {  	[tilespmem:v15+s15+$0x0] =	vst.idx.add.f32.msk $0xffff, v14  }
0x180: {  	v15 =	vor.u32 v11, v13;
	v14 =	vld [tilespmem:s19+$0x240];
	_ =	sdelay $0x2  }
0x181: {  	s30 =	sadd.s32 $0xD, s21  }
0x182: {  	v62 =	vmov s30  }
0x183: {  	[tilespmem:v15+s15+$0x0] =	vst.idx.add.f32.msk $0xffff, v14;
	v14 =	vand.u32 $0xFFFFFFFD, v62  }
0x184: {  	v13 =	vor.u32 v12, v13;
	v15 =	vld [tilespmem:s19+$0x250];
	v14 =	vbroadcast v14, $0x0;
	_ =	sdelay $0x4  }
0x185: {  	[tilespmem:v13+s15+$0x0] =	vst.idx.add.f32.msk $0xffff, v15  }
0x186: {  	v13 =	vld.idx.msk [tilespmem:v14+s14+$0x0], $0xffff;
	_ =	sdelay $0x4  }
0x187: {  	v14 =	vshll.u32 v13, $0x8;
	v13 =	vshll.u32 v13, $0x7  }
0x188: {  	v14 =	vand.u32 $0xFFFFF800, v14;
	v13 =	vand.u32 $0x380, v13  }
0x189: {  	v13 =	vor.u32 v13, v14  }
0x18a: {  	v14 =	vld [tilespmem:s19+$0xFFFFFEA0];
	v15 =	vor.u32 v0, v13;
	_ =	sdelay $0x4  }
0x18b: {  	[tilespmem:v15+s15+$0x0] =	vst.idx.add.f32.msk $0xffff, v14  }
0x18c: {  	v15 =	vor.u32 v2, v13;
	v14 =	vld [tilespmem:s19+$0xFFFFFEB0];
	_ =	sdelay $0x4  }
0x18d: {  	[tilespmem:v15+s15+$0x0] =	vst.idx.add.f32.msk $0xffff, v14  }
0x18e: {  	v15 =	vor.u32 v3, v13;
	v14 =	vld [tilespmem:s19+$0xFFFFFEC0];
	_ =	sdelay $0x4  }
0x18f: {  	[tilespmem:v15+s15+$0x0] =	vst.idx.add.f32.msk $0xffff, v14  }
0x190: {  	v15 =	vor.u32 v4, v13;
	v14 =	vld [tilespmem:s19+$0xFFFFFED0];
	_ =	sdelay $0x4  }
0x191: {  	[tilespmem:v15+s15+$0x0] =	vst.idx.add.f32.msk $0xffff, v14  }
0x192: {  	v15 =	vor.u32 v5, v13;
	v14 =	vld [tilespmem:s19+$0xFFFFFEE0];
	_ =	sdelay $0x4  }
0x193: {  	[tilespmem:v15+s15+$0x0] =	vst.idx.add.f32.msk $0xffff, v14  }
0x194: {  	v15 =	vor.u32 v6, v13;
	v14 =	vld [tilespmem:s19+$0xFFFFFEF0];
	_ =	sdelay $0x4  }
0x195: {  	[tilespmem:v15+s15+$0x0] =	vst.idx.add.f32.msk $0xffff, v14  }
0x196: {  	v15 =	vor.u32 v7, v13;
	v14 =	vld [tilespmem:s19+$0xFFFFFF00];
	_ =	sdelay $0x4  }
0x197: {  	[tilespmem:v15+s15+$0x0] =	vst.idx.add.f32.msk $0xffff, v14  }
0x198: {  	v15 =	vor.u32 v8, v13;
	v14 =	vld [tilespmem:s19+$0xFFFFFF10];
	_ =	sdelay $0x4  }
0x199: {  	[tilespmem:v15+s15+$0x0] =	vst.idx.add.f32.msk $0xffff, v14  }
0x19a: {  	v15 =	vor.u32 v9, v13;
	v14 =	vld [tilespmem:s19+$0x2A0];
	_ =	sdelay $0x4  }
0x19b: {  	[tilespmem:v15+s15+$0x0] =	vst.idx.add.f32.msk $0xffff, v14  }
0x19c: {  	v15 =	vor.u32 v10, v13;
	v14 =	vld [tilespmem:s19+$0x2B0];
	_ =	sdelay $0x4  }
0x19d: {  	[tilespmem:v15+s15+$0x0] =	vst.idx.add.f32.msk $0xffff, v14  }
0x19e: {  	v15 =	vor.u32 v11, v13;
	v14 =	vld [tilespmem:s19+$0x2C0];
	_ =	sdelay $0x2  }
0x19f: {  	s31 =	sadd.s32 $0xE, s21  }
0x1a0: {  	v63 =	vmov s31  }
0x1a1: {  	[tilespmem:v15+s15+$0x0] =	vst.idx.add.f32.msk $0xffff, v14;
	v14 =	vand.u32 $0xFFFFFFFE, v63  }
0x1a2: {  	v13 =	vor.u32 v12, v13;
	v15 =	vld [tilespmem:s19+$0x2D0];
	v14 =	vbroadcast v14, $0x0;
	_ =	sdelay $0x4  }
0x1a3: {  	[tilespmem:v13+s15+$0x0] =	vst.idx.add.f32.msk $0xffff, v15  }
0x1a4: {  	v13 =	vld.idx.msk [tilespmem:v14+s14+$0x0], $0xffff;
	_ =	sdelay $0x4  }
0x1a5: {  	v14 =	vshll.u32 v13, $0x8;
	v13 =	vshll.u32 v13, $0x7  }
0x1a6: {  	v14 =	vand.u32 $0xFFFFF800, v14;
	v13 =	vand.u32 $0x380, v13  }
0x1a7: {  	v13 =	vor.u32 v13, v14  }
0x1a8: {  	v14 =	vld [tilespmem:s19+$0xFFFFFF20];
	v15 =	vor.u32 v0, v13;
	_ =	sdelay $0x4  }
0x1a9: {  	[tilespmem:v15+s15+$0x0] =	vst.idx.add.f32.msk $0xffff, v14  }
0x1aa: {  	v15 =	vor.u32 v2, v13;
	v14 =	vld [tilespmem:s19+$0xFFFFFF30];
	_ =	sdelay $0x4  }
0x1ab: {  	[tilespmem:v15+s15+$0x0] =	vst.idx.add.f32.msk $0xffff, v14  }
0x1ac: {  	v15 =	vor.u32 v3, v13;
	v14 =	vld [tilespmem:s19+$0xFFFFFF40];
	_ =	sdelay $0x4  }
0x1ad: {  	[tilespmem:v15+s15+$0x0] =	vst.idx.add.f32.msk $0xffff, v14  }
0x1ae: {  	v15 =	vor.u32 v4, v13;
	v14 =	vld [tilespmem:s19+$0xFFFFFF50];
	_ =	sdelay $0x4  }
0x1af: {  	[tilespmem:v15+s15+$0x0] =	vst.idx.add.f32.msk $0xffff, v14  }
0x1b0: {  	v15 =	vor.u32 v5, v13;
	v14 =	vld [tilespmem:s19+$0xFFFFFF60];
	_ =	sdelay $0x4  }
0x1b1: {  	[tilespmem:v15+s15+$0x0] =	vst.idx.add.f32.msk $0xffff, v14  }
0x1b2: {  	v15 =	vor.u32 v6, v13;
	v14 =	vld [tilespmem:s19+$0xFFFFFF70];
	_ =	sdelay $0x4  }
0x1b3: {  	[tilespmem:v15+s15+$0x0] =	vst.idx.add.f32.msk $0xffff, v14  }
0x1b4: {  	v15 =	vor.u32 v7, v13;
	v14 =	vld [tilespmem:s19+$0xFFFFFF80];
	_ =	sdelay $0x4  }
0x1b5: {  	[tilespmem:v15+s15+$0x0] =	vst.idx.add.f32.msk $0xffff, v14  }
0x1b6: {  	v15 =	vor.u32 v8, v13;
	v14 =	vld [tilespmem:s19+$0xFFFFFF90];
	_ =	sdelay $0x4  }
0x1b7: {  	[tilespmem:v15+s15+$0x0] =	vst.idx.add.f32.msk $0xffff, v14  }
0x1b8: {  	v15 =	vor.u32 v9, v13;
	v14 =	vld [tilespmem:s19+$0x320];
	_ =	sdelay $0x4  }
0x1b9: {  	[tilespmem:v15+s15+$0x0] =	vst.idx.add.f32.msk $0xffff, v14  }
0x1ba: {  	v15 =	vor.u32 v10, v13;
	v14 =	vld [tilespmem:s19+$0x330];
	_ =	sdelay $0x4  }
0x1bb: {  	[tilespmem:v15+s15+$0x0] =	vst.idx.add.f32.msk $0xffff, v14  }
0x1bc: {  	v15 =	vor.u32 v11, v13;
	v14 =	vld [tilespmem:s19+$0x340];
	_ =	sdelay $0x4  }
0x1bd: {  	[tilespmem:v15+s15+$0x0] =	vst.idx.add.f32.msk $0xffff, v14  }
0x1be: {  	s21 =	sadd.s32 $0xF, s21;
	v13 =	vor.u32 v12, v13;
	v14 =	vld [tilespmem:s19+$0x350]  }
0x1bf: {  	v15 =	vmov s21;
	_ =	sdelay $0x3  }
0x1c0: {  	[tilespmem:v13+s15+$0x0] =	vst.idx.add.f32.msk $0xffff, v14  }
0x1c1: {  	v13 =	vld.idx.msk [tilespmem:v15+s14+$0x0], $0xffff;
	_ =	sdelay $0x4  }
0x1c2: {  	v14 =	vshll.u32 v13, $0x8;
	v13 =	vshll.u32 v13, $0x7  }
0x1c3: {  	v14 =	vand.u32 $0xFFFFF800, v14;
	v13 =	vand.u32 $0x380, v13  }
0x1c4: {  	v13 =	vor.u32 v13, v14  }
0x1c5: {  	v14 =	vld [tilespmem:s19+$0xFFFFFFA0];
	v15 =	vor.u32 v0, v13;
	_ =	sdelay $0x4  }
0x1c6: {  	[tilespmem:v15+s15+$0x0] =	vst.idx.add.f32.msk $0xffff, v14  }
0x1c7: {  	v15 =	vor.u32 v2, v13;
	v14 =	vld [tilespmem:s19+$0xFFFFFFB0];
	_ =	sdelay $0x4  }
0x1c8: {  	[tilespmem:v15+s15+$0x0] =	vst.idx.add.f32.msk $0xffff, v14  }
0x1c9: {  	v15 =	vor.u32 v3, v13;
	v14 =	vld [tilespmem:s19+$0xFFFFFFC0];
	_ =	sdelay $0x4  }
0x1ca: {  	[tilespmem:v15+s15+$0x0] =	vst.idx.add.f32.msk $0xffff, v14  }
0x1cb: {  	v15 =	vor.u32 v4, v13;
	v14 =	vld [tilespmem:s19+$0xFFFFFFD0];
	_ =	sdelay $0x4  }
0x1cc: {  	[tilespmem:v15+s15+$0x0] =	vst.idx.add.f32.msk $0xffff, v14  }
0x1cd: {  	v15 =	vor.u32 v5, v13;
	v14 =	vld [tilespmem:s19+$0xFFFFFFE0];
	_ =	sdelay $0x4  }
0x1ce: {  	[tilespmem:v15+s15+$0x0] =	vst.idx.add.f32.msk $0xffff, v14  }
0x1cf: {  	v15 =	vor.u32 v6, v13;
	v14 =	vld [tilespmem:s19+$0xFFFFFFF0];
	_ =	sdelay $0x4  }
0x1d0: {  	[tilespmem:v15+s15+$0x0] =	vst.idx.add.f32.msk $0xffff, v14  }
0x1d1: {  	v15 =	vor.u32 v7, v13;
	v14 =	vld [tilespmem:s19+$0x0];
	_ =	sdelay $0x4  }
0x1d2: {  	[tilespmem:v15+s15+$0x0] =	vst.idx.add.f32.msk $0xffff, v14  }
0x1d3: {  	v15 =	vor.u32 v8, v13;
	v14 =	vld [tilespmem:s19+$0x10];
	_ =	sdelay $0x4  }
0x1d4: {  	[tilespmem:v15+s15+$0x0] =	vst.idx.add.f32.msk $0xffff, v14  }
0x1d5: {  	v15 =	vor.u32 v9, v13;
	v14 =	vld [tilespmem:s19+$0x3A0];
	_ =	sdelay $0x4  }
0x1d6: {  	[tilespmem:v15+s15+$0x0] =	vst.idx.add.f32.msk $0xffff, v14  }
0x1d7: {  	v15 =	vor.u32 v10, v13;
	v14 =	vld [tilespmem:s19+$0x3B0];
	_ =	sdelay $0x4  }
0x1d8: {  	[tilespmem:v15+s15+$0x0] =	vst.idx.add.f32.msk $0xffff, v14  }
0x1d9: {  	v15 =	vor.u32 v11, v13;
	v14 =	vld [tilespmem:s19+$0x3C0];
	_ =	sdelay $0x4  }
0x1da: {  	s20 =	sadd.s32 $0x8, s20;
	[tilespmem:v15+s15+$0x0] =	vst.idx.add.f32.msk $0xffff, v14  }
0x1db: {  	p1 =	slt.u32 s20, $0x48;
	v13 =	vor.u32 v12, v13;
	v14 =	vld [tilespmem:s19+$0x3D0]  }
.Ltmp1:
0x1dc: {  	_ = 	snop;
	(pc) =	sbr.rel @p1 .LBB2_6-.Ltmp1, $2  }
0x1dd: {  	_ =	sdelay $0x2  }
0x1de: {  	s19 =	sadd.s32 $0x800, s19;
	[tilespmem:v13+s15+$0x0] =	vst.idx.add.f32.msk $0xffff, v14  }
0x1df: {  	p1 =	seq.s32 s17, $0x14  }
.Ltmp2:
0x1e0: {  	_ = 	snop;
	(pc) =	sbr.rel @!p1 .LBB2_5-.Ltmp2, $2  }
0x1e1: {  	_ =	sdelay $0x2  }
0x1e2: {  	s18 =	sadd.s32 $0x50, s18;
	p0 =	por !p0, !p0  }
0x1e3: {  	s16 =	sadd.s32 $0x1, s16  }
0x1e4: {  	p0 =	sne.s32 s16, s9  }
.Ltmp3:
0x1e5: {  	_ = 	snop;
	(pc) =	sbr.rel @p0 .LBB2_1-.Ltmp3, $4  }
0x1e6: {  	[hbm4b:s8+s3] =	stream.linear.scatter [tilespmem:s15], [sflag:$0x2], $0x1000, $0x38;
	[tilespmem:$0xE480] =	vst v63  }
0x1e7: {  	_ =	swait.ge [sflag:s10], $0x1000  }
0x1e8: {  	[sflag:s10] =	ssyncset.done $0x0  }
0x1e9: {  	[sflag:s10] =	ssyncadd.s32 $0xFFFFF000  }
0x1ea: {  	_ =	sfence.sel $0x180000  }
0x1eb: {  	[bflag:$0x0] =	sbarrier.arrive $0xFFFF  }
0x1ec: {  	p0 =	sne.s32 s0, $0x0;
	_ =	strace $0x90000047  }
0x1ed: {  	s0 =	sadd.s32 @!p0 $0x100000, s1;
	[bflag:$0x2] =	sbarrier.arrive $0xFFFF  }
0x1ee: {  	[sflag:s0] =	ssyncadd.tile.s32 @!p0 $0x1;
	_ =	shalt  }
.Lfunc_end2:
_tile_overlayer_lowered:
.L_overlay_start_2:
0x1ef: {  	(tag) =	ssettag $0x2  }
0x1f0: {  	s0 =	rddreg [dreg:$0x0];
	s2 =	stileid.u32  }
0x1f1: {  	s1 =	rddreg [dreg:$0x1];
	p0 =	sne.s32 s2, $0x0  }
0x1f2: {  	s3 =	rddreg [dreg:$0x2];
	[bflag:$0x3] =	sbarrier.arrive $0xFFFF;
	s2 =	simm.s32 @!p0 $0x1C02  }
0x1f3: {  	[timem:s3], [sflag:s2] =	dma.local @!p0 [hbm:s0], s1  }
0x1f4: {  	s0 =	simm.s32 @!p0 $0x2  }
0x1f5: {  	_ =	swait.ge @!p0 [sflag:s0], s1  }
0x1f6: {  	s1 =	ssub.s32 @!p0 $0x0, s1;
	[sflag:s0] =	ssyncset.done @!p0 $0x0  }
0x1f7: {  	[sflag:s0] =	ssyncadd.s32 @!p0 s1  }
0x1f8: {  	[bflag:$0x3] =	sbarrier.arrive $0xFFFF  }
0x1f9: {  	_ =	shalt  }

</sc_bundles>
